<compile_context>
chip_gen: v7x
topology: tpu7x:2x2x1
jax: 0.10.2.dev20260603
libtpu: 0.0.44.dev20260713+nightly
codegen_flags: <defaults>
</compile_context>

<pallas_src>
import functools

import jax
import jax.numpy as jnp
from jax import lax
from jax.experimental import pallas as pl
from jax.experimental.pallas import tpu as pltpu
from jax.experimental.pallas import tpu_sc as plsc

_H = 32
_W = 32
_HW = _H * _W
_HALF = 384
_DIM = 2 * _HALF
_N = 32
_NW = 32
_CHUNK = _W * _DIM
_BATCH_STRIDE = _HW * _DIM


def _sc_add(xflat, row_table, col_flat):
    mesh = plsc.VectorSubcoreMesh(core_axis_name="c", subcore_axis_name="s")

    @functools.partial(
        pl.kernel,
        out_type=jax.ShapeDtypeStruct((_N * _BATCH_STRIDE,), jnp.float32),
        mesh=mesh,
        scratch_types=[
            pltpu.VMEM((_HALF,), jnp.float32),
            pltpu.VMEM((_W * _HALF,), jnp.float32),
            pltpu.VMEM((_CHUNK,), jnp.float32),
            pltpu.VMEM((_CHUNK,), jnp.float32),
        ],
    )
    def k(x_hbm, row_hbm, col_hbm, out_hbm, rowbuf, colbuf, pos_v, x_v):
        wid = lax.axis_index("s") * 2 + lax.axis_index("c")
        pltpu.sync_copy(row_hbm.at[wid], rowbuf)
        pltpu.sync_copy(col_hbm, colbuf)

        def build_row(j, _):
            def cp_row(cb, _):
                pos_v[pl.ds(j * _DIM + cb * 16, 16)] = rowbuf[pl.ds(cb * 16, 16)]
                return 0

            def cp_col(cb, _):
                pos_v[pl.ds(j * _DIM + _HALF + cb * 16, 16)] = (
                    colbuf[pl.ds(j * _HALF + cb * 16, 16)])
                return 0

            lax.fori_loop(0, _HALF // 16, cp_row, 0)
            lax.fori_loop(0, _HALF // 16, cp_col, 0)
            return 0

        lax.fori_loop(0, _W, build_row, 0)

        base = wid * _CHUNK

        def add_vec(i, _):
            x_v[pl.ds(i * 16, 16)] = (
                x_v[pl.ds(i * 16, 16)] + pos_v[pl.ds(i * 16, 16)])
            return 0

        for b in range(_N):
            off = b * _BATCH_STRIDE + base
            pltpu.sync_copy(x_hbm.at[pl.ds(off, _CHUNK)], x_v)
            lax.fori_loop(0, _CHUNK // 16, add_vec, 0)
            pltpu.sync_copy(x_v, out_hbm.at[pl.ds(off, _CHUNK)])

    return k(xflat, row_table, col_flat)


def kernel(x, row_table, col_table):
    n, c, h, w = x.shape
    xflat = jnp.transpose(x, (0, 2, 3, 1)).reshape(-1)
    out = _sc_add(xflat, row_table, col_table.reshape(-1))
    return jnp.transpose(out.reshape(n, h, w, c), (0, 3, 1, 2))

# --- scband reference (transcript-rebuilt; emitter-appended) ---
"""Pipeline reference for scband-positional-embedding2-d-5136780886520 (READ-ONLY COPY).

The authoritative reference and input builder live on the scoring server;
editing this copy changes nothing except your own understanding.
"""

import jax, jax.numpy as jnp
import numpy as np


def setup_inputs(seed: int = 0) -> dict:
    key = jax.random.key(seed)
    k1, k2, k3 = jax.random.split(key, 3)
    x = jax.random.normal(k1, (32, 768, 32, 32), dtype=jnp.float32)
    row_table = jax.random.normal(k2, (32, 384), dtype=jnp.float32) * 0.02
    col_table = jax.random.normal(k3, (32, 384), dtype=jnp.float32) * 0.02
    return {"x": x, "row_table": row_table, "col_table": col_table}


def reference(x, row_table, col_table):
    h, half = row_table.shape
    w = col_table.shape[0]
    rows = jnp.arange(0, h)[:, None]          # [h, 1]
    cols = jnp.arange(0, w)[None, :]          # [1, w]
    row_embeds = jnp.take(row_table, rows, axis=0)   # [h, 1, half]
    col_embeds = jnp.take(col_table, cols, axis=0)   # [1, w, half]
    pos_embed = jnp.concatenate([
        jnp.broadcast_to(row_embeds, (h, w, half)),
        jnp.broadcast_to(col_embeds, (h, w, half)),
    ], axis=2)                                       # [h, w, dim]
    pos_embed = jnp.transpose(pos_embed, (2, 0, 1))[None]   # [1, dim, h, w]
    pos_embed = jnp.broadcast_to(pos_embed, (x.shape[0], 2 * half, h, w))
    return x + pos_embed

if __name__ == "__main__":
    import jax
    _d = setup_inputs()
    print(jax.jit(kernel)(*tuple(_d.values())))

</pallas_src>

<mosaic_0001>
#map = affine_map<(d0, d1) -> (0)>
#map1 = affine_map<(d0, d1) -> (0, 0)>
module attributes {stable_mosaic.version = 14 : i64} {
  func.func @k(%arg0: i32, %arg1: i32, %arg2: memref<25165824xf32, #tpu.memory_space<hbm>>, %arg3: memref<32x384xf32, #tpu.memory_space<hbm>>, %arg4: memref<12288xf32, #tpu.memory_space<hbm>>, %arg5: memref<25165824xf32, #tpu.memory_space<hbm>>, %arg6: memref<384xf32, #tpu.memory_space<vmem>>, %arg7: memref<12288xf32, #tpu.memory_space<vmem>>, %arg8: memref<24576xf32, #tpu.memory_space<vmem>>, %arg9: memref<24576xf32, #tpu.memory_space<vmem>>) attributes {dimension_semantics = [#tpu.dimension_semantics<core_parallel>, #tpu.dimension_semantics<subcore_parallel>], iteration_bounds = array<i64: 2, 16>, scalar_prefetch = 0 : i64, scratch_operands = 4 : i64, tpu.core_type = #tpu.core_type<sc_vector_subcore>, window_params = [{transform_indices = #map}, {transform_indices = #map1}, {transform_indices = #map}, {transform_indices = #map}]} {
    %mul3A = arith.constant 2 : i32
    %mul3A_0 = arith.muli %arg1, %mul3A : i32
    %add3A = arith.addi %mul3A_0, %arg0 : i32
    "tpu.region"() ({
      %run_scoped3A = tpu.sem_alloc : memref<!tpu.dma_semaphore, #tpu.memory_space<semaphore_mem>>
      %dma_start3A = arith.constant 0 : i32
      %dma_start3A_297 = tpu.memref_slice %arg3[%add3A, %dma_start3A] : memref<32x384xf32, #tpu.memory_space<hbm>> -> memref<1x384xf32, #tpu.memory_space<hbm>>
      %dma_start3A_298 = tpu.memref_squeeze %dma_start3A_297 : memref<1x384xf32, #tpu.memory_space<hbm>> -> memref<384xf32, #tpu.memory_space<hbm>>
      %dma_start3A_299 = arith.constant 0 : i32
      %dma_start3A_300 = tpu.memref_slice %arg3[%add3A, %dma_start3A_299] : memref<32x384xf32, #tpu.memory_space<hbm>> -> memref<1x384xf32, #tpu.memory_space<hbm>>
      %dma_start3A_301 = tpu.memref_squeeze %dma_start3A_300 : memref<1x384xf32, #tpu.memory_space<hbm>> -> memref<384xf32, #tpu.memory_space<hbm>>
      tpu.enqueue_dma source(%dma_start3A_301 : memref<384xf32, #tpu.memory_space<hbm>>) target(%arg6 : memref<384xf32, #tpu.memory_space<vmem>>) target_semaphore(%run_scoped3A : memref<!tpu.dma_semaphore, #tpu.memory_space<semaphore_mem>>)
      %dma_wait3A = arith.constant 0 : i32
      %dma_wait3A_302 = tpu.memref_slice %arg3[%add3A, %dma_wait3A] : memref<32x384xf32, #tpu.memory_space<hbm>> -> memref<1x384xf32, #tpu.memory_space<hbm>>
      %dma_wait3A_303 = tpu.memref_squeeze %dma_wait3A_302 : memref<1x384xf32, #tpu.memory_space<hbm>> -> memref<384xf32, #tpu.memory_space<hbm>>
      %dma_wait3A_304 = arith.constant 0 : i32
      %dma_wait3A_305 = tpu.memref_slice %arg3[%add3A, %dma_wait3A_304] : memref<32x384xf32, #tpu.memory_space<hbm>> -> memref<1x384xf32, #tpu.memory_space<hbm>>
      %dma_wait3A_306 = tpu.memref_squeeze %dma_wait3A_305 : memref<1x384xf32, #tpu.memory_space<hbm>> -> memref<384xf32, #tpu.memory_space<hbm>>
      tpu.wait_dma2 semaphore(%run_scoped3A : memref<!tpu.dma_semaphore, #tpu.memory_space<semaphore_mem>>) src(%dma_wait3A_306 : memref<384xf32, #tpu.memory_space<hbm>>) dst(%arg6 : memref<384xf32, #tpu.memory_space<vmem>>)
      tpu.yield
    }) : () -> ()
    "tpu.region"() ({
      %run_scoped3A = tpu.sem_alloc : memref<!tpu.dma_semaphore, #tpu.memory_space<semaphore_mem>>
      tpu.enqueue_dma source(%arg4 : memref<12288xf32, #tpu.memory_space<hbm>>) target(%arg7 : memref<12288xf32, #tpu.memory_space<vmem>>) target_semaphore(%run_scoped3A : memref<!tpu.dma_semaphore, #tpu.memory_space<semaphore_mem>>)
      tpu.wait_dma2 semaphore(%run_scoped3A : memref<!tpu.dma_semaphore, #tpu.memory_space<semaphore_mem>>) src(%arg4 : memref<12288xf32, #tpu.memory_space<hbm>>) dst(%arg7 : memref<12288xf32, #tpu.memory_space<vmem>>)
      tpu.yield
    }) : () -> ()
    %scan3A = arith.constant 0 : i32
    %scan3A_1 = arith.constant 0 : i32
    %scan3A_2 = arith.constant 32 : i32
    %scan3A_3 = arith.addi %scan3A_1, %scan3A_2 : i32
    %scan3A_4 = arith.constant 1 : i32
    %scan3A_5 = scf.for %scan3A_297 = %scan3A_1 to %scan3A_3 step %scan3A_4 iter_args(%scan3A_298 = %scan3A) -> (i32)  : i32 {
      %scan3A_299 = arith.constant 0 : i32
      %scan3A_300 = arith.constant 0 : i32
      %scan3A_301 = arith.constant 24 : i32
      %scan3A_302 = arith.addi %scan3A_300, %scan3A_301 : i32
      %scan3A_303 = arith.constant 1 : i32
      %scan3A_304 = scf.for %scan3A_314 = %scan3A_300 to %scan3A_302 step %scan3A_303 iter_args(%scan3A_315 = %scan3A_299) -> (i32)  : i32 {
        %mul3A_316 = arith.constant 16 : i32
        %mul3A_317 = arith.muli %scan3A_314, %mul3A_316 : i32
        %get3A = arith.index_cast %mul3A_317 : i32 to index
        %get3A_318 = tpu.vector_load %arg6[%get3A] {strides = array<i32>} : memref<384xf32, #tpu.memory_space<vmem>>, vector<16xf32>,
        %get3A_319 = vector.shape_cast %get3A_318 : vector<16xf32> to vector<16xf32>
        %mul3A_320 = arith.constant 768 : i32
        %mul3A_321 = arith.muli %scan3A_297, %mul3A_320 : i32
        %mul3A_322 = arith.constant 16 : i32
        %mul3A_323 = arith.muli %scan3A_314, %mul3A_322 : i32
        %add3A_324 = arith.addi %mul3A_321, %mul3A_323 : i32
        %swap3A = arith.index_cast %add3A_324 : i32 to index
        %swap3A_325 = tpu.vector_load %arg8[%swap3A] {strides = array<i32>} : memref<24576xf32, #tpu.memory_space<vmem>>, vector<16xf32>,
        %swap3A_326 = vector.shape_cast %swap3A_325 : vector<16xf32> to vector<16xf32>
        %swap3A_327 = vector.shape_cast %get3A_319 : vector<16xf32> to vector<16xf32>
        tpu.vector_store %arg8[%swap3A], %swap3A_327 {strides = array<i32>} : memref<24576xf32, #tpu.memory_space<vmem>>, vector<16xf32>,
        %scan3A_328 = arith.constant 0 : i32
        scf.yield %scan3A_328 : i32
      }
      %scan3A_305 = arith.constant 24 : i32
      %scan3A_306 = arith.constant 0 : i32
      %scan3A_307 = arith.constant 0 : i32
      %scan3A_308 = arith.constant 24 : i32
      %scan3A_309 = arith.addi %scan3A_307, %scan3A_308 : i32
      %scan3A_310 = arith.constant 1 : i32
      %scan3A_311 = scf.for %scan3A_314 = %scan3A_307 to %scan3A_309 step %scan3A_310 iter_args(%scan3A_315 = %scan3A_306) -> (i32)  : i32 {
        %mul3A_316 = arith.constant 384 : i32
        %mul3A_317 = arith.muli %scan3A_297, %mul3A_316 : i32
        %mul3A_318 = arith.constant 16 : i32
        %mul3A_319 = arith.muli %scan3A_314, %mul3A_318 : i32
        %add3A_320 = arith.addi %mul3A_317, %mul3A_319 : i32
        %get3A = arith.index_cast %add3A_320 : i32 to index
        %get3A_321 = tpu.vector_load %arg7[%get3A] {strides = array<i32>} : memref<12288xf32, #tpu.memory_space<vmem>>, vector<16xf32>,
        %get3A_322 = vector.shape_cast %get3A_321 : vector<16xf32> to vector<16xf32>
        %mul3A_323 = arith.constant 768 : i32
        %mul3A_324 = arith.muli %scan3A_297, %mul3A_323 : i32
        %add3A_325 = arith.constant 384 : i32
        %add3A_326 = arith.addi %mul3A_324, %add3A_325 : i32
        %mul3A_327 = arith.constant 16 : i32
        %mul3A_328 = arith.muli %scan3A_314, %mul3A_327 : i32
        %add3A_329 = arith.addi %add3A_326, %mul3A_328 : i32
        %swap3A = arith.index_cast %add3A_329 : i32 to index
        %swap3A_330 = tpu.vector_load %arg8[%swap3A] {strides = array<i32>} : memref<24576xf32, #tpu.memory_space<vmem>>, vector<16xf32>,
        %swap3A_331 = vector.shape_cast %swap3A_330 : vector<16xf32> to vector<16xf32>
        %swap3A_332 = vector.shape_cast %get3A_322 : vector<16xf32> to vector<16xf32>
        tpu.vector_store %arg8[%swap3A], %swap3A_332 {strides = array<i32>} : memref<24576xf32, #tpu.memory_space<vmem>>, vector<16xf32>,
        %scan3A_333 = arith.constant 0 : i32
        scf.yield %scan3A_333 : i32
      }
      %scan3A_312 = arith.constant 24 : i32
      %scan3A_313 = arith.constant 0 : i32
      scf.yield %scan3A_313 : i32
    }
    %scan3A_6 = arith.constant 32 : i32
    %mul3A_7 = arith.constant 24576 : i32
    %mul3A_8 = arith.muli %add3A, %mul3A_7 : i32
    %add3A_9 = arith.constant 0 : i32
    %add3A_10 = arith.addi %add3A_9, %mul3A_8 : i32
    "tpu.region"() ({
      %run_scoped3A = tpu.sem_alloc : memref<!tpu.dma_semaphore, #tpu.memory_space<semaphore_mem>>
      %dma_start3A = tpu.memref_slice %arg2[%add3A_10] : memref<25165824xf32, #tpu.memory_space<hbm>> -> memref<24576xf32, #tpu.memory_space<hbm>>
      %dma_start3A_297 = tpu.memref_slice %arg2[%add3A_10] : memref<25165824xf32, #tpu.memory_space<hbm>> -> memref<24576xf32, #tpu.memory_space<hbm>>
      tpu.enqueue_dma source(%dma_start3A_297 : memref<24576xf32, #tpu.memory_space<hbm>>) target(%arg9 : memref<24576xf32, #tpu.memory_space<vmem>>) target_semaphore(%run_scoped3A : memref<!tpu.dma_semaphore, #tpu.memory_space<semaphore_mem>>)
      %dma_wait3A = tpu.memref_slice %arg2[%add3A_10] : memref<25165824xf32, #tpu.memory_space<hbm>> -> memref<24576xf32, #tpu.memory_space<hbm>>
      %dma_wait3A_298 = tpu.memref_slice %arg2[%add3A_10] : memref<25165824xf32, #tpu.memory_space<hbm>> -> memref<24576xf32, #tpu.memory_space<hbm>>
      tpu.wait_dma2 semaphore(%run_scoped3A : memref<!tpu.dma_semaphore, #tpu.memory_space<semaphore_mem>>) src(%dma_wait3A_298 : memref<24576xf32, #tpu.memory_space<hbm>>) dst(%arg9 : memref<24576xf32, #tpu.memory_space<vmem>>)
      tpu.yield
    }) : () -> ()
    %scan3A_11 = arith.constant 0 : i32
    %scan3A_12 = arith.constant 0 : i32
    %scan3A_13 = arith.constant 1536 : i32
    %scan3A_14 = arith.addi %scan3A_12, %scan3A_13 : i32
    %scan3A_15 = arith.constant 1 : i32
    %scan3A_16 = scf.for %scan3A_297 = %scan3A_12 to %scan3A_14 step %scan3A_15 iter_args(%scan3A_298 = %scan3A_11) -> (i32)  : i32 {
      %mul3A_299 = arith.constant 16 : i32
      %mul3A_300 = arith.muli %scan3A_297, %mul3A_299 : i32
      %get3A = arith.index_cast %mul3A_300 : i32 to index
      %get3A_301 = tpu.vector_load %arg9[%get3A] {strides = array<i32>} : memref<24576xf32, #tpu.memory_space<vmem>>, vector<16xf32>,
      %get3A_302 = vector.shape_cast %get3A_301 : vector<16xf32> to vector<16xf32>
      %mul3A_303 = arith.constant 16 : i32
      %mul3A_304 = arith.muli %scan3A_297, %mul3A_303 : i32
      %get3A_305 = arith.index_cast %mul3A_304 : i32 to index
      %get3A_306 = tpu.vector_load %arg8[%get3A_305] {strides = array<i32>} : memref<24576xf32, #tpu.memory_space<vmem>>, vector<16xf32>,
      %get3A_307 = vector.shape_cast %get3A_306 : vector<16xf32> to vector<16xf32>
      %add3A_308 = arith.addf %get3A_302, %get3A_307 : vector<16xf32>
      %mul3A_309 = arith.constant 16 : i32
      %mul3A_310 = arith.muli %scan3A_297, %mul3A_309 : i32
      %swap3A = arith.index_cast %mul3A_310 : i32 to index
      %swap3A_311 = tpu.vector_load %arg9[%swap3A] {strides = array<i32>} : memref<24576xf32, #tpu.memory_space<vmem>>, vector<16xf32>,
      %swap3A_312 = vector.shape_cast %swap3A_311 : vector<16xf32> to vector<16xf32>
      %swap3A_313 = vector.shape_cast %add3A_308 : vector<16xf32> to vector<16xf32>
      tpu.vector_store %arg9[%swap3A], %swap3A_313 {strides = array<i32>} : memref<24576xf32, #tpu.memory_space<vmem>>, vector<16xf32>,
      %scan3A_314 = arith.constant 0 : i32
      scf.yield %scan3A_314 : i32
    }
    %scan3A_17 = arith.constant 1536 : i32
    "tpu.region"() ({
      %run_scoped3A = tpu.sem_alloc : memref<!tpu.dma_semaphore, #tpu.memory_space<semaphore_mem>>
      %dma_start3A = tpu.memref_slice %arg5[%add3A_10] : memref<25165824xf32, #tpu.memory_space<hbm>> -> memref<24576xf32, #tpu.memory_space<hbm>>
      %dma_start3A_297 = tpu.memref_slice %arg5[%add3A_10] : memref<25165824xf32, #tpu.memory_space<hbm>> -> memref<24576xf32, #tpu.memory_space<hbm>>
      tpu.enqueue_dma source(%arg9 : memref<24576xf32, #tpu.memory_space<vmem>>) target(%dma_start3A_297 : memref<24576xf32, #tpu.memory_space<hbm>>) target_semaphore(%run_scoped3A : memref<!tpu.dma_semaphore, #tpu.memory_space<semaphore_mem>>)
      %dma_wait3A = tpu.memref_slice %arg5[%add3A_10] : memref<25165824xf32, #tpu.memory_space<hbm>> -> memref<24576xf32, #tpu.memory_space<hbm>>
      %dma_wait3A_298 = tpu.memref_slice %arg5[%add3A_10] : memref<25165824xf32, #tpu.memory_space<hbm>> -> memref<24576xf32, #tpu.memory_space<hbm>>
      tpu.wait_dma2 semaphore(%run_scoped3A : memref<!tpu.dma_semaphore, #tpu.memory_space<semaphore_mem>>) src(%arg9 : memref<24576xf32, #tpu.memory_space<vmem>>) dst(%dma_wait3A_298 : memref<24576xf32, #tpu.memory_space<hbm>>)
      tpu.yield
    }) : () -> ()
    %add3A_18 = arith.constant 786432 : i32
    %add3A_19 = arith.addi %add3A_18, %mul3A_8 : i32
    "tpu.region"() ({
      %run_scoped3A = tpu.sem_alloc : memref<!tpu.dma_semaphore, #tpu.memory_space<semaphore_mem>>
      %dma_start3A = tpu.memref_slice %arg2[%add3A_19] : memref<25165824xf32, #tpu.memory_space<hbm>> -> memref<24576xf32, #tpu.memory_space<hbm>>
      %dma_start3A_297 = tpu.memref_slice %arg2[%add3A_19] : memref<25165824xf32, #tpu.memory_space<hbm>> -> memref<24576xf32, #tpu.memory_space<hbm>>
      tpu.enqueue_dma source(%dma_start3A_297 : memref<24576xf32, #tpu.memory_space<hbm>>) target(%arg9 : memref<24576xf32, #tpu.memory_space<vmem>>) target_semaphore(%run_scoped3A : memref<!tpu.dma_semaphore, #tpu.memory_space<semaphore_mem>>)
      %dma_wait3A = tpu.memref_slice %arg2[%add3A_19] : memref<25165824xf32, #tpu.memory_space<hbm>> -> memref<24576xf32, #tpu.memory_space<hbm>>
      %dma_wait3A_298 = tpu.memref_slice %arg2[%add3A_19] : memref<25165824xf32, #tpu.memory_space<hbm>> -> memref<24576xf32, #tpu.memory_space<hbm>>
      tpu.wait_dma2 semaphore(%run_scoped3A : memref<!tpu.dma_semaphore, #tpu.memory_space<semaphore_mem>>) src(%dma_wait3A_298 : memref<24576xf32, #tpu.memory_space<hbm>>) dst(%arg9 : memref<24576xf32, #tpu.memory_space<vmem>>)
      tpu.yield
    }) : () -> ()
    %scan3A_20 = arith.constant 0 : i32
    %scan3A_21 = arith.constant 0 : i32
    %scan3A_22 = arith.constant 1536 : i32
    %scan3A_23 = arith.addi %scan3A_21, %scan3A_22 : i32
    %scan3A_24 = arith.constant 1 : i32
    %scan3A_25 = scf.for %scan3A_297 = %scan3A_21 to %scan3A_23 step %scan3A_24 iter_args(%scan3A_298 = %scan3A_20) -> (i32)  : i32 {
      %mul3A_299 = arith.constant 16 : i32
      %mul3A_300 = arith.muli %scan3A_297, %mul3A_299 : i32
      %get3A = arith.index_cast %mul3A_300 : i32 to index
      %get3A_301 = tpu.vector_load %arg9[%get3A] {strides = array<i32>} : memref<24576xf32, #tpu.memory_space<vmem>>, vector<16xf32>,
      %get3A_302 = vector.shape_cast %get3A_301 : vector<16xf32> to vector<16xf32>
      %mul3A_303 = arith.constant 16 : i32
      %mul3A_304 = arith.muli %scan3A_297, %mul3A_303 : i32
      %get3A_305 = arith.index_cast %mul3A_304 : i32 to index
      %get3A_306 = tpu.vector_load %arg8[%get3A_305] {strides = array<i32>} : memref<24576xf32, #tpu.memory_space<vmem>>, vector<16xf32>,
      %get3A_307 = vector.shape_cast %get3A_306 : vector<16xf32> to vector<16xf32>
      %add3A_308 = arith.addf %get3A_302, %get3A_307 : vector<16xf32>
      %mul3A_309 = arith.constant 16 : i32
      %mul3A_310 = arith.muli %scan3A_297, %mul3A_309 : i32
      %swap3A = arith.index_cast %mul3A_310 : i32 to index
      %swap3A_311 = tpu.vector_load %arg9[%swap3A] {strides = array<i32>} : memref<24576xf32, #tpu.memory_space<vmem>>, vector<16xf32>,
      %swap3A_312 = vector.shape_cast %swap3A_311 : vector<16xf32> to vector<16xf32>
      %swap3A_313 = vector.shape_cast %add3A_308 : vector<16xf32> to vector<16xf32>
      tpu.vector_store %arg9[%swap3A], %swap3A_313 {strides = array<i32>} : memref<24576xf32, #tpu.memory_space<vmem>>, vector<16xf32>,
      %scan3A_314 = arith.constant 0 : i32
      scf.yield %scan3A_314 : i32
    }
    %scan3A_26 = arith.constant 1536 : i32
    "tpu.region"() ({
      %run_scoped3A = tpu.sem_alloc : memref<!tpu.dma_semaphore, #tpu.memory_space<semaphore_mem>>
      %dma_start3A = tpu.memref_slice %arg5[%add3A_19] : memref<25165824xf32, #tpu.memory_space<hbm>> -> memref<24576xf32, #tpu.memory_space<hbm>>
      %dma_start3A_297 = tpu.memref_slice %arg5[%add3A_19] : memref<25165824xf32, #tpu.memory_space<hbm>> -> memref<24576xf32, #tpu.memory_space<hbm>>
      tpu.enqueue_dma source(%arg9 : memref<24576xf32, #tpu.memory_space<vmem>>) target(%dma_start3A_297 : memref<24576xf32, #tpu.memory_space<hbm>>) target_semaphore(%run_scoped3A : memref<!tpu.dma_semaphore, #tpu.memory_space<semaphore_mem>>)
      %dma_wait3A = tpu.memref_slice %arg5[%add3A_19] : memref<25165824xf32, #tpu.memory_space<hbm>> -> memref<24576xf32, #tpu.memory_space<hbm>>
      %dma_wait3A_298 = tpu.memref_slice %arg5[%add3A_19] : memref<25165824xf32, #tpu.memory_space<hbm>> -> memref<24576xf32, #tpu.memory_space<hbm>>
      tpu.wait_dma2 semaphore(%run_scoped3A : memref<!tpu.dma_semaphore, #tpu.memory_space<semaphore_mem>>) src(%arg9 : memref<24576xf32, #tpu.memory_space<vmem>>) dst(%dma_wait3A_298 : memref<24576xf32, #tpu.memory_space<hbm>>)
      tpu.yield
    }) : () -> ()
    %add3A_27 = arith.constant 1572864 : i32
    %add3A_28 = arith.addi %add3A_27, %mul3A_8 : i32
    "tpu.region"() ({
      %run_scoped3A = tpu.sem_alloc : memref<!tpu.dma_semaphore, #tpu.memory_space<semaphore_mem>>
      %dma_start3A = tpu.memref_slice %arg2[%add3A_28] : memref<25165824xf32, #tpu.memory_space<hbm>> -> memref<24576xf32, #tpu.memory_space<hbm>>
      %dma_start3A_297 = tpu.memref_slice %arg2[%add3A_28] : memref<25165824xf32, #tpu.memory_space<hbm>> -> memref<24576xf32, #tpu.memory_space<hbm>>
      tpu.enqueue_dma source(%dma_start3A_297 : memref<24576xf32, #tpu.memory_space<hbm>>) target(%arg9 : memref<24576xf32, #tpu.memory_space<vmem>>) target_semaphore(%run_scoped3A : memref<!tpu.dma_semaphore, #tpu.memory_space<semaphore_mem>>)
      %dma_wait3A = tpu.memref_slice %arg2[%add3A_28] : memref<25165824xf32, #tpu.memory_space<hbm>> -> memref<24576xf32, #tpu.memory_space<hbm>>
      %dma_wait3A_298 = tpu.memref_slice %arg2[%add3A_28] : memref<25165824xf32, #tpu.memory_space<hbm>> -> memref<24576xf32, #tpu.memory_space<hbm>>
      tpu.wait_dma2 semaphore(%run_scoped3A : memref<!tpu.dma_semaphore, #tpu.memory_space<semaphore_mem>>) src(%dma_wait3A_298 : memref<24576xf32, #tpu.memory_space<hbm>>) dst(%arg9 : memref<24576xf32, #tpu.memory_space<vmem>>)
      tpu.yield
    }) : () -> ()
    %scan3A_29 = arith.constant 0 : i32
    %scan3A_30 = arith.constant 0 : i32
    %scan3A_31 = arith.constant 1536 : i32
    %scan3A_32 = arith.addi %scan3A_30, %scan3A_31 : i32
    %scan3A_33 = arith.constant 1 : i32
    %scan3A_34 = scf.for %scan3A_297 = %scan3A_30 to %scan3A_32 step %scan3A_33 iter_args(%scan3A_298 = %scan3A_29) -> (i32)  : i32 {
      %mul3A_299 = arith.constant 16 : i32
      %mul3A_300 = arith.muli %scan3A_297, %mul3A_299 : i32
      %get3A = arith.index_cast %mul3A_300 : i32 to index
      %get3A_301 = tpu.vector_load %arg9[%get3A] {strides = array<i32>} : memref<24576xf32, #tpu.memory_space<vmem>>, vector<16xf32>,
      %get3A_302 = vector.shape_cast %get3A_301 : vector<16xf32> to vector<16xf32>
      %mul3A_303 = arith.constant 16 : i32
      %mul3A_304 = arith.muli %scan3A_297, %mul3A_303 : i32
      %get3A_305 = arith.index_cast %mul3A_304 : i32 to index
      %get3A_306 = tpu.vector_load %arg8[%get3A_305] {strides = array<i32>} : memref<24576xf32, #tpu.memory_space<vmem>>, vector<16xf32>,
      %get3A_307 = vector.shape_cast %get3A_306 : vector<16xf32> to vector<16xf32>
      %add3A_308 = arith.addf %get3A_302, %get3A_307 : vector<16xf32>
      %mul3A_309 = arith.constant 16 : i32
      %mul3A_310 = arith.muli %scan3A_297, %mul3A_309 : i32
      %swap3A = arith.index_cast %mul3A_310 : i32 to index
      %swap3A_311 = tpu.vector_load %arg9[%swap3A] {strides = array<i32>} : memref<24576xf32, #tpu.memory_space<vmem>>, vector<16xf32>,
      %swap3A_312 = vector.shape_cast %swap3A_311 : vector<16xf32> to vector<16xf32>
      %swap3A_313 = vector.shape_cast %add3A_308 : vector<16xf32> to vector<16xf32>
      tpu.vector_store %arg9[%swap3A], %swap3A_313 {strides = array<i32>} : memref<24576xf32, #tpu.memory_space<vmem>>, vector<16xf32>,
      %scan3A_314 = arith.constant 0 : i32
      scf.yield %scan3A_314 : i32
    }
    %scan3A_35 = arith.constant 1536 : i32
    "tpu.region"() ({
      %run_scoped3A = tpu.sem_alloc : memref<!tpu.dma_semaphore, #tpu.memory_space<semaphore_mem>>
      %dma_start3A = tpu.memref_slice %arg5[%add3A_28] : memref<25165824xf32, #tpu.memory_space<hbm>> -> memref<24576xf32, #tpu.memory_space<hbm>>
      %dma_start3A_297 = tpu.memref_slice %arg5[%add3A_28] : memref<25165824xf32, #tpu.memory_space<hbm>> -> memref<24576xf32, #tpu.memory_space<hbm>>
      tpu.enqueue_dma source(%arg9 : memref<24576xf32, #tpu.memory_space<vmem>>) target(%dma_start3A_297 : memref<24576xf32, #tpu.memory_space<hbm>>) target_semaphore(%run_scoped3A : memref<!tpu.dma_semaphore, #tpu.memory_space<semaphore_mem>>)
      %dma_wait3A = tpu.memref_slice %arg5[%add3A_28] : memref<25165824xf32, #tpu.memory_space<hbm>> -> memref<24576xf32, #tpu.memory_space<hbm>>
      %dma_wait3A_298 = tpu.memref_slice %arg5[%add3A_28] : memref<25165824xf32, #tpu.memory_space<hbm>> -> memref<24576xf32, #tpu.memory_space<hbm>>
      tpu.wait_dma2 semaphore(%run_scoped3A : memref<!tpu.dma_semaphore, #tpu.memory_space<semaphore_mem>>) src(%arg9 : memref<24576xf32, #tpu.memory_space<vmem>>) dst(%dma_wait3A_298 : memref<24576xf32, #tpu.memory_space<hbm>>)
      tpu.yield
    }) : () -> ()
    %add3A_36 = arith.constant 2359296 : i32
    %add3A_37 = arith.addi %add3A_36, %mul3A_8 : i32
    "tpu.region"() ({
      %run_scoped3A = tpu.sem_alloc : memref<!tpu.dma_semaphore, #tpu.memory_space<semaphore_mem>>
      %dma_start3A = tpu.memref_slice %arg2[%add3A_37] : memref<25165824xf32, #tpu.memory_space<hbm>> -> memref<24576xf32, #tpu.memory_space<hbm>>
      %dma_start3A_297 = tpu.memref_slice %arg2[%add3A_37] : memref<25165824xf32, #tpu.memory_space<hbm>> -> memref<24576xf32, #tpu.memory_space<hbm>>
      tpu.enqueue_dma source(%dma_start3A_297 : memref<24576xf32, #tpu.memory_space<hbm>>) target(%arg9 : memref<24576xf32, #tpu.memory_space<vmem>>) target_semaphore(%run_scoped3A : memref<!tpu.dma_semaphore, #tpu.memory_space<semaphore_mem>>)
      %dma_wait3A = tpu.memref_slice %arg2[%add3A_37] : memref<25165824xf32, #tpu.memory_space<hbm>> -> memref<24576xf32, #tpu.memory_space<hbm>>
      %dma_wait3A_298 = tpu.memref_slice %arg2[%add3A_37] : memref<25165824xf32, #tpu.memory_space<hbm>> -> memref<24576xf32, #tpu.memory_space<hbm>>
      tpu.wait_dma2 semaphore(%run_scoped3A : memref<!tpu.dma_semaphore, #tpu.memory_space<semaphore_mem>>) src(%dma_wait3A_298 : memref<24576xf32, #tpu.memory_space<hbm>>) dst(%arg9 : memref<24576xf32, #tpu.memory_space<vmem>>)
      tpu.yield
    }) : () -> ()
    %scan3A_38 = arith.constant 0 : i32
    %scan3A_39 = arith.constant 0 : i32
    %scan3A_40 = arith.constant 1536 : i32
    %scan3A_41 = arith.addi %scan3A_39, %scan3A_40 : i32
    %scan3A_42 = arith.constant 1 : i32
    %scan3A_43 = scf.for %scan3A_297 = %scan3A_39 to %scan3A_41 step %scan3A_42 iter_args(%scan3A_298 = %scan3A_38) -> (i32)  : i32 {
      %mul3A_299 = arith.constant 16 : i32
      %mul3A_300 = arith.muli %scan3A_297, %mul3A_299 : i32
      %get3A = arith.index_cast %mul3A_300 : i32 to index
      %get3A_301 = tpu.vector_load %arg9[%get3A] {strides = array<i32>} : memref<24576xf32, #tpu.memory_space<vmem>>, vector<16xf32>,
      %get3A_302 = vector.shape_cast %get3A_301 : vector<16xf32> to vector<16xf32>
      %mul3A_303 = arith.constant 16 : i32
      %mul3A_304 = arith.muli %scan3A_297, %mul3A_303 : i32
      %get3A_305 = arith.index_cast %mul3A_304 : i32 to index
      %get3A_306 = tpu.vector_load %arg8[%get3A_305] {strides = array<i32>} : memref<24576xf32, #tpu.memory_space<vmem>>, vector<16xf32>,
      %get3A_307 = vector.shape_cast %get3A_306 : vector<16xf32> to vector<16xf32>
      %add3A_308 = arith.addf %get3A_302, %get3A_307 : vector<16xf32>
      %mul3A_309 = arith.constant 16 : i32
      %mul3A_310 = arith.muli %scan3A_297, %mul3A_309 : i32
      %swap3A = arith.index_cast %mul3A_310 : i32 to index
      %swap3A_311 = tpu.vector_load %arg9[%swap3A] {strides = array<i32>} : memref<24576xf32, #tpu.memory_space<vmem>>, vector<16xf32>,
      %swap3A_312 = vector.shape_cast %swap3A_311 : vector<16xf32> to vector<16xf32>
      %swap3A_313 = vector.shape_cast %add3A_308 : vector<16xf32> to vector<16xf32>
      tpu.vector_store %arg9[%swap3A], %swap3A_313 {strides = array<i32>} : memref<24576xf32, #tpu.memory_space<vmem>>, vector<16xf32>,
      %scan3A_314 = arith.constant 0 : i32
      scf.yield %scan3A_314 : i32
    }
    %scan3A_44 = arith.constant 1536 : i32
    "tpu.region"() ({
      %run_scoped3A = tpu.sem_alloc : memref<!tpu.dma_semaphore, #tpu.memory_space<semaphore_mem>>
      %dma_start3A = tpu.memref_slice %arg5[%add3A_37] : memref<25165824xf32, #tpu.memory_space<hbm>> -> memref<24576xf32, #tpu.memory_space<hbm>>
      %dma_start3A_297 = tpu.memref_slice %arg5[%add3A_37] : memref<25165824xf32, #tpu.memory_space<hbm>> -> memref<24576xf32, #tpu.memory_space<hbm>>
      tpu.enqueue_dma source(%arg9 : memref<24576xf32, #tpu.memory_space<vmem>>) target(%dma_start3A_297 : memref<24576xf32, #tpu.memory_space<hbm>>) target_semaphore(%run_scoped3A : memref<!tpu.dma_semaphore, #tpu.memory_space<semaphore_mem>>)
      %dma_wait3A = tpu.memref_slice %arg5[%add3A_37] : memref<25165824xf32, #tpu.memory_space<hbm>> -> memref<24576xf32, #tpu.memory_space<hbm>>
      %dma_wait3A_298 = tpu.memref_slice %arg5[%add3A_37] : memref<25165824xf32, #tpu.memory_space<hbm>> -> memref<24576xf32, #tpu.memory_space<hbm>>
      tpu.wait_dma2 semaphore(%run_scoped3A : memref<!tpu.dma_semaphore, #tpu.memory_space<semaphore_mem>>) src(%arg9 : memref<24576xf32, #tpu.memory_space<vmem>>) dst(%dma_wait3A_298 : memref<24576xf32, #tpu.memory_space<hbm>>)
      tpu.yield
    }) : () -> ()
    %add3A_45 = arith.constant 3145728 : i32
    %add3A_46 = arith.addi %add3A_45, %mul3A_8 : i32
    "tpu.region"() ({
      %run_scoped3A = tpu.sem_alloc : memref<!tpu.dma_semaphore, #tpu.memory_space<semaphore_mem>>
      %dma_start3A = tpu.memref_slice %arg2[%add3A_46] : memref<25165824xf32, #tpu.memory_space<hbm>> -> memref<24576xf32, #tpu.memory_space<hbm>>
      %dma_start3A_297 = tpu.memref_slice %arg2[%add3A_46] : memref<25165824xf32, #tpu.memory_space<hbm>> -> memref<24576xf32, #tpu.memory_space<hbm>>
      tpu.enqueue_dma source(%dma_start3A_297 : memref<24576xf32, #tpu.memory_space<hbm>>) target(%arg9 : memref<24576xf32, #tpu.memory_space<vmem>>) target_semaphore(%run_scoped3A : memref<!tpu.dma_semaphore, #tpu.memory_space<semaphore_mem>>)
      %dma_wait3A = tpu.memref_slice %arg2[%add3A_46] : memref<25165824xf32, #tpu.memory_space<hbm>> -> memref<24576xf32, #tpu.memory_space<hbm>>
      %dma_wait3A_298 = tpu.memref_slice %arg2[%add3A_46] : memref<25165824xf32, #tpu.memory_space<hbm>> -> memref<24576xf32, #tpu.memory_space<hbm>>
      tpu.wait_dma2 semaphore(%run_scoped3A : memref<!tpu.dma_semaphore, #tpu.memory_space<semaphore_mem>>) src(%dma_wait3A_298 : memref<24576xf32, #tpu.memory_space<hbm>>) dst(%arg9 : memref<24576xf32, #tpu.memory_space<vmem>>)
      tpu.yield
    }) : () -> ()
    %scan3A_47 = arith.constant 0 : i32
    %scan3A_48 = arith.constant 0 : i32
    %scan3A_49 = arith.constant 1536 : i32
    %scan3A_50 = arith.addi %scan3A_48, %scan3A_49 : i32
    %scan3A_51 = arith.constant 1 : i32
    %scan3A_52 = scf.for %scan3A_297 = %scan3A_48 to %scan3A_50 step %scan3A_51 iter_args(%scan3A_298 = %scan3A_47) -> (i32)  : i32 {
      %mul3A_299 = arith.constant 16 : i32
      %mul3A_300 = arith.muli %scan3A_297, %mul3A_299 : i32
      %get3A = arith.index_cast %mul3A_300 : i32 to index
      %get3A_301 = tpu.vector_load %arg9[%get3A] {strides = array<i32>} : memref<24576xf32, #tpu.memory_space<vmem>>, vector<16xf32>,
      %get3A_302 = vector.shape_cast %get3A_301 : vector<16xf32> to vector<16xf32>
      %mul3A_303 = arith.constant 16 : i32
      %mul3A_304 = arith.muli %scan3A_297, %mul3A_303 : i32
      %get3A_305 = arith.index_cast %mul3A_304 : i32 to index
      %get3A_306 = tpu.vector_load %arg8[%get3A_305] {strides = array<i32>} : memref<24576xf32, #tpu.memory_space<vmem>>, vector<16xf32>,
      %get3A_307 = vector.shape_cast %get3A_306 : vector<16xf32> to vector<16xf32>
      %add3A_308 = arith.addf %get3A_302, %get3A_307 : vector<16xf32>
      %mul3A_309 = arith.constant 16 : i32
      %mul3A_310 = arith.muli %scan3A_297, %mul3A_309 : i32
      %swap3A = arith.index_cast %mul3A_310 : i32 to index
      %swap3A_311 = tpu.vector_load %arg9[%swap3A] {strides = array<i32>} : memref<24576xf32, #tpu.memory_space<vmem>>, vector<16xf32>,
      %swap3A_312 = vector.shape_cast %swap3A_311 : vector<16xf32> to vector<16xf32>
      %swap3A_313 = vector.shape_cast %add3A_308 : vector<16xf32> to vector<16xf32>
      tpu.vector_store %arg9[%swap3A], %swap3A_313 {strides = array<i32>} : memref<24576xf32, #tpu.memory_space<vmem>>, vector<16xf32>,
      %scan3A_314 = arith.constant 0 : i32
      scf.yield %scan3A_314 : i32
    }
    %scan3A_53 = arith.constant 1536 : i32
    "tpu.region"() ({
      %run_scoped3A = tpu.sem_alloc : memref<!tpu.dma_semaphore, #tpu.memory_space<semaphore_mem>>
      %dma_start3A = tpu.memref_slice %arg5[%add3A_46] : memref<25165824xf32, #tpu.memory_space<hbm>> -> memref<24576xf32, #tpu.memory_space<hbm>>
      %dma_start3A_297 = tpu.memref_slice %arg5[%add3A_46] : memref<25165824xf32, #tpu.memory_space<hbm>> -> memref<24576xf32, #tpu.memory_space<hbm>>
      tpu.enqueue_dma source(%arg9 : memref<24576xf32, #tpu.memory_space<vmem>>) target(%dma_start3A_297 : memref<24576xf32, #tpu.memory_space<hbm>>) target_semaphore(%run_scoped3A : memref<!tpu.dma_semaphore, #tpu.memory_space<semaphore_mem>>)
      %dma_wait3A = tpu.memref_slice %arg5[%add3A_46] : memref<25165824xf32, #tpu.memory_space<hbm>> -> memref<24576xf32, #tpu.memory_space<hbm>>
      %dma_wait3A_298 = tpu.memref_slice %arg5[%add3A_46] : memref<25165824xf32, #tpu.memory_space<hbm>> -> memref<24576xf32, #tpu.memory_space<hbm>>
      tpu.wait_dma2 semaphore(%run_scoped3A : memref<!tpu.dma_semaphore, #tpu.memory_space<semaphore_mem>>) src(%arg9 : memref<24576xf32, #tpu.memory_space<vmem>>) dst(%dma_wait3A_298 : memref<24576xf32, #tpu.memory_space<hbm>>)
      tpu.yield
    }) : () -> ()
    %add3A_54 = arith.constant 3932160 : i32
    %add3A_55 = arith.addi %add3A_54, %mul3A_8 : i32
    "tpu.region"() ({
      %run_scoped3A = tpu.sem_alloc : memref<!tpu.dma_semaphore, #tpu.memory_space<semaphore_mem>>
      %dma_start3A = tpu.memref_slice %arg2[%add3A_55] : memref<25165824xf32, #tpu.memory_space<hbm>> -> memref<24576xf32, #tpu.memory_space<hbm>>
      %dma_start3A_297 = tpu.memref_slice %arg2[%add3A_55] : memref<25165824xf32, #tpu.memory_space<hbm>> -> memref<24576xf32, #tpu.memory_space<hbm>>
      tpu.enqueue_dma source(%dma_start3A_297 : memref<24576xf32, #tpu.memory_space<hbm>>) target(%arg9 : memref<24576xf32, #tpu.memory_space<vmem>>) target_semaphore(%run_scoped3A : memref<!tpu.dma_semaphore, #tpu.memory_space<semaphore_mem>>)
      %dma_wait3A = tpu.memref_slice %arg2[%add3A_55] : memref<25165824xf32, #tpu.memory_space<hbm>> -> memref<24576xf32, #tpu.memory_space<hbm>>
      %dma_wait3A_298 = tpu.memref_slice %arg2[%add3A_55] : memref<25165824xf32, #tpu.memory_space<hbm>> -> memref<24576xf32, #tpu.memory_space<hbm>>
      tpu.wait_dma2 semaphore(%run_scoped3A : memref<!tpu.dma_semaphore, #tpu.memory_space<semaphore_mem>>) src(%dma_wait3A_298 : memref<24576xf32, #tpu.memory_space<hbm>>) dst(%arg9 : memref<24576xf32, #tpu.memory_space<vmem>>)
      tpu.yield
    }) : () -> ()
    %scan3A_56 = arith.constant 0 : i32
    %scan3A_57 = arith.constant 0 : i32
    %scan3A_58 = arith.constant 1536 : i32
    %scan3A_59 = arith.addi %scan3A_57, %scan3A_58 : i32
    %scan3A_60 = arith.constant 1 : i32
    %scan3A_61 = scf.for %scan3A_297 = %scan3A_57 to %scan3A_59 step %scan3A_60 iter_args(%scan3A_298 = %scan3A_56) -> (i32)  : i32 {
      %mul3A_299 = arith.constant 16 : i32
      %mul3A_300 = arith.muli %scan3A_297, %mul3A_299 : i32
      %get3A = arith.index_cast %mul3A_300 : i32 to index
      %get3A_301 = tpu.vector_load %arg9[%get3A] {strides = array<i32>} : memref<24576xf32, #tpu.memory_space<vmem>>, vector<16xf32>,
      %get3A_302 = vector.shape_cast %get3A_301 : vector<16xf32> to vector<16xf32>
      %mul3A_303 = arith.constant 16 : i32
      %mul3A_304 = arith.muli %scan3A_297, %mul3A_303 : i32
      %get3A_305 = arith.index_cast %mul3A_304 : i32 to index
      %get3A_306 = tpu.vector_load %arg8[%get3A_305] {strides = array<i32>} : memref<24576xf32, #tpu.memory_space<vmem>>, vector<16xf32>,
      %get3A_307 = vector.shape_cast %get3A_306 : vector<16xf32> to vector<16xf32>
      %add3A_308 = arith.addf %get3A_302, %get3A_307 : vector<16xf32>
      %mul3A_309 = arith.constant 16 : i32
      %mul3A_310 = arith.muli %scan3A_297, %mul3A_309 : i32
      %swap3A = arith.index_cast %mul3A_310 : i32 to index
      %swap3A_311 = tpu.vector_load %arg9[%swap3A] {strides = array<i32>} : memref<24576xf32, #tpu.memory_space<vmem>>, vector<16xf32>,
      %swap3A_312 = vector.shape_cast %swap3A_311 : vector<16xf32> to vector<16xf32>
      %swap3A_313 = vector.shape_cast %add3A_308 : vector<16xf32> to vector<16xf32>
      tpu.vector_store %arg9[%swap3A], %swap3A_313 {strides = array<i32>} : memref<24576xf32, #tpu.memory_space<vmem>>, vector<16xf32>,
      %scan3A_314 = arith.constant 0 : i32
      scf.yield %scan3A_314 : i32
    }
    %scan3A_62 = arith.constant 1536 : i32
    "tpu.region"() ({
      %run_scoped3A = tpu.sem_alloc : memref<!tpu.dma_semaphore, #tpu.memory_space<semaphore_mem>>
      %dma_start3A = tpu.memref_slice %arg5[%add3A_55] : memref<25165824xf32, #tpu.memory_space<hbm>> -> memref<24576xf32, #tpu.memory_space<hbm>>
      %dma_start3A_297 = tpu.memref_slice %arg5[%add3A_55] : memref<25165824xf32, #tpu.memory_space<hbm>> -> memref<24576xf32, #tpu.memory_space<hbm>>
      tpu.enqueue_dma source(%arg9 : memref<24576xf32, #tpu.memory_space<vmem>>) target(%dma_start3A_297 : memref<24576xf32, #tpu.memory_space<hbm>>) target_semaphore(%run_scoped3A : memref<!tpu.dma_semaphore, #tpu.memory_space<semaphore_mem>>)
      %dma_wait3A = tpu.memref_slice %arg5[%add3A_55] : memref<25165824xf32, #tpu.memory_space<hbm>> -> memref<24576xf32, #tpu.memory_space<hbm>>
      %dma_wait3A_298 = tpu.memref_slice %arg5[%add3A_55] : memref<25165824xf32, #tpu.memory_space<hbm>> -> memref<24576xf32, #tpu.memory_space<hbm>>
      tpu.wait_dma2 semaphore(%run_scoped3A : memref<!tpu.dma_semaphore, #tpu.memory_space<semaphore_mem>>) src(%arg9 : memref<24576xf32, #tpu.memory_space<vmem>>) dst(%dma_wait3A_298 : memref<24576xf32, #tpu.memory_space<hbm>>)
      tpu.yield
    }) : () -> ()
    %add3A_63 = arith.constant 4718592 : i32
    %add3A_64 = arith.addi %add3A_63, %mul3A_8 : i32
    "tpu.region"() ({
      %run_scoped3A = tpu.sem_alloc : memref<!tpu.dma_semaphore, #tpu.memory_space<semaphore_mem>>
      %dma_start3A = tpu.memref_slice %arg2[%add3A_64] : memref<25165824xf32, #tpu.memory_space<hbm>> -> memref<24576xf32, #tpu.memory_space<hbm>>
      %dma_start3A_297 = tpu.memref_slice %arg2[%add3A_64] : memref<25165824xf32, #tpu.memory_space<hbm>> -> memref<24576xf32, #tpu.memory_space<hbm>>
      tpu.enqueue_dma source(%dma_start3A_297 : memref<24576xf32, #tpu.memory_space<hbm>>) target(%arg9 : memref<24576xf32, #tpu.memory_space<vmem>>) target_semaphore(%run_scoped3A : memref<!tpu.dma_semaphore, #tpu.memory_space<semaphore_mem>>)
      %dma_wait3A = tpu.memref_slice %arg2[%add3A_64] : memref<25165824xf32, #tpu.memory_space<hbm>> -> memref<24576xf32, #tpu.memory_space<hbm>>
      %dma_wait3A_298 = tpu.memref_slice %arg2[%add3A_64] : memref<25165824xf32, #tpu.memory_space<hbm>> -> memref<24576xf32, #tpu.memory_space<hbm>>
      tpu.wait_dma2 semaphore(%run_scoped3A : memref<!tpu.dma_semaphore, #tpu.memory_space<semaphore_mem>>) src(%dma_wait3A_298 : memref<24576xf32, #tpu.memory_space<hbm>>) dst(%arg9 : memref<24576xf32, #tpu.memory_space<vmem>>)
      tpu.yield
    }) : () -> ()
    %scan3A_65 = arith.constant 0 : i32
    %scan3A_66 = arith.constant 0 : i32
    %scan3A_67 = arith.constant 1536 : i32
    %scan3A_68 = arith.addi %scan3A_66, %scan3A_67 : i32
    %scan3A_69 = arith.constant 1 : i32
    %scan3A_70 = scf.for %scan3A_297 = %scan3A_66 to %scan3A_68 step %scan3A_69 iter_args(%scan3A_298 = %scan3A_65) -> (i32)  : i32 {
      %mul3A_299 = arith.constant 16 : i32
      %mul3A_300 = arith.muli %scan3A_297, %mul3A_299 : i32
      %get3A = arith.index_cast %mul3A_300 : i32 to index
      %get3A_301 = tpu.vector_load %arg9[%get3A] {strides = array<i32>} : memref<24576xf32, #tpu.memory_space<vmem>>, vector<16xf32>,
      %get3A_302 = vector.shape_cast %get3A_301 : vector<16xf32> to vector<16xf32>
      %mul3A_303 = arith.constant 16 : i32
      %mul3A_304 = arith.muli %scan3A_297, %mul3A_303 : i32
      %get3A_305 = arith.index_cast %mul3A_304 : i32 to index
      %get3A_306 = tpu.vector_load %arg8[%get3A_305] {strides = array<i32>} : memref<24576xf32, #tpu.memory_space<vmem>>, vector<16xf32>,
      %get3A_307 = vector.shape_cast %get3A_306 : vector<16xf32> to vector<16xf32>
      %add3A_308 = arith.addf %get3A_302, %get3A_307 : vector<16xf32>
      %mul3A_309 = arith.constant 16 : i32
      %mul3A_310 = arith.muli %scan3A_297, %mul3A_309 : i32
      %swap3A = arith.index_cast %mul3A_310 : i32 to index
      %swap3A_311 = tpu.vector_load %arg9[%swap3A] {strides = array<i32>} : memref<24576xf32, #tpu.memory_space<vmem>>, vector<16xf32>,
      %swap3A_312 = vector.shape_cast %swap3A_311 : vector<16xf32> to vector<16xf32>
      %swap3A_313 = vector.shape_cast %add3A_308 : vector<16xf32> to vector<16xf32>
      tpu.vector_store %arg9[%swap3A], %swap3A_313 {strides = array<i32>} : memref<24576xf32, #tpu.memory_space<vmem>>, vector<16xf32>,
      %scan3A_314 = arith.constant 0 : i32
      scf.yield %scan3A_314 : i32
    }
    %scan3A_71 = arith.constant 1536 : i32
    "tpu.region"() ({
      %run_scoped3A = tpu.sem_alloc : memref<!tpu.dma_semaphore, #tpu.memory_space<semaphore_mem>>
      %dma_start3A = tpu.memref_slice %arg5[%add3A_64] : memref<25165824xf32, #tpu.memory_space<hbm>> -> memref<24576xf32, #tpu.memory_space<hbm>>
      %dma_start3A_297 = tpu.memref_slice %arg5[%add3A_64] : memref<25165824xf32, #tpu.memory_space<hbm>> -> memref<24576xf32, #tpu.memory_space<hbm>>
      tpu.enqueue_dma source(%arg9 : memref<24576xf32, #tpu.memory_space<vmem>>) target(%dma_start3A_297 : memref<24576xf32, #tpu.memory_space<hbm>>) target_semaphore(%run_scoped3A : memref<!tpu.dma_semaphore, #tpu.memory_space<semaphore_mem>>)
      %dma_wait3A = tpu.memref_slice %arg5[%add3A_64] : memref<25165824xf32, #tpu.memory_space<hbm>> -> memref<24576xf32, #tpu.memory_space<hbm>>
      %dma_wait3A_298 = tpu.memref_slice %arg5[%add3A_64] : memref<25165824xf32, #tpu.memory_space<hbm>> -> memref<24576xf32, #tpu.memory_space<hbm>>
      tpu.wait_dma2 semaphore(%run_scoped3A : memref<!tpu.dma_semaphore, #tpu.memory_space<semaphore_mem>>) src(%arg9 : memref<24576xf32, #tpu.memory_space<vmem>>) dst(%dma_wait3A_298 : memref<24576xf32, #tpu.memory_space<hbm>>)
      tpu.yield
    }) : () -> ()
    %add3A_72 = arith.constant 5505024 : i32
    %add3A_73 = arith.addi %add3A_72, %mul3A_8 : i32
    "tpu.region"() ({
      %run_scoped3A = tpu.sem_alloc : memref<!tpu.dma_semaphore, #tpu.memory_space<semaphore_mem>>
      %dma_start3A = tpu.memref_slice %arg2[%add3A_73] : memref<25165824xf32, #tpu.memory_space<hbm>> -> memref<24576xf32, #tpu.memory_space<hbm>>
      %dma_start3A_297 = tpu.memref_slice %arg2[%add3A_73] : memref<25165824xf32, #tpu.memory_space<hbm>> -> memref<24576xf32, #tpu.memory_space<hbm>>
      tpu.enqueue_dma source(%dma_start3A_297 : memref<24576xf32, #tpu.memory_space<hbm>>) target(%arg9 : memref<24576xf32, #tpu.memory_space<vmem>>) target_semaphore(%run_scoped3A : memref<!tpu.dma_semaphore, #tpu.memory_space<semaphore_mem>>)
      %dma_wait3A = tpu.memref_slice %arg2[%add3A_73] : memref<25165824xf32, #tpu.memory_space<hbm>> -> memref<24576xf32, #tpu.memory_space<hbm>>
      %dma_wait3A_298 = tpu.memref_slice %arg2[%add3A_73] : memref<25165824xf32, #tpu.memory_space<hbm>> -> memref<24576xf32, #tpu.memory_space<hbm>>
      tpu.wait_dma2 semaphore(%run_scoped3A : memref<!tpu.dma_semaphore, #tpu.memory_space<semaphore_mem>>) src(%dma_wait3A_298 : memref<24576xf32, #tpu.memory_space<hbm>>) dst(%arg9 : memref<24576xf32, #tpu.memory_space<vmem>>)
      tpu.yield
    }) : () -> ()
    %scan3A_74 = arith.constant 0 : i32
    %scan3A_75 = arith.constant 0 : i32
    %scan3A_76 = arith.constant 1536 : i32
    %scan3A_77 = arith.addi %scan3A_75, %scan3A_76 : i32
    %scan3A_78 = arith.constant 1 : i32
    %scan3A_79 = scf.for %scan3A_297 = %scan3A_75 to %scan3A_77 step %scan3A_78 iter_args(%scan3A_298 = %scan3A_74) -> (i32)  : i32 {
      %mul3A_299 = arith.constant 16 : i32
      %mul3A_300 = arith.muli %scan3A_297, %mul3A_299 : i32
      %get3A = arith.index_cast %mul3A_300 : i32 to index
      %get3A_301 = tpu.vector_load %arg9[%get3A] {strides = array<i32>} : memref<24576xf32, #tpu.memory_space<vmem>>, vector<16xf32>,
      %get3A_302 = vector.shape_cast %get3A_301 : vector<16xf32> to vector<16xf32>
      %mul3A_303 = arith.constant 16 : i32
      %mul3A_304 = arith.muli %scan3A_297, %mul3A_303 : i32
      %get3A_305 = arith.index_cast %mul3A_304 : i32 to index
      %get3A_306 = tpu.vector_load %arg8[%get3A_305] {strides = array<i32>} : memref<24576xf32, #tpu.memory_space<vmem>>, vector<16xf32>,
      %get3A_307 = vector.shape_cast %get3A_306 : vector<16xf32> to vector<16xf32>
      %add3A_308 = arith.addf %get3A_302, %get3A_307 : vector<16xf32>
      %mul3A_309 = arith.constant 16 : i32
      %mul3A_310 = arith.muli %scan3A_297, %mul3A_309 : i32
      %swap3A = arith.index_cast %mul3A_310 : i32 to index
      %swap3A_311 = tpu.vector_load %arg9[%swap3A] {strides = array<i32>} : memref<24576xf32, #tpu.memory_space<vmem>>, vector<16xf32>,
      %swap3A_312 = vector.shape_cast %swap3A_311 : vector<16xf32> to vector<16xf32>
      %swap3A_313 = vector.shape_cast %add3A_308 : vector<16xf32> to vector<16xf32>
      tpu.vector_store %arg9[%swap3A], %swap3A_313 {strides = array<i32>} : memref<24576xf32, #tpu.memory_space<vmem>>, vector<16xf32>,
      %scan3A_314 = arith.constant 0 : i32
      scf.yield %scan3A_314 : i32
    }
    %scan3A_80 = arith.constant 1536 : i32
    "tpu.region"() ({
      %run_scoped3A = tpu.sem_alloc : memref<!tpu.dma_semaphore, #tpu.memory_space<semaphore_mem>>
      %dma_start3A = tpu.memref_slice %arg5[%add3A_73] : memref<25165824xf32, #tpu.memory_space<hbm>> -> memref<24576xf32, #tpu.memory_space<hbm>>
      %dma_start3A_297 = tpu.memref_slice %arg5[%add3A_73] : memref<25165824xf32, #tpu.memory_space<hbm>> -> memref<24576xf32, #tpu.memory_space<hbm>>
      tpu.enqueue_dma source(%arg9 : memref<24576xf32, #tpu.memory_space<vmem>>) target(%dma_start3A_297 : memref<24576xf32, #tpu.memory_space<hbm>>) target_semaphore(%run_scoped3A : memref<!tpu.dma_semaphore, #tpu.memory_space<semaphore_mem>>)
      %dma_wait3A = tpu.memref_slice %arg5[%add3A_73] : memref<25165824xf32, #tpu.memory_space<hbm>> -> memref<24576xf32, #tpu.memory_space<hbm>>
      %dma_wait3A_298 = tpu.memref_slice %arg5[%add3A_73] : memref<25165824xf32, #tpu.memory_space<hbm>> -> memref<24576xf32, #tpu.memory_space<hbm>>
      tpu.wait_dma2 semaphore(%run_scoped3A : memref<!tpu.dma_semaphore, #tpu.memory_space<semaphore_mem>>) src(%arg9 : memref<24576xf32, #tpu.memory_space<vmem>>) dst(%dma_wait3A_298 : memref<24576xf32, #tpu.memory_space<hbm>>)
      tpu.yield
    }) : () -> ()
    %add3A_81 = arith.constant 6291456 : i32
    %add3A_82 = arith.addi %add3A_81, %mul3A_8 : i32
    "tpu.region"() ({
      %run_scoped3A = tpu.sem_alloc : memref<!tpu.dma_semaphore, #tpu.memory_space<semaphore_mem>>
      %dma_start3A = tpu.memref_slice %arg2[%add3A_82] : memref<25165824xf32, #tpu.memory_space<hbm>> -> memref<24576xf32, #tpu.memory_space<hbm>>
      %dma_start3A_297 = tpu.memref_slice %arg2[%add3A_82] : memref<25165824xf32, #tpu.memory_space<hbm>> -> memref<24576xf32, #tpu.memory_space<hbm>>
      tpu.enqueue_dma source(%dma_start3A_297 : memref<24576xf32, #tpu.memory_space<hbm>>) target(%arg9 : memref<24576xf32, #tpu.memory_space<vmem>>) target_semaphore(%run_scoped3A : memref<!tpu.dma_semaphore, #tpu.memory_space<semaphore_mem>>)
      %dma_wait3A = tpu.memref_slice %arg2[%add3A_82] : memref<25165824xf32, #tpu.memory_space<hbm>> -> memref<24576xf32, #tpu.memory_space<hbm>>
      %dma_wait3A_298 = tpu.memref_slice %arg2[%add3A_82] : memref<25165824xf32, #tpu.memory_space<hbm>> -> memref<24576xf32, #tpu.memory_space<hbm>>
      tpu.wait_dma2 semaphore(%run_scoped3A : memref<!tpu.dma_semaphore, #tpu.memory_space<semaphore_mem>>) src(%dma_wait3A_298 : memref<24576xf32, #tpu.memory_space<hbm>>) dst(%arg9 : memref<24576xf32, #tpu.memory_space<vmem>>)
      tpu.yield
    }) : () -> ()
    %scan3A_83 = arith.constant 0 : i32
    %scan3A_84 = arith.constant 0 : i32
    %scan3A_85 = arith.constant 1536 : i32
    %scan3A_86 = arith.addi %scan3A_84, %scan3A_85 : i32
    %scan3A_87 = arith.constant 1 : i32
    %scan3A_88 = scf.for %scan3A_297 = %scan3A_84 to %scan3A_86 step %scan3A_87 iter_args(%scan3A_298 = %scan3A_83) -> (i32)  : i32 {
      %mul3A_299 = arith.constant 16 : i32
      %mul3A_300 = arith.muli %scan3A_297, %mul3A_299 : i32
      %get3A = arith.index_cast %mul3A_300 : i32 to index
      %get3A_301 = tpu.vector_load %arg9[%get3A] {strides = array<i32>} : memref<24576xf32, #tpu.memory_space<vmem>>, vector<16xf32>,
      %get3A_302 = vector.shape_cast %get3A_301 : vector<16xf32> to vector<16xf32>
      %mul3A_303 = arith.constant 16 : i32
      %mul3A_304 = arith.muli %scan3A_297, %mul3A_303 : i32
      %get3A_305 = arith.index_cast %mul3A_304 : i32 to index
      %get3A_306 = tpu.vector_load %arg8[%get3A_305] {strides = array<i32>} : memref<24576xf32, #tpu.memory_space<vmem>>, vector<16xf32>,
      %get3A_307 = vector.shape_cast %get3A_306 : vector<16xf32> to vector<16xf32>
      %add3A_308 = arith.addf %get3A_302, %get3A_307 : vector<16xf32>
      %mul3A_309 = arith.constant 16 : i32
      %mul3A_310 = arith.muli %scan3A_297, %mul3A_309 : i32
      %swap3A = arith.index_cast %mul3A_310 : i32 to index
      %swap3A_311 = tpu.vector_load %arg9[%swap3A] {strides = array<i32>} : memref<24576xf32, #tpu.memory_space<vmem>>, vector<16xf32>,
      %swap3A_312 = vector.shape_cast %swap3A_311 : vector<16xf32> to vector<16xf32>
      %swap3A_313 = vector.shape_cast %add3A_308 : vector<16xf32> to vector<16xf32>
      tpu.vector_store %arg9[%swap3A], %swap3A_313 {strides = array<i32>} : memref<24576xf32, #tpu.memory_space<vmem>>, vector<16xf32>,
      %scan3A_314 = arith.constant 0 : i32
      scf.yield %scan3A_314 : i32
    }
    %scan3A_89 = arith.constant 1536 : i32
    "tpu.region"() ({
      %run_scoped3A = tpu.sem_alloc : memref<!tpu.dma_semaphore, #tpu.memory_space<semaphore_mem>>
      %dma_start3A = tpu.memref_slice %arg5[%add3A_82] : memref<25165824xf32, #tpu.memory_space<hbm>> -> memref<24576xf32, #tpu.memory_space<hbm>>
      %dma_start3A_297 = tpu.memref_slice %arg5[%add3A_82] : memref<25165824xf32, #tpu.memory_space<hbm>> -> memref<24576xf32, #tpu.memory_space<hbm>>
      tpu.enqueue_dma source(%arg9 : memref<24576xf32, #tpu.memory_space<vmem>>) target(%dma_start3A_297 : memref<24576xf32, #tpu.memory_space<hbm>>) target_semaphore(%run_scoped3A : memref<!tpu.dma_semaphore, #tpu.memory_space<semaphore_mem>>)
      %dma_wait3A = tpu.memref_slice %arg5[%add3A_82] : memref<25165824xf32, #tpu.memory_space<hbm>> -> memref<24576xf32, #tpu.memory_space<hbm>>
      %dma_wait3A_298 = tpu.memref_slice %arg5[%add3A_82] : memref<25165824xf32, #tpu.memory_space<hbm>> -> memref<24576xf32, #tpu.memory_space<hbm>>
      tpu.wait_dma2 semaphore(%run_scoped3A : memref<!tpu.dma_semaphore, #tpu.memory_space<semaphore_mem>>) src(%arg9 : memref<24576xf32, #tpu.memory_space<vmem>>) dst(%dma_wait3A_298 : memref<24576xf32, #tpu.memory_space<hbm>>)
      tpu.yield
    }) : () -> ()
    %add3A_90 = arith.constant 7077888 : i32
    %add3A_91 = arith.addi %add3A_90, %mul3A_8 : i32
    "tpu.region"() ({
      %run_scoped3A = tpu.sem_alloc : memref<!tpu.dma_semaphore, #tpu.memory_space<semaphore_mem>>
      %dma_start3A = tpu.memref_slice %arg2[%add3A_91] : memref<25165824xf32, #tpu.memory_space<hbm>> -> memref<24576xf32, #tpu.memory_space<hbm>>
      %dma_start3A_297 = tpu.memref_slice %arg2[%add3A_91] : memref<25165824xf32, #tpu.memory_space<hbm>> -> memref<24576xf32, #tpu.memory_space<hbm>>
      tpu.enqueue_dma source(%dma_start3A_297 : memref<24576xf32, #tpu.memory_space<hbm>>) target(%arg9 : memref<24576xf32, #tpu.memory_space<vmem>>) target_semaphore(%run_scoped3A : memref<!tpu.dma_semaphore, #tpu.memory_space<semaphore_mem>>)
      %dma_wait3A = tpu.memref_slice %arg2[%add3A_91] : memref<25165824xf32, #tpu.memory_space<hbm>> -> memref<24576xf32, #tpu.memory_space<hbm>>
      %dma_wait3A_298 = tpu.memref_slice %arg2[%add3A_91] : memref<25165824xf32, #tpu.memory_space<hbm>> -> memref<24576xf32, #tpu.memory_space<hbm>>
      tpu.wait_dma2 semaphore(%run_scoped3A : memref<!tpu.dma_semaphore, #tpu.memory_space<semaphore_mem>>) src(%dma_wait3A_298 : memref<24576xf32, #tpu.memory_space<hbm>>) dst(%arg9 : memref<24576xf32, #tpu.memory_space<vmem>>)
      tpu.yield
    }) : () -> ()
    %scan3A_92 = arith.constant 0 : i32
    %scan3A_93 = arith.constant 0 : i32
    %scan3A_94 = arith.constant 1536 : i32
    %scan3A_95 = arith.addi %scan3A_93, %scan3A_94 : i32
    %scan3A_96 = arith.constant 1 : i32
    %scan3A_97 = scf.for %scan3A_297 = %scan3A_93 to %scan3A_95 step %scan3A_96 iter_args(%scan3A_298 = %scan3A_92) -> (i32)  : i32 {
      %mul3A_299 = arith.constant 16 : i32
      %mul3A_300 = arith.muli %scan3A_297, %mul3A_299 : i32
      %get3A = arith.index_cast %mul3A_300 : i32 to index
      %get3A_301 = tpu.vector_load %arg9[%get3A] {strides = array<i32>} : memref<24576xf32, #tpu.memory_space<vmem>>, vector<16xf32>,
      %get3A_302 = vector.shape_cast %get3A_301 : vector<16xf32> to vector<16xf32>
      %mul3A_303 = arith.constant 16 : i32
      %mul3A_304 = arith.muli %scan3A_297, %mul3A_303 : i32
      %get3A_305 = arith.index_cast %mul3A_304 : i32 to index
      %get3A_306 = tpu.vector_load %arg8[%get3A_305] {strides = array<i32>} : memref<24576xf32, #tpu.memory_space<vmem>>, vector<16xf32>,
      %get3A_307 = vector.shape_cast %get3A_306 : vector<16xf32> to vector<16xf32>
      %add3A_308 = arith.addf %get3A_302, %get3A_307 : vector<16xf32>
      %mul3A_309 = arith.constant 16 : i32
      %mul3A_310 = arith.muli %scan3A_297, %mul3A_309 : i32
      %swap3A = arith.index_cast %mul3A_310 : i32 to index
      %swap3A_311 = tpu.vector_load %arg9[%swap3A] {strides = array<i32>} : memref<24576xf32, #tpu.memory_space<vmem>>, vector<16xf32>,
      %swap3A_312 = vector.shape_cast %swap3A_311 : vector<16xf32> to vector<16xf32>
      %swap3A_313 = vector.shape_cast %add3A_308 : vector<16xf32> to vector<16xf32>
      tpu.vector_store %arg9[%swap3A], %swap3A_313 {strides = array<i32>} : memref<24576xf32, #tpu.memory_space<vmem>>, vector<16xf32>,
      %scan3A_314 = arith.constant 0 : i32
      scf.yield %scan3A_314 : i32
    }
    %scan3A_98 = arith.constant 1536 : i32
    "tpu.region"() ({
      %run_scoped3A = tpu.sem_alloc : memref<!tpu.dma_semaphore, #tpu.memory_space<semaphore_mem>>
      %dma_start3A = tpu.memref_slice %arg5[%add3A_91] : memref<25165824xf32, #tpu.memory_space<hbm>> -> memref<24576xf32, #tpu.memory_space<hbm>>
      %dma_start3A_297 = tpu.memref_slice %arg5[%add3A_91] : memref<25165824xf32, #tpu.memory_space<hbm>> -> memref<24576xf32, #tpu.memory_space<hbm>>
      tpu.enqueue_dma source(%arg9 : memref<24576xf32, #tpu.memory_space<vmem>>) target(%dma_start3A_297 : memref<24576xf32, #tpu.memory_space<hbm>>) target_semaphore(%run_scoped3A : memref<!tpu.dma_semaphore, #tpu.memory_space<semaphore_mem>>)
      %dma_wait3A = tpu.memref_slice %arg5[%add3A_91] : memref<25165824xf32, #tpu.memory_space<hbm>> -> memref<24576xf32, #tpu.memory_space<hbm>>
      %dma_wait3A_298 = tpu.memref_slice %arg5[%add3A_91] : memref<25165824xf32, #tpu.memory_space<hbm>> -> memref<24576xf32, #tpu.memory_space<hbm>>
      tpu.wait_dma2 semaphore(%run_scoped3A : memref<!tpu.dma_semaphore, #tpu.memory_space<semaphore_mem>>) src(%arg9 : memref<24576xf32, #tpu.memory_space<vmem>>) dst(%dma_wait3A_298 : memref<24576xf32, #tpu.memory_space<hbm>>)
      tpu.yield
    }) : () -> ()
    %add3A_99 = arith.constant 7864320 : i32
    %add3A_100 = arith.addi %add3A_99, %mul3A_8 : i32
    "tpu.region"() ({
      %run_scoped3A = tpu.sem_alloc : memref<!tpu.dma_semaphore, #tpu.memory_space<semaphore_mem>>
      %dma_start3A = tpu.memref_slice %arg2[%add3A_100] : memref<25165824xf32, #tpu.memory_space<hbm>> -> memref<24576xf32, #tpu.memory_space<hbm>>
      %dma_start3A_297 = tpu.memref_slice %arg2[%add3A_100] : memref<25165824xf32, #tpu.memory_space<hbm>> -> memref<24576xf32, #tpu.memory_space<hbm>>
      tpu.enqueue_dma source(%dma_start3A_297 : memref<24576xf32, #tpu.memory_space<hbm>>) target(%arg9 : memref<24576xf32, #tpu.memory_space<vmem>>) target_semaphore(%run_scoped3A : memref<!tpu.dma_semaphore, #tpu.memory_space<semaphore_mem>>)
      %dma_wait3A = tpu.memref_slice %arg2[%add3A_100] : memref<25165824xf32, #tpu.memory_space<hbm>> -> memref<24576xf32, #tpu.memory_space<hbm>>
      %dma_wait3A_298 = tpu.memref_slice %arg2[%add3A_100] : memref<25165824xf32, #tpu.memory_space<hbm>> -> memref<24576xf32, #tpu.memory_space<hbm>>
      tpu.wait_dma2 semaphore(%run_scoped3A : memref<!tpu.dma_semaphore, #tpu.memory_space<semaphore_mem>>) src(%dma_wait3A_298 : memref<24576xf32, #tpu.memory_space<hbm>>) dst(%arg9 : memref<24576xf32, #tpu.memory_space<vmem>>)
      tpu.yield
    }) : () -> ()
    %scan3A_101 = arith.constant 0 : i32
    %scan3A_102 = arith.constant 0 : i32
    %scan3A_103 = arith.constant 1536 : i32
    %scan3A_104 = arith.addi %scan3A_102, %scan3A_103 : i32
    %scan3A_105 = arith.constant 1 : i32
    %scan3A_106 = scf.for %scan3A_297 = %scan3A_102 to %scan3A_104 step %scan3A_105 iter_args(%scan3A_298 = %scan3A_101) -> (i32)  : i32 {
      %mul3A_299 = arith.constant 16 : i32
      %mul3A_300 = arith.muli %scan3A_297, %mul3A_299 : i32
      %get3A = arith.index_cast %mul3A_300 : i32 to index
      %get3A_301 = tpu.vector_load %arg9[%get3A] {strides = array<i32>} : memref<24576xf32, #tpu.memory_space<vmem>>, vector<16xf32>,
      %get3A_302 = vector.shape_cast %get3A_301 : vector<16xf32> to vector<16xf32>
      %mul3A_303 = arith.constant 16 : i32
      %mul3A_304 = arith.muli %scan3A_297, %mul3A_303 : i32
      %get3A_305 = arith.index_cast %mul3A_304 : i32 to index
      %get3A_306 = tpu.vector_load %arg8[%get3A_305] {strides = array<i32>} : memref<24576xf32, #tpu.memory_space<vmem>>, vector<16xf32>,
      %get3A_307 = vector.shape_cast %get3A_306 : vector<16xf32> to vector<16xf32>
      %add3A_308 = arith.addf %get3A_302, %get3A_307 : vector<16xf32>
      %mul3A_309 = arith.constant 16 : i32
      %mul3A_310 = arith.muli %scan3A_297, %mul3A_309 : i32
      %swap3A = arith.index_cast %mul3A_310 : i32 to index
      %swap3A_311 = tpu.vector_load %arg9[%swap3A] {strides = array<i32>} : memref<24576xf32, #tpu.memory_space<vmem>>, vector<16xf32>,
      %swap3A_312 = vector.shape_cast %swap3A_311 : vector<16xf32> to vector<16xf32>
      %swap3A_313 = vector.shape_cast %add3A_308 : vector<16xf32> to vector<16xf32>
      tpu.vector_store %arg9[%swap3A], %swap3A_313 {strides = array<i32>} : memref<24576xf32, #tpu.memory_space<vmem>>, vector<16xf32>,
      %scan3A_314 = arith.constant 0 : i32
      scf.yield %scan3A_314 : i32
    }
    %scan3A_107 = arith.constant 1536 : i32
    "tpu.region"() ({
      %run_scoped3A = tpu.sem_alloc : memref<!tpu.dma_semaphore, #tpu.memory_space<semaphore_mem>>
      %dma_start3A = tpu.memref_slice %arg5[%add3A_100] : memref<25165824xf32, #tpu.memory_space<hbm>> -> memref<24576xf32, #tpu.memory_space<hbm>>
      %dma_start3A_297 = tpu.memref_slice %arg5[%add3A_100] : memref<25165824xf32, #tpu.memory_space<hbm>> -> memref<24576xf32, #tpu.memory_space<hbm>>
      tpu.enqueue_dma source(%arg9 : memref<24576xf32, #tpu.memory_space<vmem>>) target(%dma_start3A_297 : memref<24576xf32, #tpu.memory_space<hbm>>) target_semaphore(%run_scoped3A : memref<!tpu.dma_semaphore, #tpu.memory_space<semaphore_mem>>)
      %dma_wait3A = tpu.memref_slice %arg5[%add3A_100] : memref<25165824xf32, #tpu.memory_space<hbm>> -> memref<24576xf32, #tpu.memory_space<hbm>>
      %dma_wait3A_298 = tpu.memref_slice %arg5[%add3A_100] : memref<25165824xf32, #tpu.memory_space<hbm>> -> memref<24576xf32, #tpu.memory_space<hbm>>
      tpu.wait_dma2 semaphore(%run_scoped3A : memref<!tpu.dma_semaphore, #tpu.memory_space<semaphore_mem>>) src(%arg9 : memref<24576xf32, #tpu.memory_space<vmem>>) dst(%dma_wait3A_298 : memref<24576xf32, #tpu.memory_space<hbm>>)
      tpu.yield
    }) : () -> ()
    %add3A_108 = arith.constant 8650752 : i32
    %add3A_109 = arith.addi %add3A_108, %mul3A_8 : i32
    "tpu.region"() ({
      %run_scoped3A = tpu.sem_alloc : memref<!tpu.dma_semaphore, #tpu.memory_space<semaphore_mem>>
      %dma_start3A = tpu.memref_slice %arg2[%add3A_109] : memref<25165824xf32, #tpu.memory_space<hbm>> -> memref<24576xf32, #tpu.memory_space<hbm>>
      %dma_start3A_297 = tpu.memref_slice %arg2[%add3A_109] : memref<25165824xf32, #tpu.memory_space<hbm>> -> memref<24576xf32, #tpu.memory_space<hbm>>
      tpu.enqueue_dma source(%dma_start3A_297 : memref<24576xf32, #tpu.memory_space<hbm>>) target(%arg9 : memref<24576xf32, #tpu.memory_space<vmem>>) target_semaphore(%run_scoped3A : memref<!tpu.dma_semaphore, #tpu.memory_space<semaphore_mem>>)
      %dma_wait3A = tpu.memref_slice %arg2[%add3A_109] : memref<25165824xf32, #tpu.memory_space<hbm>> -> memref<24576xf32, #tpu.memory_space<hbm>>
      %dma_wait3A_298 = tpu.memref_slice %arg2[%add3A_109] : memref<25165824xf32, #tpu.memory_space<hbm>> -> memref<24576xf32, #tpu.memory_space<hbm>>
      tpu.wait_dma2 semaphore(%run_scoped3A : memref<!tpu.dma_semaphore, #tpu.memory_space<semaphore_mem>>) src(%dma_wait3A_298 : memref<24576xf32, #tpu.memory_space<hbm>>) dst(%arg9 : memref<24576xf32, #tpu.memory_space<vmem>>)
      tpu.yield
    }) : () -> ()
    %scan3A_110 = arith.constant 0 : i32
    %scan3A_111 = arith.constant 0 : i32
    %scan3A_112 = arith.constant 1536 : i32
    %scan3A_113 = arith.addi %scan3A_111, %scan3A_112 : i32
    %scan3A_114 = arith.constant 1 : i32
    %scan3A_115 = scf.for %scan3A_297 = %scan3A_111 to %scan3A_113 step %scan3A_114 iter_args(%scan3A_298 = %scan3A_110) -> (i32)  : i32 {
      %mul3A_299 = arith.constant 16 : i32
      %mul3A_300 = arith.muli %scan3A_297, %mul3A_299 : i32
      %get3A = arith.index_cast %mul3A_300 : i32 to index
      %get3A_301 = tpu.vector_load %arg9[%get3A] {strides = array<i32>} : memref<24576xf32, #tpu.memory_space<vmem>>, vector<16xf32>,
      %get3A_302 = vector.shape_cast %get3A_301 : vector<16xf32> to vector<16xf32>
      %mul3A_303 = arith.constant 16 : i32
      %mul3A_304 = arith.muli %scan3A_297, %mul3A_303 : i32
      %get3A_305 = arith.index_cast %mul3A_304 : i32 to index
      %get3A_306 = tpu.vector_load %arg8[%get3A_305] {strides = array<i32>} : memref<24576xf32, #tpu.memory_space<vmem>>, vector<16xf32>,
      %get3A_307 = vector.shape_cast %get3A_306 : vector<16xf32> to vector<16xf32>
      %add3A_308 = arith.addf %get3A_302, %get3A_307 : vector<16xf32>
      %mul3A_309 = arith.constant 16 : i32
      %mul3A_310 = arith.muli %scan3A_297, %mul3A_309 : i32
      %swap3A = arith.index_cast %mul3A_310 : i32 to index
      %swap3A_311 = tpu.vector_load %arg9[%swap3A] {strides = array<i32>} : memref<24576xf32, #tpu.memory_space<vmem>>, vector<16xf32>,
      %swap3A_312 = vector.shape_cast %swap3A_311 : vector<16xf32> to vector<16xf32>
      %swap3A_313 = vector.shape_cast %add3A_308 : vector<16xf32> to vector<16xf32>
      tpu.vector_store %arg9[%swap3A], %swap3A_313 {strides = array<i32>} : memref<24576xf32, #tpu.memory_space<vmem>>, vector<16xf32>,
      %scan3A_314 = arith.constant 0 : i32
      scf.yield %scan3A_314 : i32
    }
    %scan3A_116 = arith.constant 1536 : i32
    "tpu.region"() ({
      %run_scoped3A = tpu.sem_alloc : memref<!tpu.dma_semaphore, #tpu.memory_space<semaphore_mem>>
      %dma_start3A = tpu.memref_slice %arg5[%add3A_109] : memref<25165824xf32, #tpu.memory_space<hbm>> -> memref<24576xf32, #tpu.memory_space<hbm>>
      %dma_start3A_297 = tpu.memref_slice %arg5[%add3A_109] : memref<25165824xf32, #tpu.memory_space<hbm>> -> memref<24576xf32, #tpu.memory_space<hbm>>
      tpu.enqueue_dma source(%arg9 : memref<24576xf32, #tpu.memory_space<vmem>>) target(%dma_start3A_297 : memref<24576xf32, #tpu.memory_space<hbm>>) target_semaphore(%run_scoped3A : memref<!tpu.dma_semaphore, #tpu.memory_space<semaphore_mem>>)
      %dma_wait3A = tpu.memref_slice %arg5[%add3A_109] : memref<25165824xf32, #tpu.memory_space<hbm>> -> memref<24576xf32, #tpu.memory_space<hbm>>
      %dma_wait3A_298 = tpu.memref_slice %arg5[%add3A_109] : memref<25165824xf32, #tpu.memory_space<hbm>> -> memref<24576xf32, #tpu.memory_space<hbm>>
      tpu.wait_dma2 semaphore(%run_scoped3A : memref<!tpu.dma_semaphore, #tpu.memory_space<semaphore_mem>>) src(%arg9 : memref<24576xf32, #tpu.memory_space<vmem>>) dst(%dma_wait3A_298 : memref<24576xf32, #tpu.memory_space<hbm>>)
      tpu.yield
    }) : () -> ()
    %add3A_117 = arith.constant 9437184 : i32
    %add3A_118 = arith.addi %add3A_117, %mul3A_8 : i32
    "tpu.region"() ({
      %run_scoped3A = tpu.sem_alloc : memref<!tpu.dma_semaphore, #tpu.memory_space<semaphore_mem>>
      %dma_start3A = tpu.memref_slice %arg2[%add3A_118] : memref<25165824xf32, #tpu.memory_space<hbm>> -> memref<24576xf32, #tpu.memory_space<hbm>>
      %dma_start3A_297 = tpu.memref_slice %arg2[%add3A_118] : memref<25165824xf32, #tpu.memory_space<hbm>> -> memref<24576xf32, #tpu.memory_space<hbm>>
      tpu.enqueue_dma source(%dma_start3A_297 : memref<24576xf32, #tpu.memory_space<hbm>>) target(%arg9 : memref<24576xf32, #tpu.memory_space<vmem>>) target_semaphore(%run_scoped3A : memref<!tpu.dma_semaphore, #tpu.memory_space<semaphore_mem>>)
      %dma_wait3A = tpu.memref_slice %arg2[%add3A_118] : memref<25165824xf32, #tpu.memory_space<hbm>> -> memref<24576xf32, #tpu.memory_space<hbm>>
      %dma_wait3A_298 = tpu.memref_slice %arg2[%add3A_118] : memref<25165824xf32, #tpu.memory_space<hbm>> -> memref<24576xf32, #tpu.memory_space<hbm>>
      tpu.wait_dma2 semaphore(%run_scoped3A : memref<!tpu.dma_semaphore, #tpu.memory_space<semaphore_mem>>) src(%dma_wait3A_298 : memref<24576xf32, #tpu.memory_space<hbm>>) dst(%arg9 : memref<24576xf32, #tpu.memory_space<vmem>>)
      tpu.yield
    }) : () -> ()
    %scan3A_119 = arith.constant 0 : i32
    %scan3A_120 = arith.constant 0 : i32
    %scan3A_121 = arith.constant 1536 : i32
    %scan3A_122 = arith.addi %scan3A_120, %scan3A_121 : i32
    %scan3A_123 = arith.constant 1 : i32
    %scan3A_124 = scf.for %scan3A_297 = %scan3A_120 to %scan3A_122 step %scan3A_123 iter_args(%scan3A_298 = %scan3A_119) -> (i32)  : i32 {
      %mul3A_299 = arith.constant 16 : i32
      %mul3A_300 = arith.muli %scan3A_297, %mul3A_299 : i32
      %get3A = arith.index_cast %mul3A_300 : i32 to index
      %get3A_301 = tpu.vector_load %arg9[%get3A] {strides = array<i32>} : memref<24576xf32, #tpu.memory_space<vmem>>, vector<16xf32>,
      %get3A_302 = vector.shape_cast %get3A_301 : vector<16xf32> to vector<16xf32>
      %mul3A_303 = arith.constant 16 : i32
      %mul3A_304 = arith.muli %scan3A_297, %mul3A_303 : i32
      %get3A_305 = arith.index_cast %mul3A_304 : i32 to index
      %get3A_306 = tpu.vector_load %arg8[%get3A_305] {strides = array<i32>} : memref<24576xf32, #tpu.memory_space<vmem>>, vector<16xf32>,
      %get3A_307 = vector.shape_cast %get3A_306 : vector<16xf32> to vector<16xf32>
      %add3A_308 = arith.addf %get3A_302, %get3A_307 : vector<16xf32>
      %mul3A_309 = arith.constant 16 : i32
      %mul3A_310 = arith.muli %scan3A_297, %mul3A_309 : i32
      %swap3A = arith.index_cast %mul3A_310 : i32 to index
      %swap3A_311 = tpu.vector_load %arg9[%swap3A] {strides = array<i32>} : memref<24576xf32, #tpu.memory_space<vmem>>, vector<16xf32>,
      %swap3A_312 = vector.shape_cast %swap3A_311 : vector<16xf32> to vector<16xf32>
      %swap3A_313 = vector.shape_cast %add3A_308 : vector<16xf32> to vector<16xf32>
      tpu.vector_store %arg9[%swap3A], %swap3A_313 {strides = array<i32>} : memref<24576xf32, #tpu.memory_space<vmem>>, vector<16xf32>,
      %scan3A_314 = arith.constant 0 : i32
      scf.yield %scan3A_314 : i32
    }
    %scan3A_125 = arith.constant 1536 : i32
    "tpu.region"() ({
      %run_scoped3A = tpu.sem_alloc : memref<!tpu.dma_semaphore, #tpu.memory_space<semaphore_mem>>
      %dma_start3A = tpu.memref_slice %arg5[%add3A_118] : memref<25165824xf32, #tpu.memory_space<hbm>> -> memref<24576xf32, #tpu.memory_space<hbm>>
      %dma_start3A_297 = tpu.memref_slice %arg5[%add3A_118] : memref<25165824xf32, #tpu.memory_space<hbm>> -> memref<24576xf32, #tpu.memory_space<hbm>>
      tpu.enqueue_dma source(%arg9 : memref<24576xf32, #tpu.memory_space<vmem>>) target(%dma_start3A_297 : memref<24576xf32, #tpu.memory_space<hbm>>) target_semaphore(%run_scoped3A : memref<!tpu.dma_semaphore, #tpu.memory_space<semaphore_mem>>)
      %dma_wait3A = tpu.memref_slice %arg5[%add3A_118] : memref<25165824xf32, #tpu.memory_space<hbm>> -> memref<24576xf32, #tpu.memory_space<hbm>>
      %dma_wait3A_298 = tpu.memref_slice %arg5[%add3A_118] : memref<25165824xf32, #tpu.memory_space<hbm>> -> memref<24576xf32, #tpu.memory_space<hbm>>
      tpu.wait_dma2 semaphore(%run_scoped3A : memref<!tpu.dma_semaphore, #tpu.memory_space<semaphore_mem>>) src(%arg9 : memref<24576xf32, #tpu.memory_space<vmem>>) dst(%dma_wait3A_298 : memref<24576xf32, #tpu.memory_space<hbm>>)
      tpu.yield
    }) : () -> ()
    %add3A_126 = arith.constant 10223616 : i32
    %add3A_127 = arith.addi %add3A_126, %mul3A_8 : i32
    "tpu.region"() ({
      %run_scoped3A = tpu.sem_alloc : memref<!tpu.dma_semaphore, #tpu.memory_space<semaphore_mem>>
      %dma_start3A = tpu.memref_slice %arg2[%add3A_127] : memref<25165824xf32, #tpu.memory_space<hbm>> -> memref<24576xf32, #tpu.memory_space<hbm>>
      %dma_start3A_297 = tpu.memref_slice %arg2[%add3A_127] : memref<25165824xf32, #tpu.memory_space<hbm>> -> memref<24576xf32, #tpu.memory_space<hbm>>
      tpu.enqueue_dma source(%dma_start3A_297 : memref<24576xf32, #tpu.memory_space<hbm>>) target(%arg9 : memref<24576xf32, #tpu.memory_space<vmem>>) target_semaphore(%run_scoped3A : memref<!tpu.dma_semaphore, #tpu.memory_space<semaphore_mem>>)
      %dma_wait3A = tpu.memref_slice %arg2[%add3A_127] : memref<25165824xf32, #tpu.memory_space<hbm>> -> memref<24576xf32, #tpu.memory_space<hbm>>
      %dma_wait3A_298 = tpu.memref_slice %arg2[%add3A_127] : memref<25165824xf32, #tpu.memory_space<hbm>> -> memref<24576xf32, #tpu.memory_space<hbm>>
      tpu.wait_dma2 semaphore(%run_scoped3A : memref<!tpu.dma_semaphore, #tpu.memory_space<semaphore_mem>>) src(%dma_wait3A_298 : memref<24576xf32, #tpu.memory_space<hbm>>) dst(%arg9 : memref<24576xf32, #tpu.memory_space<vmem>>)
      tpu.yield
    }) : () -> ()
    %scan3A_128 = arith.constant 0 : i32
    %scan3A_129 = arith.constant 0 : i32
    %scan3A_130 = arith.constant 1536 : i32
    %scan3A_131 = arith.addi %scan3A_129, %scan3A_130 : i32
    %scan3A_132 = arith.constant 1 : i32
    %scan3A_133 = scf.for %scan3A_297 = %scan3A_129 to %scan3A_131 step %scan3A_132 iter_args(%scan3A_298 = %scan3A_128) -> (i32)  : i32 {
      %mul3A_299 = arith.constant 16 : i32
      %mul3A_300 = arith.muli %scan3A_297, %mul3A_299 : i32
      %get3A = arith.index_cast %mul3A_300 : i32 to index
      %get3A_301 = tpu.vector_load %arg9[%get3A] {strides = array<i32>} : memref<24576xf32, #tpu.memory_space<vmem>>, vector<16xf32>,
      %get3A_302 = vector.shape_cast %get3A_301 : vector<16xf32> to vector<16xf32>
      %mul3A_303 = arith.constant 16 : i32
      %mul3A_304 = arith.muli %scan3A_297, %mul3A_303 : i32
      %get3A_305 = arith.index_cast %mul3A_304 : i32 to index
      %get3A_306 = tpu.vector_load %arg8[%get3A_305] {strides = array<i32>} : memref<24576xf32, #tpu.memory_space<vmem>>, vector<16xf32>,
      %get3A_307 = vector.shape_cast %get3A_306 : vector<16xf32> to vector<16xf32>
      %add3A_308 = arith.addf %get3A_302, %get3A_307 : vector<16xf32>
      %mul3A_309 = arith.constant 16 : i32
      %mul3A_310 = arith.muli %scan3A_297, %mul3A_309 : i32
      %swap3A = arith.index_cast %mul3A_310 : i32 to index
      %swap3A_311 = tpu.vector_load %arg9[%swap3A] {strides = array<i32>} : memref<24576xf32, #tpu.memory_space<vmem>>, vector<16xf32>,
      %swap3A_312 = vector.shape_cast %swap3A_311 : vector<16xf32> to vector<16xf32>
      %swap3A_313 = vector.shape_cast %add3A_308 : vector<16xf32> to vector<16xf32>
      tpu.vector_store %arg9[%swap3A], %swap3A_313 {strides = array<i32>} : memref<24576xf32, #tpu.memory_space<vmem>>, vector<16xf32>,
      %scan3A_314 = arith.constant 0 : i32
      scf.yield %scan3A_314 : i32
    }
    %scan3A_134 = arith.constant 1536 : i32
    "tpu.region"() ({
      %run_scoped3A = tpu.sem_alloc : memref<!tpu.dma_semaphore, #tpu.memory_space<semaphore_mem>>
      %dma_start3A = tpu.memref_slice %arg5[%add3A_127] : memref<25165824xf32, #tpu.memory_space<hbm>> -> memref<24576xf32, #tpu.memory_space<hbm>>
      %dma_start3A_297 = tpu.memref_slice %arg5[%add3A_127] : memref<25165824xf32, #tpu.memory_space<hbm>> -> memref<24576xf32, #tpu.memory_space<hbm>>
      tpu.enqueue_dma source(%arg9 : memref<24576xf32, #tpu.memory_space<vmem>>) target(%dma_start3A_297 : memref<24576xf32, #tpu.memory_space<hbm>>) target_semaphore(%run_scoped3A : memref<!tpu.dma_semaphore, #tpu.memory_space<semaphore_mem>>)
      %dma_wait3A = tpu.memref_slice %arg5[%add3A_127] : memref<25165824xf32, #tpu.memory_space<hbm>> -> memref<24576xf32, #tpu.memory_space<hbm>>
      %dma_wait3A_298 = tpu.memref_slice %arg5[%add3A_127] : memref<25165824xf32, #tpu.memory_space<hbm>> -> memref<24576xf32, #tpu.memory_space<hbm>>
      tpu.wait_dma2 semaphore(%run_scoped3A : memref<!tpu.dma_semaphore, #tpu.memory_space<semaphore_mem>>) src(%arg9 : memref<24576xf32, #tpu.memory_space<vmem>>) dst(%dma_wait3A_298 : memref<24576xf32, #tpu.memory_space<hbm>>)
      tpu.yield
    }) : () -> ()
    %add3A_135 = arith.constant 11010048 : i32
    %add3A_136 = arith.addi %add3A_135, %mul3A_8 : i32
    "tpu.region"() ({
      %run_scoped3A = tpu.sem_alloc : memref<!tpu.dma_semaphore, #tpu.memory_space<semaphore_mem>>
      %dma_start3A = tpu.memref_slice %arg2[%add3A_136] : memref<25165824xf32, #tpu.memory_space<hbm>> -> memref<24576xf32, #tpu.memory_space<hbm>>
      %dma_start3A_297 = tpu.memref_slice %arg2[%add3A_136] : memref<25165824xf32, #tpu.memory_space<hbm>> -> memref<24576xf32, #tpu.memory_space<hbm>>
      tpu.enqueue_dma source(%dma_start3A_297 : memref<24576xf32, #tpu.memory_space<hbm>>) target(%arg9 : memref<24576xf32, #tpu.memory_space<vmem>>) target_semaphore(%run_scoped3A : memref<!tpu.dma_semaphore, #tpu.memory_space<semaphore_mem>>)
      %dma_wait3A = tpu.memref_slice %arg2[%add3A_136] : memref<25165824xf32, #tpu.memory_space<hbm>> -> memref<24576xf32, #tpu.memory_space<hbm>>
      %dma_wait3A_298 = tpu.memref_slice %arg2[%add3A_136] : memref<25165824xf32, #tpu.memory_space<hbm>> -> memref<24576xf32, #tpu.memory_space<hbm>>
      tpu.wait_dma2 semaphore(%run_scoped3A : memref<!tpu.dma_semaphore, #tpu.memory_space<semaphore_mem>>) src(%dma_wait3A_298 : memref<24576xf32, #tpu.memory_space<hbm>>) dst(%arg9 : memref<24576xf32, #tpu.memory_space<vmem>>)
      tpu.yield
    }) : () -> ()
    %scan3A_137 = arith.constant 0 : i32
    %scan3A_138 = arith.constant 0 : i32
    %scan3A_139 = arith.constant 1536 : i32
    %scan3A_140 = arith.addi %scan3A_138, %scan3A_139 : i32
    %scan3A_141 = arith.constant 1 : i32
    %scan3A_142 = scf.for %scan3A_297 = %scan3A_138 to %scan3A_140 step %scan3A_141 iter_args(%scan3A_298 = %scan3A_137) -> (i32)  : i32 {
      %mul3A_299 = arith.constant 16 : i32
      %mul3A_300 = arith.muli %scan3A_297, %mul3A_299 : i32
      %get3A = arith.index_cast %mul3A_300 : i32 to index
      %get3A_301 = tpu.vector_load %arg9[%get3A] {strides = array<i32>} : memref<24576xf32, #tpu.memory_space<vmem>>, vector<16xf32>,
      %get3A_302 = vector.shape_cast %get3A_301 : vector<16xf32> to vector<16xf32>
      %mul3A_303 = arith.constant 16 : i32
      %mul3A_304 = arith.muli %scan3A_297, %mul3A_303 : i32
      %get3A_305 = arith.index_cast %mul3A_304 : i32 to index
      %get3A_306 = tpu.vector_load %arg8[%get3A_305] {strides = array<i32>} : memref<24576xf32, #tpu.memory_space<vmem>>, vector<16xf32>,
      %get3A_307 = vector.shape_cast %get3A_306 : vector<16xf32> to vector<16xf32>
      %add3A_308 = arith.addf %get3A_302, %get3A_307 : vector<16xf32>
      %mul3A_309 = arith.constant 16 : i32
      %mul3A_310 = arith.muli %scan3A_297, %mul3A_309 : i32
      %swap3A = arith.index_cast %mul3A_310 : i32 to index
      %swap3A_311 = tpu.vector_load %arg9[%swap3A] {strides = array<i32>} : memref<24576xf32, #tpu.memory_space<vmem>>, vector<16xf32>,
      %swap3A_312 = vector.shape_cast %swap3A_311 : vector<16xf32> to vector<16xf32>
      %swap3A_313 = vector.shape_cast %add3A_308 : vector<16xf32> to vector<16xf32>
      tpu.vector_store %arg9[%swap3A], %swap3A_313 {strides = array<i32>} : memref<24576xf32, #tpu.memory_space<vmem>>, vector<16xf32>,
      %scan3A_314 = arith.constant 0 : i32
      scf.yield %scan3A_314 : i32
    }
    %scan3A_143 = arith.constant 1536 : i32
    "tpu.region"() ({
      %run_scoped3A = tpu.sem_alloc : memref<!tpu.dma_semaphore, #tpu.memory_space<semaphore_mem>>
      %dma_start3A = tpu.memref_slice %arg5[%add3A_136] : memref<25165824xf32, #tpu.memory_space<hbm>> -> memref<24576xf32, #tpu.memory_space<hbm>>
      %dma_start3A_297 = tpu.memref_slice %arg5[%add3A_136] : memref<25165824xf32, #tpu.memory_space<hbm>> -> memref<24576xf32, #tpu.memory_space<hbm>>
      tpu.enqueue_dma source(%arg9 : memref<24576xf32, #tpu.memory_space<vmem>>) target(%dma_start3A_297 : memref<24576xf32, #tpu.memory_space<hbm>>) target_semaphore(%run_scoped3A : memref<!tpu.dma_semaphore, #tpu.memory_space<semaphore_mem>>)
      %dma_wait3A = tpu.memref_slice %arg5[%add3A_136] : memref<25165824xf32, #tpu.memory_space<hbm>> -> memref<24576xf32, #tpu.memory_space<hbm>>
      %dma_wait3A_298 = tpu.memref_slice %arg5[%add3A_136] : memref<25165824xf32, #tpu.memory_space<hbm>> -> memref<24576xf32, #tpu.memory_space<hbm>>
      tpu.wait_dma2 semaphore(%run_scoped3A : memref<!tpu.dma_semaphore, #tpu.memory_space<semaphore_mem>>) src(%arg9 : memref<24576xf32, #tpu.memory_space<vmem>>) dst(%dma_wait3A_298 : memref<24576xf32, #tpu.memory_space<hbm>>)
      tpu.yield
    }) : () -> ()
    %add3A_144 = arith.constant 11796480 : i32
    %add3A_145 = arith.addi %add3A_144, %mul3A_8 : i32
    "tpu.region"() ({
      %run_scoped3A = tpu.sem_alloc : memref<!tpu.dma_semaphore, #tpu.memory_space<semaphore_mem>>
      %dma_start3A = tpu.memref_slice %arg2[%add3A_145] : memref<25165824xf32, #tpu.memory_space<hbm>> -> memref<24576xf32, #tpu.memory_space<hbm>>
      %dma_start3A_297 = tpu.memref_slice %arg2[%add3A_145] : memref<25165824xf32, #tpu.memory_space<hbm>> -> memref<24576xf32, #tpu.memory_space<hbm>>
      tpu.enqueue_dma source(%dma_start3A_297 : memref<24576xf32, #tpu.memory_space<hbm>>) target(%arg9 : memref<24576xf32, #tpu.memory_space<vmem>>) target_semaphore(%run_scoped3A : memref<!tpu.dma_semaphore, #tpu.memory_space<semaphore_mem>>)
      %dma_wait3A = tpu.memref_slice %arg2[%add3A_145] : memref<25165824xf32, #tpu.memory_space<hbm>> -> memref<24576xf32, #tpu.memory_space<hbm>>
      %dma_wait3A_298 = tpu.memref_slice %arg2[%add3A_145] : memref<25165824xf32, #tpu.memory_space<hbm>> -> memref<24576xf32, #tpu.memory_space<hbm>>
      tpu.wait_dma2 semaphore(%run_scoped3A : memref<!tpu.dma_semaphore, #tpu.memory_space<semaphore_mem>>) src(%dma_wait3A_298 : memref<24576xf32, #tpu.memory_space<hbm>>) dst(%arg9 : memref<24576xf32, #tpu.memory_space<vmem>>)
      tpu.yield
    }) : () -> ()
    %scan3A_146 = arith.constant 0 : i32
    %scan3A_147 = arith.constant 0 : i32
    %scan3A_148 = arith.constant 1536 : i32
    %scan3A_149 = arith.addi %scan3A_147, %scan3A_148 : i32
    %scan3A_150 = arith.constant 1 : i32
    %scan3A_151 = scf.for %scan3A_297 = %scan3A_147 to %scan3A_149 step %scan3A_150 iter_args(%scan3A_298 = %scan3A_146) -> (i32)  : i32 {
      %mul3A_299 = arith.constant 16 : i32
      %mul3A_300 = arith.muli %scan3A_297, %mul3A_299 : i32
      %get3A = arith.index_cast %mul3A_300 : i32 to index
      %get3A_301 = tpu.vector_load %arg9[%get3A] {strides = array<i32>} : memref<24576xf32, #tpu.memory_space<vmem>>, vector<16xf32>,
      %get3A_302 = vector.shape_cast %get3A_301 : vector<16xf32> to vector<16xf32>
      %mul3A_303 = arith.constant 16 : i32
      %mul3A_304 = arith.muli %scan3A_297, %mul3A_303 : i32
      %get3A_305 = arith.index_cast %mul3A_304 : i32 to index
      %get3A_306 = tpu.vector_load %arg8[%get3A_305] {strides = array<i32>} : memref<24576xf32, #tpu.memory_space<vmem>>, vector<16xf32>,
      %get3A_307 = vector.shape_cast %get3A_306 : vector<16xf32> to vector<16xf32>
      %add3A_308 = arith.addf %get3A_302, %get3A_307 : vector<16xf32>
      %mul3A_309 = arith.constant 16 : i32
      %mul3A_310 = arith.muli %scan3A_297, %mul3A_309 : i32
      %swap3A = arith.index_cast %mul3A_310 : i32 to index
      %swap3A_311 = tpu.vector_load %arg9[%swap3A] {strides = array<i32>} : memref<24576xf32, #tpu.memory_space<vmem>>, vector<16xf32>,
      %swap3A_312 = vector.shape_cast %swap3A_311 : vector<16xf32> to vector<16xf32>
      %swap3A_313 = vector.shape_cast %add3A_308 : vector<16xf32> to vector<16xf32>
      tpu.vector_store %arg9[%swap3A], %swap3A_313 {strides = array<i32>} : memref<24576xf32, #tpu.memory_space<vmem>>, vector<16xf32>,
      %scan3A_314 = arith.constant 0 : i32
      scf.yield %scan3A_314 : i32
    }
    %scan3A_152 = arith.constant 1536 : i32
    "tpu.region"() ({
      %run_scoped3A = tpu.sem_alloc : memref<!tpu.dma_semaphore, #tpu.memory_space<semaphore_mem>>
      %dma_start3A = tpu.memref_slice %arg5[%add3A_145] : memref<25165824xf32, #tpu.memory_space<hbm>> -> memref<24576xf32, #tpu.memory_space<hbm>>
      %dma_start3A_297 = tpu.memref_slice %arg5[%add3A_145] : memref<25165824xf32, #tpu.memory_space<hbm>> -> memref<24576xf32, #tpu.memory_space<hbm>>
      tpu.enqueue_dma source(%arg9 : memref<24576xf32, #tpu.memory_space<vmem>>) target(%dma_start3A_297 : memref<24576xf32, #tpu.memory_space<hbm>>) target_semaphore(%run_scoped3A : memref<!tpu.dma_semaphore, #tpu.memory_space<semaphore_mem>>)
      %dma_wait3A = tpu.memref_slice %arg5[%add3A_145] : memref<25165824xf32, #tpu.memory_space<hbm>> -> memref<24576xf32, #tpu.memory_space<hbm>>
      %dma_wait3A_298 = tpu.memref_slice %arg5[%add3A_145] : memref<25165824xf32, #tpu.memory_space<hbm>> -> memref<24576xf32, #tpu.memory_space<hbm>>
      tpu.wait_dma2 semaphore(%run_scoped3A : memref<!tpu.dma_semaphore, #tpu.memory_space<semaphore_mem>>) src(%arg9 : memref<24576xf32, #tpu.memory_space<vmem>>) dst(%dma_wait3A_298 : memref<24576xf32, #tpu.memory_space<hbm>>)
      tpu.yield
    }) : () -> ()
    %add3A_153 = arith.constant 12582912 : i32
    %add3A_154 = arith.addi %add3A_153, %mul3A_8 : i32
    "tpu.region"() ({
      %run_scoped3A = tpu.sem_alloc : memref<!tpu.dma_semaphore, #tpu.memory_space<semaphore_mem>>
      %dma_start3A = tpu.memref_slice %arg2[%add3A_154] : memref<25165824xf32, #tpu.memory_space<hbm>> -> memref<24576xf32, #tpu.memory_space<hbm>>
      %dma_start3A_297 = tpu.memref_slice %arg2[%add3A_154] : memref<25165824xf32, #tpu.memory_space<hbm>> -> memref<24576xf32, #tpu.memory_space<hbm>>
      tpu.enqueue_dma source(%dma_start3A_297 : memref<24576xf32, #tpu.memory_space<hbm>>) target(%arg9 : memref<24576xf32, #tpu.memory_space<vmem>>) target_semaphore(%run_scoped3A : memref<!tpu.dma_semaphore, #tpu.memory_space<semaphore_mem>>)
      %dma_wait3A = tpu.memref_slice %arg2[%add3A_154] : memref<25165824xf32, #tpu.memory_space<hbm>> -> memref<24576xf32, #tpu.memory_space<hbm>>
      %dma_wait3A_298 = tpu.memref_slice %arg2[%add3A_154] : memref<25165824xf32, #tpu.memory_space<hbm>> -> memref<24576xf32, #tpu.memory_space<hbm>>
      tpu.wait_dma2 semaphore(%run_scoped3A : memref<!tpu.dma_semaphore, #tpu.memory_space<semaphore_mem>>) src(%dma_wait3A_298 : memref<24576xf32, #tpu.memory_space<hbm>>) dst(%arg9 : memref<24576xf32, #tpu.memory_space<vmem>>)
      tpu.yield
    }) : () -> ()
    %scan3A_155 = arith.constant 0 : i32
    %scan3A_156 = arith.constant 0 : i32
    %scan3A_157 = arith.constant 1536 : i32
    %scan3A_158 = arith.addi %scan3A_156, %scan3A_157 : i32
    %scan3A_159 = arith.constant 1 : i32
    %scan3A_160 = scf.for %scan3A_297 = %scan3A_156 to %scan3A_158 step %scan3A_159 iter_args(%scan3A_298 = %scan3A_155) -> (i32)  : i32 {
      %mul3A_299 = arith.constant 16 : i32
      %mul3A_300 = arith.muli %scan3A_297, %mul3A_299 : i32
      %get3A = arith.index_cast %mul3A_300 : i32 to index
      %get3A_301 = tpu.vector_load %arg9[%get3A] {strides = array<i32>} : memref<24576xf32, #tpu.memory_space<vmem>>, vector<16xf32>,
      %get3A_302 = vector.shape_cast %get3A_301 : vector<16xf32> to vector<16xf32>
      %mul3A_303 = arith.constant 16 : i32
      %mul3A_304 = arith.muli %scan3A_297, %mul3A_303 : i32
      %get3A_305 = arith.index_cast %mul3A_304 : i32 to index
      %get3A_306 = tpu.vector_load %arg8[%get3A_305] {strides = array<i32>} : memref<24576xf32, #tpu.memory_space<vmem>>, vector<16xf32>,
      %get3A_307 = vector.shape_cast %get3A_306 : vector<16xf32> to vector<16xf32>
      %add3A_308 = arith.addf %get3A_302, %get3A_307 : vector<16xf32>
      %mul3A_309 = arith.constant 16 : i32
      %mul3A_310 = arith.muli %scan3A_297, %mul3A_309 : i32
      %swap3A = arith.index_cast %mul3A_310 : i32 to index
      %swap3A_311 = tpu.vector_load %arg9[%swap3A] {strides = array<i32>} : memref<24576xf32, #tpu.memory_space<vmem>>, vector<16xf32>,
      %swap3A_312 = vector.shape_cast %swap3A_311 : vector<16xf32> to vector<16xf32>
      %swap3A_313 = vector.shape_cast %add3A_308 : vector<16xf32> to vector<16xf32>
      tpu.vector_store %arg9[%swap3A], %swap3A_313 {strides = array<i32>} : memref<24576xf32, #tpu.memory_space<vmem>>, vector<16xf32>,
      %scan3A_314 = arith.constant 0 : i32
      scf.yield %scan3A_314 : i32
    }
    %scan3A_161 = arith.constant 1536 : i32
    "tpu.region"() ({
      %run_scoped3A = tpu.sem_alloc : memref<!tpu.dma_semaphore, #tpu.memory_space<semaphore_mem>>
      %dma_start3A = tpu.memref_slice %arg5[%add3A_154] : memref<25165824xf32, #tpu.memory_space<hbm>> -> memref<24576xf32, #tpu.memory_space<hbm>>
      %dma_start3A_297 = tpu.memref_slice %arg5[%add3A_154] : memref<25165824xf32, #tpu.memory_space<hbm>> -> memref<24576xf32, #tpu.memory_space<hbm>>
      tpu.enqueue_dma source(%arg9 : memref<24576xf32, #tpu.memory_space<vmem>>) target(%dma_start3A_297 : memref<24576xf32, #tpu.memory_space<hbm>>) target_semaphore(%run_scoped3A : memref<!tpu.dma_semaphore, #tpu.memory_space<semaphore_mem>>)
      %dma_wait3A = tpu.memref_slice %arg5[%add3A_154] : memref<25165824xf32, #tpu.memory_space<hbm>> -> memref<24576xf32, #tpu.memory_space<hbm>>
      %dma_wait3A_298 = tpu.memref_slice %arg5[%add3A_154] : memref<25165824xf32, #tpu.memory_space<hbm>> -> memref<24576xf32, #tpu.memory_space<hbm>>
      tpu.wait_dma2 semaphore(%run_scoped3A : memref<!tpu.dma_semaphore, #tpu.memory_space<semaphore_mem>>) src(%arg9 : memref<24576xf32, #tpu.memory_space<vmem>>) dst(%dma_wait3A_298 : memref<24576xf32, #tpu.memory_space<hbm>>)
      tpu.yield
    }) : () -> ()
    %add3A_162 = arith.constant 13369344 : i32
    %add3A_163 = arith.addi %add3A_162, %mul3A_8 : i32
    "tpu.region"() ({
      %run_scoped3A = tpu.sem_alloc : memref<!tpu.dma_semaphore, #tpu.memory_space<semaphore_mem>>
      %dma_start3A = tpu.memref_slice %arg2[%add3A_163] : memref<25165824xf32, #tpu.memory_space<hbm>> -> memref<24576xf32, #tpu.memory_space<hbm>>
      %dma_start3A_297 = tpu.memref_slice %arg2[%add3A_163] : memref<25165824xf32, #tpu.memory_space<hbm>> -> memref<24576xf32, #tpu.memory_space<hbm>>
      tpu.enqueue_dma source(%dma_start3A_297 : memref<24576xf32, #tpu.memory_space<hbm>>) target(%arg9 : memref<24576xf32, #tpu.memory_space<vmem>>) target_semaphore(%run_scoped3A : memref<!tpu.dma_semaphore, #tpu.memory_space<semaphore_mem>>)
      %dma_wait3A = tpu.memref_slice %arg2[%add3A_163] : memref<25165824xf32, #tpu.memory_space<hbm>> -> memref<24576xf32, #tpu.memory_space<hbm>>
      %dma_wait3A_298 = tpu.memref_slice %arg2[%add3A_163] : memref<25165824xf32, #tpu.memory_space<hbm>> -> memref<24576xf32, #tpu.memory_space<hbm>>
      tpu.wait_dma2 semaphore(%run_scoped3A : memref<!tpu.dma_semaphore, #tpu.memory_space<semaphore_mem>>) src(%dma_wait3A_298 : memref<24576xf32, #tpu.memory_space<hbm>>) dst(%arg9 : memref<24576xf32, #tpu.memory_space<vmem>>)
      tpu.yield
    }) : () -> ()
    %scan3A_164 = arith.constant 0 : i32
    %scan3A_165 = arith.constant 0 : i32
    %scan3A_166 = arith.constant 1536 : i32
    %scan3A_167 = arith.addi %scan3A_165, %scan3A_166 : i32
    %scan3A_168 = arith.constant 1 : i32
    %scan3A_169 = scf.for %scan3A_297 = %scan3A_165 to %scan3A_167 step %scan3A_168 iter_args(%scan3A_298 = %scan3A_164) -> (i32)  : i32 {
      %mul3A_299 = arith.constant 16 : i32
      %mul3A_300 = arith.muli %scan3A_297, %mul3A_299 : i32
      %get3A = arith.index_cast %mul3A_300 : i32 to index
      %get3A_301 = tpu.vector_load %arg9[%get3A] {strides = array<i32>} : memref<24576xf32, #tpu.memory_space<vmem>>, vector<16xf32>,
      %get3A_302 = vector.shape_cast %get3A_301 : vector<16xf32> to vector<16xf32>
      %mul3A_303 = arith.constant 16 : i32
      %mul3A_304 = arith.muli %scan3A_297, %mul3A_303 : i32
      %get3A_305 = arith.index_cast %mul3A_304 : i32 to index
      %get3A_306 = tpu.vector_load %arg8[%get3A_305] {strides = array<i32>} : memref<24576xf32, #tpu.memory_space<vmem>>, vector<16xf32>,
      %get3A_307 = vector.shape_cast %get3A_306 : vector<16xf32> to vector<16xf32>
      %add3A_308 = arith.addf %get3A_302, %get3A_307 : vector<16xf32>
      %mul3A_309 = arith.constant 16 : i32
      %mul3A_310 = arith.muli %scan3A_297, %mul3A_309 : i32
      %swap3A = arith.index_cast %mul3A_310 : i32 to index
      %swap3A_311 = tpu.vector_load %arg9[%swap3A] {strides = array<i32>} : memref<24576xf32, #tpu.memory_space<vmem>>, vector<16xf32>,
      %swap3A_312 = vector.shape_cast %swap3A_311 : vector<16xf32> to vector<16xf32>
      %swap3A_313 = vector.shape_cast %add3A_308 : vector<16xf32> to vector<16xf32>
      tpu.vector_store %arg9[%swap3A], %swap3A_313 {strides = array<i32>} : memref<24576xf32, #tpu.memory_space<vmem>>, vector<16xf32>,
      %scan3A_314 = arith.constant 0 : i32
      scf.yield %scan3A_314 : i32
    }
    %scan3A_170 = arith.constant 1536 : i32
    "tpu.region"() ({
      %run_scoped3A = tpu.sem_alloc : memref<!tpu.dma_semaphore, #tpu.memory_space<semaphore_mem>>
      %dma_start3A = tpu.memref_slice %arg5[%add3A_163] : memref<25165824xf32, #tpu.memory_space<hbm>> -> memref<24576xf32, #tpu.memory_space<hbm>>
      %dma_start3A_297 = tpu.memref_slice %arg5[%add3A_163] : memref<25165824xf32, #tpu.memory_space<hbm>> -> memref<24576xf32, #tpu.memory_space<hbm>>
      tpu.enqueue_dma source(%arg9 : memref<24576xf32, #tpu.memory_space<vmem>>) target(%dma_start3A_297 : memref<24576xf32, #tpu.memory_space<hbm>>) target_semaphore(%run_scoped3A : memref<!tpu.dma_semaphore, #tpu.memory_space<semaphore_mem>>)
      %dma_wait3A = tpu.memref_slice %arg5[%add3A_163] : memref<25165824xf32, #tpu.memory_space<hbm>> -> memref<24576xf32, #tpu.memory_space<hbm>>
      %dma_wait3A_298 = tpu.memref_slice %arg5[%add3A_163] : memref<25165824xf32, #tpu.memory_space<hbm>> -> memref<24576xf32, #tpu.memory_space<hbm>>
      tpu.wait_dma2 semaphore(%run_scoped3A : memref<!tpu.dma_semaphore, #tpu.memory_space<semaphore_mem>>) src(%arg9 : memref<24576xf32, #tpu.memory_space<vmem>>) dst(%dma_wait3A_298 : memref<24576xf32, #tpu.memory_space<hbm>>)
      tpu.yield
    }) : () -> ()
    %add3A_171 = arith.constant 14155776 : i32
    %add3A_172 = arith.addi %add3A_171, %mul3A_8 : i32
    "tpu.region"() ({
      %run_scoped3A = tpu.sem_alloc : memref<!tpu.dma_semaphore, #tpu.memory_space<semaphore_mem>>
      %dma_start3A = tpu.memref_slice %arg2[%add3A_172] : memref<25165824xf32, #tpu.memory_space<hbm>> -> memref<24576xf32, #tpu.memory_space<hbm>>
      %dma_start3A_297 = tpu.memref_slice %arg2[%add3A_172] : memref<25165824xf32, #tpu.memory_space<hbm>> -> memref<24576xf32, #tpu.memory_space<hbm>>
      tpu.enqueue_dma source(%dma_start3A_297 : memref<24576xf32, #tpu.memory_space<hbm>>) target(%arg9 : memref<24576xf32, #tpu.memory_space<vmem>>) target_semaphore(%run_scoped3A : memref<!tpu.dma_semaphore, #tpu.memory_space<semaphore_mem>>)
      %dma_wait3A = tpu.memref_slice %arg2[%add3A_172] : memref<25165824xf32, #tpu.memory_space<hbm>> -> memref<24576xf32, #tpu.memory_space<hbm>>
      %dma_wait3A_298 = tpu.memref_slice %arg2[%add3A_172] : memref<25165824xf32, #tpu.memory_space<hbm>> -> memref<24576xf32, #tpu.memory_space<hbm>>
      tpu.wait_dma2 semaphore(%run_scoped3A : memref<!tpu.dma_semaphore, #tpu.memory_space<semaphore_mem>>) src(%dma_wait3A_298 : memref<24576xf32, #tpu.memory_space<hbm>>) dst(%arg9 : memref<24576xf32, #tpu.memory_space<vmem>>)
      tpu.yield
    }) : () -> ()
    %scan3A_173 = arith.constant 0 : i32
    %scan3A_174 = arith.constant 0 : i32
    %scan3A_175 = arith.constant 1536 : i32
    %scan3A_176 = arith.addi %scan3A_174, %scan3A_175 : i32
    %scan3A_177 = arith.constant 1 : i32
    %scan3A_178 = scf.for %scan3A_297 = %scan3A_174 to %scan3A_176 step %scan3A_177 iter_args(%scan3A_298 = %scan3A_173) -> (i32)  : i32 {
      %mul3A_299 = arith.constant 16 : i32
      %mul3A_300 = arith.muli %scan3A_297, %mul3A_299 : i32
      %get3A = arith.index_cast %mul3A_300 : i32 to index
      %get3A_301 = tpu.vector_load %arg9[%get3A] {strides = array<i32>} : memref<24576xf32, #tpu.memory_space<vmem>>, vector<16xf32>,
      %get3A_302 = vector.shape_cast %get3A_301 : vector<16xf32> to vector<16xf32>
      %mul3A_303 = arith.constant 16 : i32
      %mul3A_304 = arith.muli %scan3A_297, %mul3A_303 : i32
      %get3A_305 = arith.index_cast %mul3A_304 : i32 to index
      %get3A_306 = tpu.vector_load %arg8[%get3A_305] {strides = array<i32>} : memref<24576xf32, #tpu.memory_space<vmem>>, vector<16xf32>,
      %get3A_307 = vector.shape_cast %get3A_306 : vector<16xf32> to vector<16xf32>
      %add3A_308 = arith.addf %get3A_302, %get3A_307 : vector<16xf32>
      %mul3A_309 = arith.constant 16 : i32
      %mul3A_310 = arith.muli %scan3A_297, %mul3A_309 : i32
      %swap3A = arith.index_cast %mul3A_310 : i32 to index
      %swap3A_311 = tpu.vector_load %arg9[%swap3A] {strides = array<i32>} : memref<24576xf32, #tpu.memory_space<vmem>>, vector<16xf32>,
      %swap3A_312 = vector.shape_cast %swap3A_311 : vector<16xf32> to vector<16xf32>
      %swap3A_313 = vector.shape_cast %add3A_308 : vector<16xf32> to vector<16xf32>
      tpu.vector_store %arg9[%swap3A], %swap3A_313 {strides = array<i32>} : memref<24576xf32, #tpu.memory_space<vmem>>, vector<16xf32>,
      %scan3A_314 = arith.constant 0 : i32
      scf.yield %scan3A_314 : i32
    }
    %scan3A_179 = arith.constant 1536 : i32
    "tpu.region"() ({
      %run_scoped3A = tpu.sem_alloc : memref<!tpu.dma_semaphore, #tpu.memory_space<semaphore_mem>>
      %dma_start3A = tpu.memref_slice %arg5[%add3A_172] : memref<25165824xf32, #tpu.memory_space<hbm>> -> memref<24576xf32, #tpu.memory_space<hbm>>
      %dma_start3A_297 = tpu.memref_slice %arg5[%add3A_172] : memref<25165824xf32, #tpu.memory_space<hbm>> -> memref<24576xf32, #tpu.memory_space<hbm>>
      tpu.enqueue_dma source(%arg9 : memref<24576xf32, #tpu.memory_space<vmem>>) target(%dma_start3A_297 : memref<24576xf32, #tpu.memory_space<hbm>>) target_semaphore(%run_scoped3A : memref<!tpu.dma_semaphore, #tpu.memory_space<semaphore_mem>>)
      %dma_wait3A = tpu.memref_slice %arg5[%add3A_172] : memref<25165824xf32, #tpu.memory_space<hbm>> -> memref<24576xf32, #tpu.memory_space<hbm>>
      %dma_wait3A_298 = tpu.memref_slice %arg5[%add3A_172] : memref<25165824xf32, #tpu.memory_space<hbm>> -> memref<24576xf32, #tpu.memory_space<hbm>>
      tpu.wait_dma2 semaphore(%run_scoped3A : memref<!tpu.dma_semaphore, #tpu.memory_space<semaphore_mem>>) src(%arg9 : memref<24576xf32, #tpu.memory_space<vmem>>) dst(%dma_wait3A_298 : memref<24576xf32, #tpu.memory_space<hbm>>)
      tpu.yield
    }) : () -> ()
    %add3A_180 = arith.constant 14942208 : i32
    %add3A_181 = arith.addi %add3A_180, %mul3A_8 : i32
    "tpu.region"() ({
      %run_scoped3A = tpu.sem_alloc : memref<!tpu.dma_semaphore, #tpu.memory_space<semaphore_mem>>
      %dma_start3A = tpu.memref_slice %arg2[%add3A_181] : memref<25165824xf32, #tpu.memory_space<hbm>> -> memref<24576xf32, #tpu.memory_space<hbm>>
      %dma_start3A_297 = tpu.memref_slice %arg2[%add3A_181] : memref<25165824xf32, #tpu.memory_space<hbm>> -> memref<24576xf32, #tpu.memory_space<hbm>>
      tpu.enqueue_dma source(%dma_start3A_297 : memref<24576xf32, #tpu.memory_space<hbm>>) target(%arg9 : memref<24576xf32, #tpu.memory_space<vmem>>) target_semaphore(%run_scoped3A : memref<!tpu.dma_semaphore, #tpu.memory_space<semaphore_mem>>)
      %dma_wait3A = tpu.memref_slice %arg2[%add3A_181] : memref<25165824xf32, #tpu.memory_space<hbm>> -> memref<24576xf32, #tpu.memory_space<hbm>>
      %dma_wait3A_298 = tpu.memref_slice %arg2[%add3A_181] : memref<25165824xf32, #tpu.memory_space<hbm>> -> memref<24576xf32, #tpu.memory_space<hbm>>
      tpu.wait_dma2 semaphore(%run_scoped3A : memref<!tpu.dma_semaphore, #tpu.memory_space<semaphore_mem>>) src(%dma_wait3A_298 : memref<24576xf32, #tpu.memory_space<hbm>>) dst(%arg9 : memref<24576xf32, #tpu.memory_space<vmem>>)
      tpu.yield
    }) : () -> ()
    %scan3A_182 = arith.constant 0 : i32
    %scan3A_183 = arith.constant 0 : i32
    %scan3A_184 = arith.constant 1536 : i32
    %scan3A_185 = arith.addi %scan3A_183, %scan3A_184 : i32
    %scan3A_186 = arith.constant 1 : i32
    %scan3A_187 = scf.for %scan3A_297 = %scan3A_183 to %scan3A_185 step %scan3A_186 iter_args(%scan3A_298 = %scan3A_182) -> (i32)  : i32 {
      %mul3A_299 = arith.constant 16 : i32
      %mul3A_300 = arith.muli %scan3A_297, %mul3A_299 : i32
      %get3A = arith.index_cast %mul3A_300 : i32 to index
      %get3A_301 = tpu.vector_load %arg9[%get3A] {strides = array<i32>} : memref<24576xf32, #tpu.memory_space<vmem>>, vector<16xf32>,
      %get3A_302 = vector.shape_cast %get3A_301 : vector<16xf32> to vector<16xf32>
      %mul3A_303 = arith.constant 16 : i32
      %mul3A_304 = arith.muli %scan3A_297, %mul3A_303 : i32
      %get3A_305 = arith.index_cast %mul3A_304 : i32 to index
      %get3A_306 = tpu.vector_load %arg8[%get3A_305] {strides = array<i32>} : memref<24576xf32, #tpu.memory_space<vmem>>, vector<16xf32>,
      %get3A_307 = vector.shape_cast %get3A_306 : vector<16xf32> to vector<16xf32>
      %add3A_308 = arith.addf %get3A_302, %get3A_307 : vector<16xf32>
      %mul3A_309 = arith.constant 16 : i32
      %mul3A_310 = arith.muli %scan3A_297, %mul3A_309 : i32
      %swap3A = arith.index_cast %mul3A_310 : i32 to index
      %swap3A_311 = tpu.vector_load %arg9[%swap3A] {strides = array<i32>} : memref<24576xf32, #tpu.memory_space<vmem>>, vector<16xf32>,
      %swap3A_312 = vector.shape_cast %swap3A_311 : vector<16xf32> to vector<16xf32>
      %swap3A_313 = vector.shape_cast %add3A_308 : vector<16xf32> to vector<16xf32>
      tpu.vector_store %arg9[%swap3A], %swap3A_313 {strides = array<i32>} : memref<24576xf32, #tpu.memory_space<vmem>>, vector<16xf32>,
      %scan3A_314 = arith.constant 0 : i32
      scf.yield %scan3A_314 : i32
    }
    %scan3A_188 = arith.constant 1536 : i32
    "tpu.region"() ({
      %run_scoped3A = tpu.sem_alloc : memref<!tpu.dma_semaphore, #tpu.memory_space<semaphore_mem>>
      %dma_start3A = tpu.memref_slice %arg5[%add3A_181] : memref<25165824xf32, #tpu.memory_space<hbm>> -> memref<24576xf32, #tpu.memory_space<hbm>>
      %dma_start3A_297 = tpu.memref_slice %arg5[%add3A_181] : memref<25165824xf32, #tpu.memory_space<hbm>> -> memref<24576xf32, #tpu.memory_space<hbm>>
      tpu.enqueue_dma source(%arg9 : memref<24576xf32, #tpu.memory_space<vmem>>) target(%dma_start3A_297 : memref<24576xf32, #tpu.memory_space<hbm>>) target_semaphore(%run_scoped3A : memref<!tpu.dma_semaphore, #tpu.memory_space<semaphore_mem>>)
      %dma_wait3A = tpu.memref_slice %arg5[%add3A_181] : memref<25165824xf32, #tpu.memory_space<hbm>> -> memref<24576xf32, #tpu.memory_space<hbm>>
      %dma_wait3A_298 = tpu.memref_slice %arg5[%add3A_181] : memref<25165824xf32, #tpu.memory_space<hbm>> -> memref<24576xf32, #tpu.memory_space<hbm>>
      tpu.wait_dma2 semaphore(%run_scoped3A : memref<!tpu.dma_semaphore, #tpu.memory_space<semaphore_mem>>) src(%arg9 : memref<24576xf32, #tpu.memory_space<vmem>>) dst(%dma_wait3A_298 : memref<24576xf32, #tpu.memory_space<hbm>>)
      tpu.yield
    }) : () -> ()
    %add3A_189 = arith.constant 15728640 : i32
    %add3A_190 = arith.addi %add3A_189, %mul3A_8 : i32
    "tpu.region"() ({
      %run_scoped3A = tpu.sem_alloc : memref<!tpu.dma_semaphore, #tpu.memory_space<semaphore_mem>>
      %dma_start3A = tpu.memref_slice %arg2[%add3A_190] : memref<25165824xf32, #tpu.memory_space<hbm>> -> memref<24576xf32, #tpu.memory_space<hbm>>
      %dma_start3A_297 = tpu.memref_slice %arg2[%add3A_190] : memref<25165824xf32, #tpu.memory_space<hbm>> -> memref<24576xf32, #tpu.memory_space<hbm>>
      tpu.enqueue_dma source(%dma_start3A_297 : memref<24576xf32, #tpu.memory_space<hbm>>) target(%arg9 : memref<24576xf32, #tpu.memory_space<vmem>>) target_semaphore(%run_scoped3A : memref<!tpu.dma_semaphore, #tpu.memory_space<semaphore_mem>>)
      %dma_wait3A = tpu.memref_slice %arg2[%add3A_190] : memref<25165824xf32, #tpu.memory_space<hbm>> -> memref<24576xf32, #tpu.memory_space<hbm>>
      %dma_wait3A_298 = tpu.memref_slice %arg2[%add3A_190] : memref<25165824xf32, #tpu.memory_space<hbm>> -> memref<24576xf32, #tpu.memory_space<hbm>>
      tpu.wait_dma2 semaphore(%run_scoped3A : memref<!tpu.dma_semaphore, #tpu.memory_space<semaphore_mem>>) src(%dma_wait3A_298 : memref<24576xf32, #tpu.memory_space<hbm>>) dst(%arg9 : memref<24576xf32, #tpu.memory_space<vmem>>)
      tpu.yield
    }) : () -> ()
    %scan3A_191 = arith.constant 0 : i32
    %scan3A_192 = arith.constant 0 : i32
    %scan3A_193 = arith.constant 1536 : i32
    %scan3A_194 = arith.addi %scan3A_192, %scan3A_193 : i32
    %scan3A_195 = arith.constant 1 : i32
    %scan3A_196 = scf.for %scan3A_297 = %scan3A_192 to %scan3A_194 step %scan3A_195 iter_args(%scan3A_298 = %scan3A_191) -> (i32)  : i32 {
      %mul3A_299 = arith.constant 16 : i32
      %mul3A_300 = arith.muli %scan3A_297, %mul3A_299 : i32
      %get3A = arith.index_cast %mul3A_300 : i32 to index
      %get3A_301 = tpu.vector_load %arg9[%get3A] {strides = array<i32>} : memref<24576xf32, #tpu.memory_space<vmem>>, vector<16xf32>,
      %get3A_302 = vector.shape_cast %get3A_301 : vector<16xf32> to vector<16xf32>
      %mul3A_303 = arith.constant 16 : i32
      %mul3A_304 = arith.muli %scan3A_297, %mul3A_303 : i32
      %get3A_305 = arith.index_cast %mul3A_304 : i32 to index
      %get3A_306 = tpu.vector_load %arg8[%get3A_305] {strides = array<i32>} : memref<24576xf32, #tpu.memory_space<vmem>>, vector<16xf32>,
      %get3A_307 = vector.shape_cast %get3A_306 : vector<16xf32> to vector<16xf32>
      %add3A_308 = arith.addf %get3A_302, %get3A_307 : vector<16xf32>
      %mul3A_309 = arith.constant 16 : i32
      %mul3A_310 = arith.muli %scan3A_297, %mul3A_309 : i32
      %swap3A = arith.index_cast %mul3A_310 : i32 to index
      %swap3A_311 = tpu.vector_load %arg9[%swap3A] {strides = array<i32>} : memref<24576xf32, #tpu.memory_space<vmem>>, vector<16xf32>,
      %swap3A_312 = vector.shape_cast %swap3A_311 : vector<16xf32> to vector<16xf32>
      %swap3A_313 = vector.shape_cast %add3A_308 : vector<16xf32> to vector<16xf32>
      tpu.vector_store %arg9[%swap3A], %swap3A_313 {strides = array<i32>} : memref<24576xf32, #tpu.memory_space<vmem>>, vector<16xf32>,
      %scan3A_314 = arith.constant 0 : i32
      scf.yield %scan3A_314 : i32
    }
    %scan3A_197 = arith.constant 1536 : i32
    "tpu.region"() ({
      %run_scoped3A = tpu.sem_alloc : memref<!tpu.dma_semaphore, #tpu.memory_space<semaphore_mem>>
      %dma_start3A = tpu.memref_slice %arg5[%add3A_190] : memref<25165824xf32, #tpu.memory_space<hbm>> -> memref<24576xf32, #tpu.memory_space<hbm>>
      %dma_start3A_297 = tpu.memref_slice %arg5[%add3A_190] : memref<25165824xf32, #tpu.memory_space<hbm>> -> memref<24576xf32, #tpu.memory_space<hbm>>
      tpu.enqueue_dma source(%arg9 : memref<24576xf32, #tpu.memory_space<vmem>>) target(%dma_start3A_297 : memref<24576xf32, #tpu.memory_space<hbm>>) target_semaphore(%run_scoped3A : memref<!tpu.dma_semaphore, #tpu.memory_space<semaphore_mem>>)
      %dma_wait3A = tpu.memref_slice %arg5[%add3A_190] : memref<25165824xf32, #tpu.memory_space<hbm>> -> memref<24576xf32, #tpu.memory_space<hbm>>
      %dma_wait3A_298 = tpu.memref_slice %arg5[%add3A_190] : memref<25165824xf32, #tpu.memory_space<hbm>> -> memref<24576xf32, #tpu.memory_space<hbm>>
      tpu.wait_dma2 semaphore(%run_scoped3A : memref<!tpu.dma_semaphore, #tpu.memory_space<semaphore_mem>>) src(%arg9 : memref<24576xf32, #tpu.memory_space<vmem>>) dst(%dma_wait3A_298 : memref<24576xf32, #tpu.memory_space<hbm>>)
      tpu.yield
    }) : () -> ()
    %add3A_198 = arith.constant 16515072 : i32
    %add3A_199 = arith.addi %add3A_198, %mul3A_8 : i32
    "tpu.region"() ({
      %run_scoped3A = tpu.sem_alloc : memref<!tpu.dma_semaphore, #tpu.memory_space<semaphore_mem>>
      %dma_start3A = tpu.memref_slice %arg2[%add3A_199] : memref<25165824xf32, #tpu.memory_space<hbm>> -> memref<24576xf32, #tpu.memory_space<hbm>>
      %dma_start3A_297 = tpu.memref_slice %arg2[%add3A_199] : memref<25165824xf32, #tpu.memory_space<hbm>> -> memref<24576xf32, #tpu.memory_space<hbm>>
      tpu.enqueue_dma source(%dma_start3A_297 : memref<24576xf32, #tpu.memory_space<hbm>>) target(%arg9 : memref<24576xf32, #tpu.memory_space<vmem>>) target_semaphore(%run_scoped3A : memref<!tpu.dma_semaphore, #tpu.memory_space<semaphore_mem>>)
      %dma_wait3A = tpu.memref_slice %arg2[%add3A_199] : memref<25165824xf32, #tpu.memory_space<hbm>> -> memref<24576xf32, #tpu.memory_space<hbm>>
      %dma_wait3A_298 = tpu.memref_slice %arg2[%add3A_199] : memref<25165824xf32, #tpu.memory_space<hbm>> -> memref<24576xf32, #tpu.memory_space<hbm>>
      tpu.wait_dma2 semaphore(%run_scoped3A : memref<!tpu.dma_semaphore, #tpu.memory_space<semaphore_mem>>) src(%dma_wait3A_298 : memref<24576xf32, #tpu.memory_space<hbm>>) dst(%arg9 : memref<24576xf32, #tpu.memory_space<vmem>>)
      tpu.yield
    }) : () -> ()
    %scan3A_200 = arith.constant 0 : i32
    %scan3A_201 = arith.constant 0 : i32
    %scan3A_202 = arith.constant 1536 : i32
    %scan3A_203 = arith.addi %scan3A_201, %scan3A_202 : i32
    %scan3A_204 = arith.constant 1 : i32
    %scan3A_205 = scf.for %scan3A_297 = %scan3A_201 to %scan3A_203 step %scan3A_204 iter_args(%scan3A_298 = %scan3A_200) -> (i32)  : i32 {
      %mul3A_299 = arith.constant 16 : i32
      %mul3A_300 = arith.muli %scan3A_297, %mul3A_299 : i32
      %get3A = arith.index_cast %mul3A_300 : i32 to index
      %get3A_301 = tpu.vector_load %arg9[%get3A] {strides = array<i32>} : memref<24576xf32, #tpu.memory_space<vmem>>, vector<16xf32>,
      %get3A_302 = vector.shape_cast %get3A_301 : vector<16xf32> to vector<16xf32>
      %mul3A_303 = arith.constant 16 : i32
      %mul3A_304 = arith.muli %scan3A_297, %mul3A_303 : i32
      %get3A_305 = arith.index_cast %mul3A_304 : i32 to index
      %get3A_306 = tpu.vector_load %arg8[%get3A_305] {strides = array<i32>} : memref<24576xf32, #tpu.memory_space<vmem>>, vector<16xf32>,
      %get3A_307 = vector.shape_cast %get3A_306 : vector<16xf32> to vector<16xf32>
      %add3A_308 = arith.addf %get3A_302, %get3A_307 : vector<16xf32>
      %mul3A_309 = arith.constant 16 : i32
      %mul3A_310 = arith.muli %scan3A_297, %mul3A_309 : i32
      %swap3A = arith.index_cast %mul3A_310 : i32 to index
      %swap3A_311 = tpu.vector_load %arg9[%swap3A] {strides = array<i32>} : memref<24576xf32, #tpu.memory_space<vmem>>, vector<16xf32>,
      %swap3A_312 = vector.shape_cast %swap3A_311 : vector<16xf32> to vector<16xf32>
      %swap3A_313 = vector.shape_cast %add3A_308 : vector<16xf32> to vector<16xf32>
      tpu.vector_store %arg9[%swap3A], %swap3A_313 {strides = array<i32>} : memref<24576xf32, #tpu.memory_space<vmem>>, vector<16xf32>,
      %scan3A_314 = arith.constant 0 : i32
      scf.yield %scan3A_314 : i32
    }
    %scan3A_206 = arith.constant 1536 : i32
    "tpu.region"() ({
      %run_scoped3A = tpu.sem_alloc : memref<!tpu.dma_semaphore, #tpu.memory_space<semaphore_mem>>
      %dma_start3A = tpu.memref_slice %arg5[%add3A_199] : memref<25165824xf32, #tpu.memory_space<hbm>> -> memref<24576xf32, #tpu.memory_space<hbm>>
      %dma_start3A_297 = tpu.memref_slice %arg5[%add3A_199] : memref<25165824xf32, #tpu.memory_space<hbm>> -> memref<24576xf32, #tpu.memory_space<hbm>>
      tpu.enqueue_dma source(%arg9 : memref<24576xf32, #tpu.memory_space<vmem>>) target(%dma_start3A_297 : memref<24576xf32, #tpu.memory_space<hbm>>) target_semaphore(%run_scoped3A : memref<!tpu.dma_semaphore, #tpu.memory_space<semaphore_mem>>)
      %dma_wait3A = tpu.memref_slice %arg5[%add3A_199] : memref<25165824xf32, #tpu.memory_space<hbm>> -> memref<24576xf32, #tpu.memory_space<hbm>>
      %dma_wait3A_298 = tpu.memref_slice %arg5[%add3A_199] : memref<25165824xf32, #tpu.memory_space<hbm>> -> memref<24576xf32, #tpu.memory_space<hbm>>
      tpu.wait_dma2 semaphore(%run_scoped3A : memref<!tpu.dma_semaphore, #tpu.memory_space<semaphore_mem>>) src(%arg9 : memref<24576xf32, #tpu.memory_space<vmem>>) dst(%dma_wait3A_298 : memref<24576xf32, #tpu.memory_space<hbm>>)
      tpu.yield
    }) : () -> ()
    %add3A_207 = arith.constant 17301504 : i32
    %add3A_208 = arith.addi %add3A_207, %mul3A_8 : i32
    "tpu.region"() ({
      %run_scoped3A = tpu.sem_alloc : memref<!tpu.dma_semaphore, #tpu.memory_space<semaphore_mem>>
      %dma_start3A = tpu.memref_slice %arg2[%add3A_208] : memref<25165824xf32, #tpu.memory_space<hbm>> -> memref<24576xf32, #tpu.memory_space<hbm>>
      %dma_start3A_297 = tpu.memref_slice %arg2[%add3A_208] : memref<25165824xf32, #tpu.memory_space<hbm>> -> memref<24576xf32, #tpu.memory_space<hbm>>
      tpu.enqueue_dma source(%dma_start3A_297 : memref<24576xf32, #tpu.memory_space<hbm>>) target(%arg9 : memref<24576xf32, #tpu.memory_space<vmem>>) target_semaphore(%run_scoped3A : memref<!tpu.dma_semaphore, #tpu.memory_space<semaphore_mem>>)
      %dma_wait3A = tpu.memref_slice %arg2[%add3A_208] : memref<25165824xf32, #tpu.memory_space<hbm>> -> memref<24576xf32, #tpu.memory_space<hbm>>
      %dma_wait3A_298 = tpu.memref_slice %arg2[%add3A_208] : memref<25165824xf32, #tpu.memory_space<hbm>> -> memref<24576xf32, #tpu.memory_space<hbm>>
      tpu.wait_dma2 semaphore(%run_scoped3A : memref<!tpu.dma_semaphore, #tpu.memory_space<semaphore_mem>>) src(%dma_wait3A_298 : memref<24576xf32, #tpu.memory_space<hbm>>) dst(%arg9 : memref<24576xf32, #tpu.memory_space<vmem>>)
      tpu.yield
    }) : () -> ()
    %scan3A_209 = arith.constant 0 : i32
    %scan3A_210 = arith.constant 0 : i32
    %scan3A_211 = arith.constant 1536 : i32
    %scan3A_212 = arith.addi %scan3A_210, %scan3A_211 : i32
    %scan3A_213 = arith.constant 1 : i32
    %scan3A_214 = scf.for %scan3A_297 = %scan3A_210 to %scan3A_212 step %scan3A_213 iter_args(%scan3A_298 = %scan3A_209) -> (i32)  : i32 {
      %mul3A_299 = arith.constant 16 : i32
      %mul3A_300 = arith.muli %scan3A_297, %mul3A_299 : i32
      %get3A = arith.index_cast %mul3A_300 : i32 to index
      %get3A_301 = tpu.vector_load %arg9[%get3A] {strides = array<i32>} : memref<24576xf32, #tpu.memory_space<vmem>>, vector<16xf32>,
      %get3A_302 = vector.shape_cast %get3A_301 : vector<16xf32> to vector<16xf32>
      %mul3A_303 = arith.constant 16 : i32
      %mul3A_304 = arith.muli %scan3A_297, %mul3A_303 : i32
      %get3A_305 = arith.index_cast %mul3A_304 : i32 to index
      %get3A_306 = tpu.vector_load %arg8[%get3A_305] {strides = array<i32>} : memref<24576xf32, #tpu.memory_space<vmem>>, vector<16xf32>,
      %get3A_307 = vector.shape_cast %get3A_306 : vector<16xf32> to vector<16xf32>
      %add3A_308 = arith.addf %get3A_302, %get3A_307 : vector<16xf32>
      %mul3A_309 = arith.constant 16 : i32
      %mul3A_310 = arith.muli %scan3A_297, %mul3A_309 : i32
      %swap3A = arith.index_cast %mul3A_310 : i32 to index
      %swap3A_311 = tpu.vector_load %arg9[%swap3A] {strides = array<i32>} : memref<24576xf32, #tpu.memory_space<vmem>>, vector<16xf32>,
      %swap3A_312 = vector.shape_cast %swap3A_311 : vector<16xf32> to vector<16xf32>
      %swap3A_313 = vector.shape_cast %add3A_308 : vector<16xf32> to vector<16xf32>
      tpu.vector_store %arg9[%swap3A], %swap3A_313 {strides = array<i32>} : memref<24576xf32, #tpu.memory_space<vmem>>, vector<16xf32>,
      %scan3A_314 = arith.constant 0 : i32
      scf.yield %scan3A_314 : i32
    }
    %scan3A_215 = arith.constant 1536 : i32
    "tpu.region"() ({
      %run_scoped3A = tpu.sem_alloc : memref<!tpu.dma_semaphore, #tpu.memory_space<semaphore_mem>>
      %dma_start3A = tpu.memref_slice %arg5[%add3A_208] : memref<25165824xf32, #tpu.memory_space<hbm>> -> memref<24576xf32, #tpu.memory_space<hbm>>
      %dma_start3A_297 = tpu.memref_slice %arg5[%add3A_208] : memref<25165824xf32, #tpu.memory_space<hbm>> -> memref<24576xf32, #tpu.memory_space<hbm>>
      tpu.enqueue_dma source(%arg9 : memref<24576xf32, #tpu.memory_space<vmem>>) target(%dma_start3A_297 : memref<24576xf32, #tpu.memory_space<hbm>>) target_semaphore(%run_scoped3A : memref<!tpu.dma_semaphore, #tpu.memory_space<semaphore_mem>>)
      %dma_wait3A = tpu.memref_slice %arg5[%add3A_208] : memref<25165824xf32, #tpu.memory_space<hbm>> -> memref<24576xf32, #tpu.memory_space<hbm>>
      %dma_wait3A_298 = tpu.memref_slice %arg5[%add3A_208] : memref<25165824xf32, #tpu.memory_space<hbm>> -> memref<24576xf32, #tpu.memory_space<hbm>>
      tpu.wait_dma2 semaphore(%run_scoped3A : memref<!tpu.dma_semaphore, #tpu.memory_space<semaphore_mem>>) src(%arg9 : memref<24576xf32, #tpu.memory_space<vmem>>) dst(%dma_wait3A_298 : memref<24576xf32, #tpu.memory_space<hbm>>)
      tpu.yield
    }) : () -> ()
    %add3A_216 = arith.constant 18087936 : i32
    %add3A_217 = arith.addi %add3A_216, %mul3A_8 : i32
    "tpu.region"() ({
      %run_scoped3A = tpu.sem_alloc : memref<!tpu.dma_semaphore, #tpu.memory_space<semaphore_mem>>
      %dma_start3A = tpu.memref_slice %arg2[%add3A_217] : memref<25165824xf32, #tpu.memory_space<hbm>> -> memref<24576xf32, #tpu.memory_space<hbm>>
      %dma_start3A_297 = tpu.memref_slice %arg2[%add3A_217] : memref<25165824xf32, #tpu.memory_space<hbm>> -> memref<24576xf32, #tpu.memory_space<hbm>>
      tpu.enqueue_dma source(%dma_start3A_297 : memref<24576xf32, #tpu.memory_space<hbm>>) target(%arg9 : memref<24576xf32, #tpu.memory_space<vmem>>) target_semaphore(%run_scoped3A : memref<!tpu.dma_semaphore, #tpu.memory_space<semaphore_mem>>)
      %dma_wait3A = tpu.memref_slice %arg2[%add3A_217] : memref<25165824xf32, #tpu.memory_space<hbm>> -> memref<24576xf32, #tpu.memory_space<hbm>>
      %dma_wait3A_298 = tpu.memref_slice %arg2[%add3A_217] : memref<25165824xf32, #tpu.memory_space<hbm>> -> memref<24576xf32, #tpu.memory_space<hbm>>
      tpu.wait_dma2 semaphore(%run_scoped3A : memref<!tpu.dma_semaphore, #tpu.memory_space<semaphore_mem>>) src(%dma_wait3A_298 : memref<24576xf32, #tpu.memory_space<hbm>>) dst(%arg9 : memref<24576xf32, #tpu.memory_space<vmem>>)
      tpu.yield
    }) : () -> ()
    %scan3A_218 = arith.constant 0 : i32
    %scan3A_219 = arith.constant 0 : i32
    %scan3A_220 = arith.constant 1536 : i32
    %scan3A_221 = arith.addi %scan3A_219, %scan3A_220 : i32
    %scan3A_222 = arith.constant 1 : i32
    %scan3A_223 = scf.for %scan3A_297 = %scan3A_219 to %scan3A_221 step %scan3A_222 iter_args(%scan3A_298 = %scan3A_218) -> (i32)  : i32 {
      %mul3A_299 = arith.constant 16 : i32
      %mul3A_300 = arith.muli %scan3A_297, %mul3A_299 : i32
      %get3A = arith.index_cast %mul3A_300 : i32 to index
      %get3A_301 = tpu.vector_load %arg9[%get3A] {strides = array<i32>} : memref<24576xf32, #tpu.memory_space<vmem>>, vector<16xf32>,
      %get3A_302 = vector.shape_cast %get3A_301 : vector<16xf32> to vector<16xf32>
      %mul3A_303 = arith.constant 16 : i32
      %mul3A_304 = arith.muli %scan3A_297, %mul3A_303 : i32
      %get3A_305 = arith.index_cast %mul3A_304 : i32 to index
      %get3A_306 = tpu.vector_load %arg8[%get3A_305] {strides = array<i32>} : memref<24576xf32, #tpu.memory_space<vmem>>, vector<16xf32>,
      %get3A_307 = vector.shape_cast %get3A_306 : vector<16xf32> to vector<16xf32>
      %add3A_308 = arith.addf %get3A_302, %get3A_307 : vector<16xf32>
      %mul3A_309 = arith.constant 16 : i32
      %mul3A_310 = arith.muli %scan3A_297, %mul3A_309 : i32
      %swap3A = arith.index_cast %mul3A_310 : i32 to index
      %swap3A_311 = tpu.vector_load %arg9[%swap3A] {strides = array<i32>} : memref<24576xf32, #tpu.memory_space<vmem>>, vector<16xf32>,
      %swap3A_312 = vector.shape_cast %swap3A_311 : vector<16xf32> to vector<16xf32>
      %swap3A_313 = vector.shape_cast %add3A_308 : vector<16xf32> to vector<16xf32>
      tpu.vector_store %arg9[%swap3A], %swap3A_313 {strides = array<i32>} : memref<24576xf32, #tpu.memory_space<vmem>>, vector<16xf32>,
      %scan3A_314 = arith.constant 0 : i32
      scf.yield %scan3A_314 : i32
    }
    %scan3A_224 = arith.constant 1536 : i32
    "tpu.region"() ({
      %run_scoped3A = tpu.sem_alloc : memref<!tpu.dma_semaphore, #tpu.memory_space<semaphore_mem>>
      %dma_start3A = tpu.memref_slice %arg5[%add3A_217] : memref<25165824xf32, #tpu.memory_space<hbm>> -> memref<24576xf32, #tpu.memory_space<hbm>>
      %dma_start3A_297 = tpu.memref_slice %arg5[%add3A_217] : memref<25165824xf32, #tpu.memory_space<hbm>> -> memref<24576xf32, #tpu.memory_space<hbm>>
      tpu.enqueue_dma source(%arg9 : memref<24576xf32, #tpu.memory_space<vmem>>) target(%dma_start3A_297 : memref<24576xf32, #tpu.memory_space<hbm>>) target_semaphore(%run_scoped3A : memref<!tpu.dma_semaphore, #tpu.memory_space<semaphore_mem>>)
      %dma_wait3A = tpu.memref_slice %arg5[%add3A_217] : memref<25165824xf32, #tpu.memory_space<hbm>> -> memref<24576xf32, #tpu.memory_space<hbm>>
      %dma_wait3A_298 = tpu.memref_slice %arg5[%add3A_217] : memref<25165824xf32, #tpu.memory_space<hbm>> -> memref<24576xf32, #tpu.memory_space<hbm>>
      tpu.wait_dma2 semaphore(%run_scoped3A : memref<!tpu.dma_semaphore, #tpu.memory_space<semaphore_mem>>) src(%arg9 : memref<24576xf32, #tpu.memory_space<vmem>>) dst(%dma_wait3A_298 : memref<24576xf32, #tpu.memory_space<hbm>>)
      tpu.yield
    }) : () -> ()
    %add3A_225 = arith.constant 18874368 : i32
    %add3A_226 = arith.addi %add3A_225, %mul3A_8 : i32
    "tpu.region"() ({
      %run_scoped3A = tpu.sem_alloc : memref<!tpu.dma_semaphore, #tpu.memory_space<semaphore_mem>>
      %dma_start3A = tpu.memref_slice %arg2[%add3A_226] : memref<25165824xf32, #tpu.memory_space<hbm>> -> memref<24576xf32, #tpu.memory_space<hbm>>
      %dma_start3A_297 = tpu.memref_slice %arg2[%add3A_226] : memref<25165824xf32, #tpu.memory_space<hbm>> -> memref<24576xf32, #tpu.memory_space<hbm>>
      tpu.enqueue_dma source(%dma_start3A_297 : memref<24576xf32, #tpu.memory_space<hbm>>) target(%arg9 : memref<24576xf32, #tpu.memory_space<vmem>>) target_semaphore(%run_scoped3A : memref<!tpu.dma_semaphore, #tpu.memory_space<semaphore_mem>>)
      %dma_wait3A = tpu.memref_slice %arg2[%add3A_226] : memref<25165824xf32, #tpu.memory_space<hbm>> -> memref<24576xf32, #tpu.memory_space<hbm>>
      %dma_wait3A_298 = tpu.memref_slice %arg2[%add3A_226] : memref<25165824xf32, #tpu.memory_space<hbm>> -> memref<24576xf32, #tpu.memory_space<hbm>>
      tpu.wait_dma2 semaphore(%run_scoped3A : memref<!tpu.dma_semaphore, #tpu.memory_space<semaphore_mem>>) src(%dma_wait3A_298 : memref<24576xf32, #tpu.memory_space<hbm>>) dst(%arg9 : memref<24576xf32, #tpu.memory_space<vmem>>)
      tpu.yield
    }) : () -> ()
    %scan3A_227 = arith.constant 0 : i32
    %scan3A_228 = arith.constant 0 : i32
    %scan3A_229 = arith.constant 1536 : i32
    %scan3A_230 = arith.addi %scan3A_228, %scan3A_229 : i32
    %scan3A_231 = arith.constant 1 : i32
    %scan3A_232 = scf.for %scan3A_297 = %scan3A_228 to %scan3A_230 step %scan3A_231 iter_args(%scan3A_298 = %scan3A_227) -> (i32)  : i32 {
      %mul3A_299 = arith.constant 16 : i32
      %mul3A_300 = arith.muli %scan3A_297, %mul3A_299 : i32
      %get3A = arith.index_cast %mul3A_300 : i32 to index
      %get3A_301 = tpu.vector_load %arg9[%get3A] {strides = array<i32>} : memref<24576xf32, #tpu.memory_space<vmem>>, vector<16xf32>,
      %get3A_302 = vector.shape_cast %get3A_301 : vector<16xf32> to vector<16xf32>
      %mul3A_303 = arith.constant 16 : i32
      %mul3A_304 = arith.muli %scan3A_297, %mul3A_303 : i32
      %get3A_305 = arith.index_cast %mul3A_304 : i32 to index
      %get3A_306 = tpu.vector_load %arg8[%get3A_305] {strides = array<i32>} : memref<24576xf32, #tpu.memory_space<vmem>>, vector<16xf32>,
      %get3A_307 = vector.shape_cast %get3A_306 : vector<16xf32> to vector<16xf32>
      %add3A_308 = arith.addf %get3A_302, %get3A_307 : vector<16xf32>
      %mul3A_309 = arith.constant 16 : i32
      %mul3A_310 = arith.muli %scan3A_297, %mul3A_309 : i32
      %swap3A = arith.index_cast %mul3A_310 : i32 to index
      %swap3A_311 = tpu.vector_load %arg9[%swap3A] {strides = array<i32>} : memref<24576xf32, #tpu.memory_space<vmem>>, vector<16xf32>,
      %swap3A_312 = vector.shape_cast %swap3A_311 : vector<16xf32> to vector<16xf32>
      %swap3A_313 = vector.shape_cast %add3A_308 : vector<16xf32> to vector<16xf32>
      tpu.vector_store %arg9[%swap3A], %swap3A_313 {strides = array<i32>} : memref<24576xf32, #tpu.memory_space<vmem>>, vector<16xf32>,
      %scan3A_314 = arith.constant 0 : i32
      scf.yield %scan3A_314 : i32
    }
    %scan3A_233 = arith.constant 1536 : i32
    "tpu.region"() ({
      %run_scoped3A = tpu.sem_alloc : memref<!tpu.dma_semaphore, #tpu.memory_space<semaphore_mem>>
      %dma_start3A = tpu.memref_slice %arg5[%add3A_226] : memref<25165824xf32, #tpu.memory_space<hbm>> -> memref<24576xf32, #tpu.memory_space<hbm>>
      %dma_start3A_297 = tpu.memref_slice %arg5[%add3A_226] : memref<25165824xf32, #tpu.memory_space<hbm>> -> memref<24576xf32, #tpu.memory_space<hbm>>
      tpu.enqueue_dma source(%arg9 : memref<24576xf32, #tpu.memory_space<vmem>>) target(%dma_start3A_297 : memref<24576xf32, #tpu.memory_space<hbm>>) target_semaphore(%run_scoped3A : memref<!tpu.dma_semaphore, #tpu.memory_space<semaphore_mem>>)
      %dma_wait3A = tpu.memref_slice %arg5[%add3A_226] : memref<25165824xf32, #tpu.memory_space<hbm>> -> memref<24576xf32, #tpu.memory_space<hbm>>
      %dma_wait3A_298 = tpu.memref_slice %arg5[%add3A_226] : memref<25165824xf32, #tpu.memory_space<hbm>> -> memref<24576xf32, #tpu.memory_space<hbm>>
      tpu.wait_dma2 semaphore(%run_scoped3A : memref<!tpu.dma_semaphore, #tpu.memory_space<semaphore_mem>>) src(%arg9 : memref<24576xf32, #tpu.memory_space<vmem>>) dst(%dma_wait3A_298 : memref<24576xf32, #tpu.memory_space<hbm>>)
      tpu.yield
    }) : () -> ()
    %add3A_234 = arith.constant 19660800 : i32
    %add3A_235 = arith.addi %add3A_234, %mul3A_8 : i32
    "tpu.region"() ({
      %run_scoped3A = tpu.sem_alloc : memref<!tpu.dma_semaphore, #tpu.memory_space<semaphore_mem>>
      %dma_start3A = tpu.memref_slice %arg2[%add3A_235] : memref<25165824xf32, #tpu.memory_space<hbm>> -> memref<24576xf32, #tpu.memory_space<hbm>>
      %dma_start3A_297 = tpu.memref_slice %arg2[%add3A_235] : memref<25165824xf32, #tpu.memory_space<hbm>> -> memref<24576xf32, #tpu.memory_space<hbm>>
      tpu.enqueue_dma source(%dma_start3A_297 : memref<24576xf32, #tpu.memory_space<hbm>>) target(%arg9 : memref<24576xf32, #tpu.memory_space<vmem>>) target_semaphore(%run_scoped3A : memref<!tpu.dma_semaphore, #tpu.memory_space<semaphore_mem>>)
      %dma_wait3A = tpu.memref_slice %arg2[%add3A_235] : memref<25165824xf32, #tpu.memory_space<hbm>> -> memref<24576xf32, #tpu.memory_space<hbm>>
      %dma_wait3A_298 = tpu.memref_slice %arg2[%add3A_235] : memref<25165824xf32, #tpu.memory_space<hbm>> -> memref<24576xf32, #tpu.memory_space<hbm>>
      tpu.wait_dma2 semaphore(%run_scoped3A : memref<!tpu.dma_semaphore, #tpu.memory_space<semaphore_mem>>) src(%dma_wait3A_298 : memref<24576xf32, #tpu.memory_space<hbm>>) dst(%arg9 : memref<24576xf32, #tpu.memory_space<vmem>>)
      tpu.yield
    }) : () -> ()
    %scan3A_236 = arith.constant 0 : i32
    %scan3A_237 = arith.constant 0 : i32
    %scan3A_238 = arith.constant 1536 : i32
    %scan3A_239 = arith.addi %scan3A_237, %scan3A_238 : i32
    %scan3A_240 = arith.constant 1 : i32
    %scan3A_241 = scf.for %scan3A_297 = %scan3A_237 to %scan3A_239 step %scan3A_240 iter_args(%scan3A_298 = %scan3A_236) -> (i32)  : i32 {
      %mul3A_299 = arith.constant 16 : i32
      %mul3A_300 = arith.muli %scan3A_297, %mul3A_299 : i32
      %get3A = arith.index_cast %mul3A_300 : i32 to index
      %get3A_301 = tpu.vector_load %arg9[%get3A] {strides = array<i32>} : memref<24576xf32, #tpu.memory_space<vmem>>, vector<16xf32>,
      %get3A_302 = vector.shape_cast %get3A_301 : vector<16xf32> to vector<16xf32>
      %mul3A_303 = arith.constant 16 : i32
      %mul3A_304 = arith.muli %scan3A_297, %mul3A_303 : i32
      %get3A_305 = arith.index_cast %mul3A_304 : i32 to index
      %get3A_306 = tpu.vector_load %arg8[%get3A_305] {strides = array<i32>} : memref<24576xf32, #tpu.memory_space<vmem>>, vector<16xf32>,
      %get3A_307 = vector.shape_cast %get3A_306 : vector<16xf32> to vector<16xf32>
      %add3A_308 = arith.addf %get3A_302, %get3A_307 : vector<16xf32>
      %mul3A_309 = arith.constant 16 : i32
      %mul3A_310 = arith.muli %scan3A_297, %mul3A_309 : i32
      %swap3A = arith.index_cast %mul3A_310 : i32 to index
      %swap3A_311 = tpu.vector_load %arg9[%swap3A] {strides = array<i32>} : memref<24576xf32, #tpu.memory_space<vmem>>, vector<16xf32>,
      %swap3A_312 = vector.shape_cast %swap3A_311 : vector<16xf32> to vector<16xf32>
      %swap3A_313 = vector.shape_cast %add3A_308 : vector<16xf32> to vector<16xf32>
      tpu.vector_store %arg9[%swap3A], %swap3A_313 {strides = array<i32>} : memref<24576xf32, #tpu.memory_space<vmem>>, vector<16xf32>,
      %scan3A_314 = arith.constant 0 : i32
      scf.yield %scan3A_314 : i32
    }
    %scan3A_242 = arith.constant 1536 : i32
    "tpu.region"() ({
      %run_scoped3A = tpu.sem_alloc : memref<!tpu.dma_semaphore, #tpu.memory_space<semaphore_mem>>
      %dma_start3A = tpu.memref_slice %arg5[%add3A_235] : memref<25165824xf32, #tpu.memory_space<hbm>> -> memref<24576xf32, #tpu.memory_space<hbm>>
      %dma_start3A_297 = tpu.memref_slice %arg5[%add3A_235] : memref<25165824xf32, #tpu.memory_space<hbm>> -> memref<24576xf32, #tpu.memory_space<hbm>>
      tpu.enqueue_dma source(%arg9 : memref<24576xf32, #tpu.memory_space<vmem>>) target(%dma_start3A_297 : memref<24576xf32, #tpu.memory_space<hbm>>) target_semaphore(%run_scoped3A : memref<!tpu.dma_semaphore, #tpu.memory_space<semaphore_mem>>)
      %dma_wait3A = tpu.memref_slice %arg5[%add3A_235] : memref<25165824xf32, #tpu.memory_space<hbm>> -> memref<24576xf32, #tpu.memory_space<hbm>>
      %dma_wait3A_298 = tpu.memref_slice %arg5[%add3A_235] : memref<25165824xf32, #tpu.memory_space<hbm>> -> memref<24576xf32, #tpu.memory_space<hbm>>
      tpu.wait_dma2 semaphore(%run_scoped3A : memref<!tpu.dma_semaphore, #tpu.memory_space<semaphore_mem>>) src(%arg9 : memref<24576xf32, #tpu.memory_space<vmem>>) dst(%dma_wait3A_298 : memref<24576xf32, #tpu.memory_space<hbm>>)
      tpu.yield
    }) : () -> ()
    %add3A_243 = arith.constant 20447232 : i32
    %add3A_244 = arith.addi %add3A_243, %mul3A_8 : i32
    "tpu.region"() ({
      %run_scoped3A = tpu.sem_alloc : memref<!tpu.dma_semaphore, #tpu.memory_space<semaphore_mem>>
      %dma_start3A = tpu.memref_slice %arg2[%add3A_244] : memref<25165824xf32, #tpu.memory_space<hbm>> -> memref<24576xf32, #tpu.memory_space<hbm>>
      %dma_start3A_297 = tpu.memref_slice %arg2[%add3A_244] : memref<25165824xf32, #tpu.memory_space<hbm>> -> memref<24576xf32, #tpu.memory_space<hbm>>
      tpu.enqueue_dma source(%dma_start3A_297 : memref<24576xf32, #tpu.memory_space<hbm>>) target(%arg9 : memref<24576xf32, #tpu.memory_space<vmem>>) target_semaphore(%run_scoped3A : memref<!tpu.dma_semaphore, #tpu.memory_space<semaphore_mem>>)
      %dma_wait3A = tpu.memref_slice %arg2[%add3A_244] : memref<25165824xf32, #tpu.memory_space<hbm>> -> memref<24576xf32, #tpu.memory_space<hbm>>
      %dma_wait3A_298 = tpu.memref_slice %arg2[%add3A_244] : memref<25165824xf32, #tpu.memory_space<hbm>> -> memref<24576xf32, #tpu.memory_space<hbm>>
      tpu.wait_dma2 semaphore(%run_scoped3A : memref<!tpu.dma_semaphore, #tpu.memory_space<semaphore_mem>>) src(%dma_wait3A_298 : memref<24576xf32, #tpu.memory_space<hbm>>) dst(%arg9 : memref<24576xf32, #tpu.memory_space<vmem>>)
      tpu.yield
    }) : () -> ()
    %scan3A_245 = arith.constant 0 : i32
    %scan3A_246 = arith.constant 0 : i32
    %scan3A_247 = arith.constant 1536 : i32
    %scan3A_248 = arith.addi %scan3A_246, %scan3A_247 : i32
    %scan3A_249 = arith.constant 1 : i32
    %scan3A_250 = scf.for %scan3A_297 = %scan3A_246 to %scan3A_248 step %scan3A_249 iter_args(%scan3A_298 = %scan3A_245) -> (i32)  : i32 {
      %mul3A_299 = arith.constant 16 : i32
      %mul3A_300 = arith.muli %scan3A_297, %mul3A_299 : i32
      %get3A = arith.index_cast %mul3A_300 : i32 to index
      %get3A_301 = tpu.vector_load %arg9[%get3A] {strides = array<i32>} : memref<24576xf32, #tpu.memory_space<vmem>>, vector<16xf32>,
      %get3A_302 = vector.shape_cast %get3A_301 : vector<16xf32> to vector<16xf32>
      %mul3A_303 = arith.constant 16 : i32
      %mul3A_304 = arith.muli %scan3A_297, %mul3A_303 : i32
      %get3A_305 = arith.index_cast %mul3A_304 : i32 to index
      %get3A_306 = tpu.vector_load %arg8[%get3A_305] {strides = array<i32>} : memref<24576xf32, #tpu.memory_space<vmem>>, vector<16xf32>,
      %get3A_307 = vector.shape_cast %get3A_306 : vector<16xf32> to vector<16xf32>
      %add3A_308 = arith.addf %get3A_302, %get3A_307 : vector<16xf32>
      %mul3A_309 = arith.constant 16 : i32
      %mul3A_310 = arith.muli %scan3A_297, %mul3A_309 : i32
      %swap3A = arith.index_cast %mul3A_310 : i32 to index
      %swap3A_311 = tpu.vector_load %arg9[%swap3A] {strides = array<i32>} : memref<24576xf32, #tpu.memory_space<vmem>>, vector<16xf32>,
      %swap3A_312 = vector.shape_cast %swap3A_311 : vector<16xf32> to vector<16xf32>
      %swap3A_313 = vector.shape_cast %add3A_308 : vector<16xf32> to vector<16xf32>
      tpu.vector_store %arg9[%swap3A], %swap3A_313 {strides = array<i32>} : memref<24576xf32, #tpu.memory_space<vmem>>, vector<16xf32>,
      %scan3A_314 = arith.constant 0 : i32
      scf.yield %scan3A_314 : i32
    }
    %scan3A_251 = arith.constant 1536 : i32
    "tpu.region"() ({
      %run_scoped3A = tpu.sem_alloc : memref<!tpu.dma_semaphore, #tpu.memory_space<semaphore_mem>>
      %dma_start3A = tpu.memref_slice %arg5[%add3A_244] : memref<25165824xf32, #tpu.memory_space<hbm>> -> memref<24576xf32, #tpu.memory_space<hbm>>
      %dma_start3A_297 = tpu.memref_slice %arg5[%add3A_244] : memref<25165824xf32, #tpu.memory_space<hbm>> -> memref<24576xf32, #tpu.memory_space<hbm>>
      tpu.enqueue_dma source(%arg9 : memref<24576xf32, #tpu.memory_space<vmem>>) target(%dma_start3A_297 : memref<24576xf32, #tpu.memory_space<hbm>>) target_semaphore(%run_scoped3A : memref<!tpu.dma_semaphore, #tpu.memory_space<semaphore_mem>>)
      %dma_wait3A = tpu.memref_slice %arg5[%add3A_244] : memref<25165824xf32, #tpu.memory_space<hbm>> -> memref<24576xf32, #tpu.memory_space<hbm>>
      %dma_wait3A_298 = tpu.memref_slice %arg5[%add3A_244] : memref<25165824xf32, #tpu.memory_space<hbm>> -> memref<24576xf32, #tpu.memory_space<hbm>>
      tpu.wait_dma2 semaphore(%run_scoped3A : memref<!tpu.dma_semaphore, #tpu.memory_space<semaphore_mem>>) src(%arg9 : memref<24576xf32, #tpu.memory_space<vmem>>) dst(%dma_wait3A_298 : memref<24576xf32, #tpu.memory_space<hbm>>)
      tpu.yield
    }) : () -> ()
    %add3A_252 = arith.constant 21233664 : i32
    %add3A_253 = arith.addi %add3A_252, %mul3A_8 : i32
    "tpu.region"() ({
      %run_scoped3A = tpu.sem_alloc : memref<!tpu.dma_semaphore, #tpu.memory_space<semaphore_mem>>
      %dma_start3A = tpu.memref_slice %arg2[%add3A_253] : memref<25165824xf32, #tpu.memory_space<hbm>> -> memref<24576xf32, #tpu.memory_space<hbm>>
      %dma_start3A_297 = tpu.memref_slice %arg2[%add3A_253] : memref<25165824xf32, #tpu.memory_space<hbm>> -> memref<24576xf32, #tpu.memory_space<hbm>>
      tpu.enqueue_dma source(%dma_start3A_297 : memref<24576xf32, #tpu.memory_space<hbm>>) target(%arg9 : memref<24576xf32, #tpu.memory_space<vmem>>) target_semaphore(%run_scoped3A : memref<!tpu.dma_semaphore, #tpu.memory_space<semaphore_mem>>)
      %dma_wait3A = tpu.memref_slice %arg2[%add3A_253] : memref<25165824xf32, #tpu.memory_space<hbm>> -> memref<24576xf32, #tpu.memory_space<hbm>>
      %dma_wait3A_298 = tpu.memref_slice %arg2[%add3A_253] : memref<25165824xf32, #tpu.memory_space<hbm>> -> memref<24576xf32, #tpu.memory_space<hbm>>
      tpu.wait_dma2 semaphore(%run_scoped3A : memref<!tpu.dma_semaphore, #tpu.memory_space<semaphore_mem>>) src(%dma_wait3A_298 : memref<24576xf32, #tpu.memory_space<hbm>>) dst(%arg9 : memref<24576xf32, #tpu.memory_space<vmem>>)
      tpu.yield
    }) : () -> ()
    %scan3A_254 = arith.constant 0 : i32
    %scan3A_255 = arith.constant 0 : i32
    %scan3A_256 = arith.constant 1536 : i32
    %scan3A_257 = arith.addi %scan3A_255, %scan3A_256 : i32
    %scan3A_258 = arith.constant 1 : i32
    %scan3A_259 = scf.for %scan3A_297 = %scan3A_255 to %scan3A_257 step %scan3A_258 iter_args(%scan3A_298 = %scan3A_254) -> (i32)  : i32 {
      %mul3A_299 = arith.constant 16 : i32
      %mul3A_300 = arith.muli %scan3A_297, %mul3A_299 : i32
      %get3A = arith.index_cast %mul3A_300 : i32 to index
      %get3A_301 = tpu.vector_load %arg9[%get3A] {strides = array<i32>} : memref<24576xf32, #tpu.memory_space<vmem>>, vector<16xf32>,
      %get3A_302 = vector.shape_cast %get3A_301 : vector<16xf32> to vector<16xf32>
      %mul3A_303 = arith.constant 16 : i32
      %mul3A_304 = arith.muli %scan3A_297, %mul3A_303 : i32
      %get3A_305 = arith.index_cast %mul3A_304 : i32 to index
      %get3A_306 = tpu.vector_load %arg8[%get3A_305] {strides = array<i32>} : memref<24576xf32, #tpu.memory_space<vmem>>, vector<16xf32>,
      %get3A_307 = vector.shape_cast %get3A_306 : vector<16xf32> to vector<16xf32>
      %add3A_308 = arith.addf %get3A_302, %get3A_307 : vector<16xf32>
      %mul3A_309 = arith.constant 16 : i32
      %mul3A_310 = arith.muli %scan3A_297, %mul3A_309 : i32
      %swap3A = arith.index_cast %mul3A_310 : i32 to index
      %swap3A_311 = tpu.vector_load %arg9[%swap3A] {strides = array<i32>} : memref<24576xf32, #tpu.memory_space<vmem>>, vector<16xf32>,
      %swap3A_312 = vector.shape_cast %swap3A_311 : vector<16xf32> to vector<16xf32>
      %swap3A_313 = vector.shape_cast %add3A_308 : vector<16xf32> to vector<16xf32>
      tpu.vector_store %arg9[%swap3A], %swap3A_313 {strides = array<i32>} : memref<24576xf32, #tpu.memory_space<vmem>>, vector<16xf32>,
      %scan3A_314 = arith.constant 0 : i32
      scf.yield %scan3A_314 : i32
    }
    %scan3A_260 = arith.constant 1536 : i32
    "tpu.region"() ({
      %run_scoped3A = tpu.sem_alloc : memref<!tpu.dma_semaphore, #tpu.memory_space<semaphore_mem>>
      %dma_start3A = tpu.memref_slice %arg5[%add3A_253] : memref<25165824xf32, #tpu.memory_space<hbm>> -> memref<24576xf32, #tpu.memory_space<hbm>>
      %dma_start3A_297 = tpu.memref_slice %arg5[%add3A_253] : memref<25165824xf32, #tpu.memory_space<hbm>> -> memref<24576xf32, #tpu.memory_space<hbm>>
      tpu.enqueue_dma source(%arg9 : memref<24576xf32, #tpu.memory_space<vmem>>) target(%dma_start3A_297 : memref<24576xf32, #tpu.memory_space<hbm>>) target_semaphore(%run_scoped3A : memref<!tpu.dma_semaphore, #tpu.memory_space<semaphore_mem>>)
      %dma_wait3A = tpu.memref_slice %arg5[%add3A_253] : memref<25165824xf32, #tpu.memory_space<hbm>> -> memref<24576xf32, #tpu.memory_space<hbm>>
      %dma_wait3A_298 = tpu.memref_slice %arg5[%add3A_253] : memref<25165824xf32, #tpu.memory_space<hbm>> -> memref<24576xf32, #tpu.memory_space<hbm>>
      tpu.wait_dma2 semaphore(%run_scoped3A : memref<!tpu.dma_semaphore, #tpu.memory_space<semaphore_mem>>) src(%arg9 : memref<24576xf32, #tpu.memory_space<vmem>>) dst(%dma_wait3A_298 : memref<24576xf32, #tpu.memory_space<hbm>>)
      tpu.yield
    }) : () -> ()
    %add3A_261 = arith.constant 22020096 : i32
    %add3A_262 = arith.addi %add3A_261, %mul3A_8 : i32
    "tpu.region"() ({
      %run_scoped3A = tpu.sem_alloc : memref<!tpu.dma_semaphore, #tpu.memory_space<semaphore_mem>>
      %dma_start3A = tpu.memref_slice %arg2[%add3A_262] : memref<25165824xf32, #tpu.memory_space<hbm>> -> memref<24576xf32, #tpu.memory_space<hbm>>
      %dma_start3A_297 = tpu.memref_slice %arg2[%add3A_262] : memref<25165824xf32, #tpu.memory_space<hbm>> -> memref<24576xf32, #tpu.memory_space<hbm>>
      tpu.enqueue_dma source(%dma_start3A_297 : memref<24576xf32, #tpu.memory_space<hbm>>) target(%arg9 : memref<24576xf32, #tpu.memory_space<vmem>>) target_semaphore(%run_scoped3A : memref<!tpu.dma_semaphore, #tpu.memory_space<semaphore_mem>>)
      %dma_wait3A = tpu.memref_slice %arg2[%add3A_262] : memref<25165824xf32, #tpu.memory_space<hbm>> -> memref<24576xf32, #tpu.memory_space<hbm>>
      %dma_wait3A_298 = tpu.memref_slice %arg2[%add3A_262] : memref<25165824xf32, #tpu.memory_space<hbm>> -> memref<24576xf32, #tpu.memory_space<hbm>>
      tpu.wait_dma2 semaphore(%run_scoped3A : memref<!tpu.dma_semaphore, #tpu.memory_space<semaphore_mem>>) src(%dma_wait3A_298 : memref<24576xf32, #tpu.memory_space<hbm>>) dst(%arg9 : memref<24576xf32, #tpu.memory_space<vmem>>)
      tpu.yield
    }) : () -> ()
    %scan3A_263 = arith.constant 0 : i32
    %scan3A_264 = arith.constant 0 : i32
    %scan3A_265 = arith.constant 1536 : i32
    %scan3A_266 = arith.addi %scan3A_264, %scan3A_265 : i32
    %scan3A_267 = arith.constant 1 : i32
    %scan3A_268 = scf.for %scan3A_297 = %scan3A_264 to %scan3A_266 step %scan3A_267 iter_args(%scan3A_298 = %scan3A_263) -> (i32)  : i32 {
      %mul3A_299 = arith.constant 16 : i32
      %mul3A_300 = arith.muli %scan3A_297, %mul3A_299 : i32
      %get3A = arith.index_cast %mul3A_300 : i32 to index
      %get3A_301 = tpu.vector_load %arg9[%get3A] {strides = array<i32>} : memref<24576xf32, #tpu.memory_space<vmem>>, vector<16xf32>,
      %get3A_302 = vector.shape_cast %get3A_301 : vector<16xf32> to vector<16xf32>
      %mul3A_303 = arith.constant 16 : i32
      %mul3A_304 = arith.muli %scan3A_297, %mul3A_303 : i32
      %get3A_305 = arith.index_cast %mul3A_304 : i32 to index
      %get3A_306 = tpu.vector_load %arg8[%get3A_305] {strides = array<i32>} : memref<24576xf32, #tpu.memory_space<vmem>>, vector<16xf32>,
      %get3A_307 = vector.shape_cast %get3A_306 : vector<16xf32> to vector<16xf32>
      %add3A_308 = arith.addf %get3A_302, %get3A_307 : vector<16xf32>
      %mul3A_309 = arith.constant 16 : i32
      %mul3A_310 = arith.muli %scan3A_297, %mul3A_309 : i32
      %swap3A = arith.index_cast %mul3A_310 : i32 to index
      %swap3A_311 = tpu.vector_load %arg9[%swap3A] {strides = array<i32>} : memref<24576xf32, #tpu.memory_space<vmem>>, vector<16xf32>,
      %swap3A_312 = vector.shape_cast %swap3A_311 : vector<16xf32> to vector<16xf32>
      %swap3A_313 = vector.shape_cast %add3A_308 : vector<16xf32> to vector<16xf32>
      tpu.vector_store %arg9[%swap3A], %swap3A_313 {strides = array<i32>} : memref<24576xf32, #tpu.memory_space<vmem>>, vector<16xf32>,
      %scan3A_314 = arith.constant 0 : i32
      scf.yield %scan3A_314 : i32
    }
    %scan3A_269 = arith.constant 1536 : i32
    "tpu.region"() ({
      %run_scoped3A = tpu.sem_alloc : memref<!tpu.dma_semaphore, #tpu.memory_space<semaphore_mem>>
      %dma_start3A = tpu.memref_slice %arg5[%add3A_262] : memref<25165824xf32, #tpu.memory_space<hbm>> -> memref<24576xf32, #tpu.memory_space<hbm>>
      %dma_start3A_297 = tpu.memref_slice %arg5[%add3A_262] : memref<25165824xf32, #tpu.memory_space<hbm>> -> memref<24576xf32, #tpu.memory_space<hbm>>
      tpu.enqueue_dma source(%arg9 : memref<24576xf32, #tpu.memory_space<vmem>>) target(%dma_start3A_297 : memref<24576xf32, #tpu.memory_space<hbm>>) target_semaphore(%run_scoped3A : memref<!tpu.dma_semaphore, #tpu.memory_space<semaphore_mem>>)
      %dma_wait3A = tpu.memref_slice %arg5[%add3A_262] : memref<25165824xf32, #tpu.memory_space<hbm>> -> memref<24576xf32, #tpu.memory_space<hbm>>
      %dma_wait3A_298 = tpu.memref_slice %arg5[%add3A_262] : memref<25165824xf32, #tpu.memory_space<hbm>> -> memref<24576xf32, #tpu.memory_space<hbm>>
      tpu.wait_dma2 semaphore(%run_scoped3A : memref<!tpu.dma_semaphore, #tpu.memory_space<semaphore_mem>>) src(%arg9 : memref<24576xf32, #tpu.memory_space<vmem>>) dst(%dma_wait3A_298 : memref<24576xf32, #tpu.memory_space<hbm>>)
      tpu.yield
    }) : () -> ()
    %add3A_270 = arith.constant 22806528 : i32
    %add3A_271 = arith.addi %add3A_270, %mul3A_8 : i32
    "tpu.region"() ({
      %run_scoped3A = tpu.sem_alloc : memref<!tpu.dma_semaphore, #tpu.memory_space<semaphore_mem>>
      %dma_start3A = tpu.memref_slice %arg2[%add3A_271] : memref<25165824xf32, #tpu.memory_space<hbm>> -> memref<24576xf32, #tpu.memory_space<hbm>>
      %dma_start3A_297 = tpu.memref_slice %arg2[%add3A_271] : memref<25165824xf32, #tpu.memory_space<hbm>> -> memref<24576xf32, #tpu.memory_space<hbm>>
      tpu.enqueue_dma source(%dma_start3A_297 : memref<24576xf32, #tpu.memory_space<hbm>>) target(%arg9 : memref<24576xf32, #tpu.memory_space<vmem>>) target_semaphore(%run_scoped3A : memref<!tpu.dma_semaphore, #tpu.memory_space<semaphore_mem>>)
      %dma_wait3A = tpu.memref_slice %arg2[%add3A_271] : memref<25165824xf32, #tpu.memory_space<hbm>> -> memref<24576xf32, #tpu.memory_space<hbm>>
      %dma_wait3A_298 = tpu.memref_slice %arg2[%add3A_271] : memref<25165824xf32, #tpu.memory_space<hbm>> -> memref<24576xf32, #tpu.memory_space<hbm>>
      tpu.wait_dma2 semaphore(%run_scoped3A : memref<!tpu.dma_semaphore, #tpu.memory_space<semaphore_mem>>) src(%dma_wait3A_298 : memref<24576xf32, #tpu.memory_space<hbm>>) dst(%arg9 : memref<24576xf32, #tpu.memory_space<vmem>>)
      tpu.yield
    }) : () -> ()
    %scan3A_272 = arith.constant 0 : i32
    %scan3A_273 = arith.constant 0 : i32
    %scan3A_274 = arith.constant 1536 : i32
    %scan3A_275 = arith.addi %scan3A_273, %scan3A_274 : i32
    %scan3A_276 = arith.constant 1 : i32
    %scan3A_277 = scf.for %scan3A_297 = %scan3A_273 to %scan3A_275 step %scan3A_276 iter_args(%scan3A_298 = %scan3A_272) -> (i32)  : i32 {
      %mul3A_299 = arith.constant 16 : i32
      %mul3A_300 = arith.muli %scan3A_297, %mul3A_299 : i32
      %get3A = arith.index_cast %mul3A_300 : i32 to index
      %get3A_301 = tpu.vector_load %arg9[%get3A] {strides = array<i32>} : memref<24576xf32, #tpu.memory_space<vmem>>, vector<16xf32>,
      %get3A_302 = vector.shape_cast %get3A_301 : vector<16xf32> to vector<16xf32>
      %mul3A_303 = arith.constant 16 : i32
      %mul3A_304 = arith.muli %scan3A_297, %mul3A_303 : i32
      %get3A_305 = arith.index_cast %mul3A_304 : i32 to index
      %get3A_306 = tpu.vector_load %arg8[%get3A_305] {strides = array<i32>} : memref<24576xf32, #tpu.memory_space<vmem>>, vector<16xf32>,
      %get3A_307 = vector.shape_cast %get3A_306 : vector<16xf32> to vector<16xf32>
      %add3A_308 = arith.addf %get3A_302, %get3A_307 : vector<16xf32>
      %mul3A_309 = arith.constant 16 : i32
      %mul3A_310 = arith.muli %scan3A_297, %mul3A_309 : i32
      %swap3A = arith.index_cast %mul3A_310 : i32 to index
      %swap3A_311 = tpu.vector_load %arg9[%swap3A] {strides = array<i32>} : memref<24576xf32, #tpu.memory_space<vmem>>, vector<16xf32>,
      %swap3A_312 = vector.shape_cast %swap3A_311 : vector<16xf32> to vector<16xf32>
      %swap3A_313 = vector.shape_cast %add3A_308 : vector<16xf32> to vector<16xf32>
      tpu.vector_store %arg9[%swap3A], %swap3A_313 {strides = array<i32>} : memref<24576xf32, #tpu.memory_space<vmem>>, vector<16xf32>,
      %scan3A_314 = arith.constant 0 : i32
      scf.yield %scan3A_314 : i32
    }
    %scan3A_278 = arith.constant 1536 : i32
    "tpu.region"() ({
      %run_scoped3A = tpu.sem_alloc : memref<!tpu.dma_semaphore, #tpu.memory_space<semaphore_mem>>
      %dma_start3A = tpu.memref_slice %arg5[%add3A_271] : memref<25165824xf32, #tpu.memory_space<hbm>> -> memref<24576xf32, #tpu.memory_space<hbm>>
      %dma_start3A_297 = tpu.memref_slice %arg5[%add3A_271] : memref<25165824xf32, #tpu.memory_space<hbm>> -> memref<24576xf32, #tpu.memory_space<hbm>>
      tpu.enqueue_dma source(%arg9 : memref<24576xf32, #tpu.memory_space<vmem>>) target(%dma_start3A_297 : memref<24576xf32, #tpu.memory_space<hbm>>) target_semaphore(%run_scoped3A : memref<!tpu.dma_semaphore, #tpu.memory_space<semaphore_mem>>)
      %dma_wait3A = tpu.memref_slice %arg5[%add3A_271] : memref<25165824xf32, #tpu.memory_space<hbm>> -> memref<24576xf32, #tpu.memory_space<hbm>>
      %dma_wait3A_298 = tpu.memref_slice %arg5[%add3A_271] : memref<25165824xf32, #tpu.memory_space<hbm>> -> memref<24576xf32, #tpu.memory_space<hbm>>
      tpu.wait_dma2 semaphore(%run_scoped3A : memref<!tpu.dma_semaphore, #tpu.memory_space<semaphore_mem>>) src(%arg9 : memref<24576xf32, #tpu.memory_space<vmem>>) dst(%dma_wait3A_298 : memref<24576xf32, #tpu.memory_space<hbm>>)
      tpu.yield
    }) : () -> ()
    %add3A_279 = arith.constant 23592960 : i32
    %add3A_280 = arith.addi %add3A_279, %mul3A_8 : i32
    "tpu.region"() ({
      %run_scoped3A = tpu.sem_alloc : memref<!tpu.dma_semaphore, #tpu.memory_space<semaphore_mem>>
      %dma_start3A = tpu.memref_slice %arg2[%add3A_280] : memref<25165824xf32, #tpu.memory_space<hbm>> -> memref<24576xf32, #tpu.memory_space<hbm>>
      %dma_start3A_297 = tpu.memref_slice %arg2[%add3A_280] : memref<25165824xf32, #tpu.memory_space<hbm>> -> memref<24576xf32, #tpu.memory_space<hbm>>
      tpu.enqueue_dma source(%dma_start3A_297 : memref<24576xf32, #tpu.memory_space<hbm>>) target(%arg9 : memref<24576xf32, #tpu.memory_space<vmem>>) target_semaphore(%run_scoped3A : memref<!tpu.dma_semaphore, #tpu.memory_space<semaphore_mem>>)
      %dma_wait3A = tpu.memref_slice %arg2[%add3A_280] : memref<25165824xf32, #tpu.memory_space<hbm>> -> memref<24576xf32, #tpu.memory_space<hbm>>
      %dma_wait3A_298 = tpu.memref_slice %arg2[%add3A_280] : memref<25165824xf32, #tpu.memory_space<hbm>> -> memref<24576xf32, #tpu.memory_space<hbm>>
      tpu.wait_dma2 semaphore(%run_scoped3A : memref<!tpu.dma_semaphore, #tpu.memory_space<semaphore_mem>>) src(%dma_wait3A_298 : memref<24576xf32, #tpu.memory_space<hbm>>) dst(%arg9 : memref<24576xf32, #tpu.memory_space<vmem>>)
      tpu.yield
    }) : () -> ()
    %scan3A_281 = arith.constant 0 : i32
    %scan3A_282 = arith.constant 0 : i32
    %scan3A_283 = arith.constant 1536 : i32
    %scan3A_284 = arith.addi %scan3A_282, %scan3A_283 : i32
    %scan3A_285 = arith.constant 1 : i32
    %scan3A_286 = scf.for %scan3A_297 = %scan3A_282 to %scan3A_284 step %scan3A_285 iter_args(%scan3A_298 = %scan3A_281) -> (i32)  : i32 {
      %mul3A_299 = arith.constant 16 : i32
      %mul3A_300 = arith.muli %scan3A_297, %mul3A_299 : i32
      %get3A = arith.index_cast %mul3A_300 : i32 to index
      %get3A_301 = tpu.vector_load %arg9[%get3A] {strides = array<i32>} : memref<24576xf32, #tpu.memory_space<vmem>>, vector<16xf32>,
      %get3A_302 = vector.shape_cast %get3A_301 : vector<16xf32> to vector<16xf32>
      %mul3A_303 = arith.constant 16 : i32
      %mul3A_304 = arith.muli %scan3A_297, %mul3A_303 : i32
      %get3A_305 = arith.index_cast %mul3A_304 : i32 to index
      %get3A_306 = tpu.vector_load %arg8[%get3A_305] {strides = array<i32>} : memref<24576xf32, #tpu.memory_space<vmem>>, vector<16xf32>,
      %get3A_307 = vector.shape_cast %get3A_306 : vector<16xf32> to vector<16xf32>
      %add3A_308 = arith.addf %get3A_302, %get3A_307 : vector<16xf32>
      %mul3A_309 = arith.constant 16 : i32
      %mul3A_310 = arith.muli %scan3A_297, %mul3A_309 : i32
      %swap3A = arith.index_cast %mul3A_310 : i32 to index
      %swap3A_311 = tpu.vector_load %arg9[%swap3A] {strides = array<i32>} : memref<24576xf32, #tpu.memory_space<vmem>>, vector<16xf32>,
      %swap3A_312 = vector.shape_cast %swap3A_311 : vector<16xf32> to vector<16xf32>
      %swap3A_313 = vector.shape_cast %add3A_308 : vector<16xf32> to vector<16xf32>
      tpu.vector_store %arg9[%swap3A], %swap3A_313 {strides = array<i32>} : memref<24576xf32, #tpu.memory_space<vmem>>, vector<16xf32>,
      %scan3A_314 = arith.constant 0 : i32
      scf.yield %scan3A_314 : i32
    }
    %scan3A_287 = arith.constant 1536 : i32
    "tpu.region"() ({
      %run_scoped3A = tpu.sem_alloc : memref<!tpu.dma_semaphore, #tpu.memory_space<semaphore_mem>>
      %dma_start3A = tpu.memref_slice %arg5[%add3A_280] : memref<25165824xf32, #tpu.memory_space<hbm>> -> memref<24576xf32, #tpu.memory_space<hbm>>
      %dma_start3A_297 = tpu.memref_slice %arg5[%add3A_280] : memref<25165824xf32, #tpu.memory_space<hbm>> -> memref<24576xf32, #tpu.memory_space<hbm>>
      tpu.enqueue_dma source(%arg9 : memref<24576xf32, #tpu.memory_space<vmem>>) target(%dma_start3A_297 : memref<24576xf32, #tpu.memory_space<hbm>>) target_semaphore(%run_scoped3A : memref<!tpu.dma_semaphore, #tpu.memory_space<semaphore_mem>>)
      %dma_wait3A = tpu.memref_slice %arg5[%add3A_280] : memref<25165824xf32, #tpu.memory_space<hbm>> -> memref<24576xf32, #tpu.memory_space<hbm>>
      %dma_wait3A_298 = tpu.memref_slice %arg5[%add3A_280] : memref<25165824xf32, #tpu.memory_space<hbm>> -> memref<24576xf32, #tpu.memory_space<hbm>>
      tpu.wait_dma2 semaphore(%run_scoped3A : memref<!tpu.dma_semaphore, #tpu.memory_space<semaphore_mem>>) src(%arg9 : memref<24576xf32, #tpu.memory_space<vmem>>) dst(%dma_wait3A_298 : memref<24576xf32, #tpu.memory_space<hbm>>)
      tpu.yield
    }) : () -> ()
    %add3A_288 = arith.constant 24379392 : i32
    %add3A_289 = arith.addi %add3A_288, %mul3A_8 : i32
    "tpu.region"() ({
      %run_scoped3A = tpu.sem_alloc : memref<!tpu.dma_semaphore, #tpu.memory_space<semaphore_mem>>
      %dma_start3A = tpu.memref_slice %arg2[%add3A_289] : memref<25165824xf32, #tpu.memory_space<hbm>> -> memref<24576xf32, #tpu.memory_space<hbm>>
      %dma_start3A_297 = tpu.memref_slice %arg2[%add3A_289] : memref<25165824xf32, #tpu.memory_space<hbm>> -> memref<24576xf32, #tpu.memory_space<hbm>>
      tpu.enqueue_dma source(%dma_start3A_297 : memref<24576xf32, #tpu.memory_space<hbm>>) target(%arg9 : memref<24576xf32, #tpu.memory_space<vmem>>) target_semaphore(%run_scoped3A : memref<!tpu.dma_semaphore, #tpu.memory_space<semaphore_mem>>)
      %dma_wait3A = tpu.memref_slice %arg2[%add3A_289] : memref<25165824xf32, #tpu.memory_space<hbm>> -> memref<24576xf32, #tpu.memory_space<hbm>>
      %dma_wait3A_298 = tpu.memref_slice %arg2[%add3A_289] : memref<25165824xf32, #tpu.memory_space<hbm>> -> memref<24576xf32, #tpu.memory_space<hbm>>
      tpu.wait_dma2 semaphore(%run_scoped3A : memref<!tpu.dma_semaphore, #tpu.memory_space<semaphore_mem>>) src(%dma_wait3A_298 : memref<24576xf32, #tpu.memory_space<hbm>>) dst(%arg9 : memref<24576xf32, #tpu.memory_space<vmem>>)
      tpu.yield
    }) : () -> ()
    %scan3A_290 = arith.constant 0 : i32
    %scan3A_291 = arith.constant 0 : i32
    %scan3A_292 = arith.constant 1536 : i32
    %scan3A_293 = arith.addi %scan3A_291, %scan3A_292 : i32
    %scan3A_294 = arith.constant 1 : i32
    %scan3A_295 = scf.for %scan3A_297 = %scan3A_291 to %scan3A_293 step %scan3A_294 iter_args(%scan3A_298 = %scan3A_290) -> (i32)  : i32 {
      %mul3A_299 = arith.constant 16 : i32
      %mul3A_300 = arith.muli %scan3A_297, %mul3A_299 : i32
      %get3A = arith.index_cast %mul3A_300 : i32 to index
      %get3A_301 = tpu.vector_load %arg9[%get3A] {strides = array<i32>} : memref<24576xf32, #tpu.memory_space<vmem>>, vector<16xf32>,
      %get3A_302 = vector.shape_cast %get3A_301 : vector<16xf32> to vector<16xf32>
      %mul3A_303 = arith.constant 16 : i32
      %mul3A_304 = arith.muli %scan3A_297, %mul3A_303 : i32
      %get3A_305 = arith.index_cast %mul3A_304 : i32 to index
      %get3A_306 = tpu.vector_load %arg8[%get3A_305] {strides = array<i32>} : memref<24576xf32, #tpu.memory_space<vmem>>, vector<16xf32>,
      %get3A_307 = vector.shape_cast %get3A_306 : vector<16xf32> to vector<16xf32>
      %add3A_308 = arith.addf %get3A_302, %get3A_307 : vector<16xf32>
      %mul3A_309 = arith.constant 16 : i32
      %mul3A_310 = arith.muli %scan3A_297, %mul3A_309 : i32
      %swap3A = arith.index_cast %mul3A_310 : i32 to index
      %swap3A_311 = tpu.vector_load %arg9[%swap3A] {strides = array<i32>} : memref<24576xf32, #tpu.memory_space<vmem>>, vector<16xf32>,
      %swap3A_312 = vector.shape_cast %swap3A_311 : vector<16xf32> to vector<16xf32>
      %swap3A_313 = vector.shape_cast %add3A_308 : vector<16xf32> to vector<16xf32>
      tpu.vector_store %arg9[%swap3A], %swap3A_313 {strides = array<i32>} : memref<24576xf32, #tpu.memory_space<vmem>>, vector<16xf32>,
      %scan3A_314 = arith.constant 0 : i32
      scf.yield %scan3A_314 : i32
    }
    %scan3A_296 = arith.constant 1536 : i32
    "tpu.region"() ({
      %run_scoped3A = tpu.sem_alloc : memref<!tpu.dma_semaphore, #tpu.memory_space<semaphore_mem>>
      %dma_start3A = tpu.memref_slice %arg5[%add3A_289] : memref<25165824xf32, #tpu.memory_space<hbm>> -> memref<24576xf32, #tpu.memory_space<hbm>>
      %dma_start3A_297 = tpu.memref_slice %arg5[%add3A_289] : memref<25165824xf32, #tpu.memory_space<hbm>> -> memref<24576xf32, #tpu.memory_space<hbm>>
      tpu.enqueue_dma source(%arg9 : memref<24576xf32, #tpu.memory_space<vmem>>) target(%dma_start3A_297 : memref<24576xf32, #tpu.memory_space<hbm>>) target_semaphore(%run_scoped3A : memref<!tpu.dma_semaphore, #tpu.memory_space<semaphore_mem>>)
      %dma_wait3A = tpu.memref_slice %arg5[%add3A_289] : memref<25165824xf32, #tpu.memory_space<hbm>> -> memref<24576xf32, #tpu.memory_space<hbm>>
      %dma_wait3A_298 = tpu.memref_slice %arg5[%add3A_289] : memref<25165824xf32, #tpu.memory_space<hbm>> -> memref<24576xf32, #tpu.memory_space<hbm>>
      tpu.wait_dma2 semaphore(%run_scoped3A : memref<!tpu.dma_semaphore, #tpu.memory_space<semaphore_mem>>) src(%arg9 : memref<24576xf32, #tpu.memory_space<vmem>>) dst(%dma_wait3A_298 : memref<24576xf32, #tpu.memory_space<hbm>>)
      tpu.yield
    }) : () -> ()
    return
  }
}

</mosaic_0001>

<sc_bundles>
// kernel: kernel.3.cloned.1.call-start
scs
__scs_entry_jumppad:
0x0: {  	(pc) =	sbr.rel $0x88, $3  }
0x1: {  	(tag) =	ssettag $0x0;
	lr =	simm.s32 $0x1  }
0x2: {  	[smem:$0x3F9E] =	sst lr;
	_ =	strace $0xD0000000  }
0x3: {  	_ = 	snop  }
0x4: {  	_ = 	snop  }
0x5: {  	_ = 	snop  }
0x6: {  	_ = 	snop  }
0x7: {  	_ = 	snop  }
__scs_overlays_trampoline_lowered:
0x8: {  	[smem:$0x3FAD] =	sst s0  }
0x9: {  	[smem:$0x3FAE] =	sst s1  }
0xa: {  	[smem:$0x3FAF] =	sst s2  }
0xb: {  	[smem:$0x3FB0] =	sst s3  }
0xc: {  	[smem:$0x3FB1] =	sst s4  }
0xd: {  	[smem:$0x3FB2] =	sst s5  }
0xe: {  	[smem:$0x3FB3] =	sst s6  }
0xf: {  	[smem:$0x3FB4] =	sst s7  }
0x10: {  	[smem:$0x3FB5] =	sst s8  }
0x11: {  	[smem:$0x3FB6] =	sst s9;
	s0 =	simm.s32 @!p0 $0x0  }
0x12: {  	s1 =	sld [smem:$0x3F9C];
	s0 =	simm.s32 @p0 $0x1  }
0x13: {  	[smem:$0x3FB7] =	sst s0;
	s0 =	simm.s32 @!p1 $0x0  }
0x14: {  	s2 =	sld [smem:$0x3F9B];
	s0 =	simm.s32 @p1 $0x1  }
0x15: {  	[smem:$0x3FB8] =	sst s0;
	s0 =	simm.s32 @!p2 $0x0  }
0x16: {  	s3 =	sld [smem:$0x3FDB];
	s0 =	simm.s32 @p2 $0x1  }
0x17: {  	s4 =	simm.s32 $0x1BF5;
	[smem:$0x3FBA] =	sst s0  }
0x18: {  	s0 =	sld [smem:$0x3F9D];
	_ =	swait.ge [sflag:s4], $0x0  }
0x19: {  	s7 =	sld [smem:$0x3F9E]  }
0x1a: {  	s8 =	sadd.s32 $0xFFFFE003, lr  }
0x1b: {  	s9 =	sadd.s32 $0xFFFFFEF7, lr;
	s5 =	simm.s32 $0xFFFFFFFF;
	p2 =	slt.u32 s8, $0xFFFFF086  }
0x1c: {  	p1 =	slt.u32 s9, $0xF7A;
	s5 =	simm.s32 @!p2 $0x0  }
0x1d: {  	s5 =	simm.s32 @p1 $0x1;
	p0 =	seq.s32 s7, s2  }
0x1e: {  	s7 =	smul.u32 @!p0 $0xF7A, s2;
	p2 =	seq.s32 @!p0 s5, $0x0  }
0x1f: {  	s9 =	smul.u32 $0xF7A, s1;
	s8 =	simm.s32 @!p0 $0x1BF5;
	p2 =	por !p2, p0  }
0x20: {  	[sflag:s8] =	ssyncset.s32 @!p0 $0xFFFFF086;
	s6 =	sadd.s32 @!p0 s3, s7;
	s7 =	simm.s32 @!p0 $0x108  }
0x21: {  	s3 =	sadd.s32 s3, s9;
	s6 =	sadd.s32 @!p0 $0x88, s6;
	s7 =	simm.s32 @p2 $0x1082  }
0x22: {  	[simem:s7], [sflag:s8] =	dma.local @!p0 [hbm:s6], $0xF7A  }
0x23: {  	s9 =	sor.u32 $0xD0000000, s2;
	s6 =	simm.s32 $0x108;
	_ =	swait.ge @!p0 [sflag:s8], $0x0  }
0x24: {  	s3 =	sadd.s32 $0x88, s3;
	s6 =	simm.s32 @!p1 $0x1082;
	[sflag:s4] =	ssyncset.s32 $0xFFFFF086  }
0x25: {  	[simem:s6], [sflag:s4] =	dma.local [hbm:s3], $0xF7A  }
0x26: {  	[smem:$0x3F9E] =	sst s1;
	(tag) =	ssettag s2;
	_ =	strace s9  }
0x27: {  	s1 =	sld [smem:$0x3FAE]  }
0x28: {  	s2 =	sld [smem:$0x3FAF]  }
0x29: {  	s4 =	sld [smem:$0x3FB1]  }
0x2a: {  	p0 =	seq.s32 s5, $0x0;
	s5 =	sld [smem:$0x3FB2]  }
0x2b: {  	s6 =	sld [smem:$0x3FB3]  }
0x2c: {  	s7 =	sld [smem:$0x3FB4]  }
0x2d: {  	s3 =	simm.s32 $0x108;
	s8 =	sld [smem:$0x3FB5]  }
0x2e: {  	s3 =	simm.s32 @!p0 $0x1082;
	s9 =	sld [smem:$0x3FB6]  }
0x2f: {  	lr =	sadd.s32 s0, s3;
	s0 =	sld [smem:$0x3FAD]  }
0x30: {  	s3 =	sld [smem:$0x3FB0]  }
0x31: {  	[smem:$0x3FB9] =	sst s10  }
0x32: {  	s10 =	sld [smem:$0x3FB7];
	_ =	sdelay $0x3  }
0x33: {  	p0 =	seq.s32 s10, $0x1;
	s10 =	sld [smem:$0x3FB9];
	_ =	sdelay $0x3  }
0x34: {  	[smem:$0x3FB9] =	sst s10  }
0x35: {  	s10 =	sld [smem:$0x3FB8];
	_ =	sdelay $0x3  }
0x36: {  	p1 =	seq.s32 s10, $0x1;
	s10 =	sld [smem:$0x3FB9];
	_ =	sdelay $0x3  }
0x37: {  	[smem:$0x3FB9] =	sst s10  }
0x38: {  	s10 =	sld [smem:$0x3FBA]  }
0x39: {  	_ = 	snop;
	(pc) =	sbr.ind lr, $3  }
0x3a: {  	_ = 	snop  }
0x3b: {  	_ = 	snop  }
0x3c: {  	p2 =	seq.s32 s10, $0x1;
	s10 =	sld [smem:$0x3FB9]  }
0x3d: {  	_ =	shalt  }
0x3e: {  	_ =	shalt  }
0x3f: {  	_ =	shalt  }
0x40: {  	_ =	shalt  }
0x41: {  	_ =	shalt  }
0x42: {  	_ =	shalt  }
0x43: {  	_ =	shalt  }
0x44: {  	_ =	shalt  }
0x45: {  	_ =	shalt  }
0x46: {  	_ =	shalt  }
0x47: {  	_ =	shalt  }
0x48: {  	_ =	shalt  }
0x49: {  	_ =	shalt  }
0x4a: {  	_ =	shalt  }
0x4b: {  	_ =	shalt  }
0x4c: {  	_ =	shalt  }
0x4d: {  	_ =	shalt  }
0x4e: {  	_ =	shalt  }
0x4f: {  	_ =	shalt  }
0x50: {  	_ =	shalt  }
0x51: {  	_ =	shalt  }
0x52: {  	_ =	shalt  }
0x53: {  	_ =	shalt  }
0x54: {  	_ =	shalt  }
0x55: {  	_ =	shalt  }
0x56: {  	_ =	shalt  }
0x57: {  	_ =	shalt  }
0x58: {  	_ =	shalt  }
0x59: {  	_ =	shalt  }
0x5a: {  	_ =	shalt  }
0x5b: {  	_ =	shalt  }
0x5c: {  	_ =	shalt  }
0x5d: {  	_ =	shalt  }
0x5e: {  	_ =	shalt  }
0x5f: {  	_ =	shalt  }
0x60: {  	_ =	shalt  }
0x61: {  	_ =	shalt  }
0x62: {  	_ =	shalt  }
0x63: {  	_ =	shalt  }
0x64: {  	_ =	shalt  }
0x65: {  	_ =	shalt  }
0x66: {  	_ =	shalt  }
0x67: {  	_ =	shalt  }
0x68: {  	_ =	shalt  }
0x69: {  	_ =	shalt  }
0x6a: {  	_ =	shalt  }
0x6b: {  	_ =	shalt  }
0x6c: {  	_ =	shalt  }
0x6d: {  	_ =	shalt  }
0x6e: {  	_ =	shalt  }
0x6f: {  	_ =	shalt  }
0x70: {  	_ =	shalt  }
0x71: {  	_ =	shalt  }
0x72: {  	_ =	shalt  }
0x73: {  	_ =	shalt  }
0x74: {  	_ =	shalt  }
0x75: {  	_ =	shalt  }
0x76: {  	_ =	shalt  }
0x77: {  	_ =	shalt  }
0x78: {  	_ =	shalt  }
0x79: {  	_ =	shalt  }
0x7a: {  	_ =	shalt  }
0x7b: {  	_ =	shalt  }
0x7c: {  	_ =	shalt  }
0x7d: {  	_ =	shalt  }
0x7e: {  	_ =	shalt  }
0x7f: {  	_ =	shalt  }
0x80: {  	_ =	shalt  }
0x81: {  	_ =	shalt  }
0x82: {  	_ =	shalt  }
0x83: {  	_ =	shalt  }
0x84: {  	_ =	shalt  }
0x85: {  	_ =	shalt  }
0x86: {  	_ =	shalt  }
0x87: {  	_ =	shalt  }
.Lfunc_end0:
.L_simem_size_0:
called_computation_lowered:
.L_overlay_start_0:
0x88: {  	s2 =	sld [smem:$0x3FD9]  }
0x89: {  	s3 =	sld [smem:$0x3FFE];
	_ =	sdelay $0x1  }
0x8a: {  	s1 =	srdreg.scid  }
0x8b: {  	s0 =	sand.u32 $0x1, s1  }
0x8c: {  	s17 =	sshll.u32 s0, $0xA;
	s2 =	sadd.s32 s3, s2  }
0x8d: {  	s2 =	sadd.s32 s2, s17  }
0x8e: {  	[smem:$0x3FC5] =	sst s2  }
0x8f: {  	_ = 	snop  }
0x90: {  	s2 =	sld [smem:$0x3FC8]  }
0x91: {  	s18 =	sld [smem:$0x3FD0];
	(tm) =	ssettm $0x1  }
0x92: {  	s4 =	sld [smem:$0x3FFB];
	_ =	sdelay $0x3  }
0x93: {  	_ =	strace s4  }
0x94: {  	s4 =	sld [smem:$0x3FFC];
	_ =	sdelay $0x3  }
0x95: {  	_ =	strace s4  }
0x96: {  	s4 =	sld [smem:$0x3FFD];
	_ =	sdelay $0x3  }
0x97: {  	_ =	strace s4  }
0x98: {  	_ =	strace $0x8FFFFFFF  }
0x99: {  	s19 =	sld [smem:$0x3FDB];
	_ =	sdelay $0x1  }
0x9a: {  	s5 =	simm.s32 $_scs_section_size  }
0x9b: {  	s6 =	simm.s32 $_size__tile_overlayer_lowered;
	s7 =	simm.s32 $_tile_overlayer_lowered  }
0x9c: {  	s22 =	simm.s32 $0x1BFF;
	s21 =	sshll.u32 s7, $0x1;
	s4 =	sadd.s32 s5, s19  }
0x9d: {  	s8 =	simm.s32 $0x0;
	s20 =	sshll.u32 s6, $0x1;
	s6 =	sadd.s32 s21, s4  }
0x9e: {  	[timem:s8], [sflag:s22] =	dma.local [hbm:s6], s20  }
0x9f: {  	_ =	swait.ge [sflag:s22], s20  }
0xa0: {  	s5 =	ssub.s32 $0x0, s20;
	[sflag:s22] =	ssyncset.done $0x0  }
0xa1: {  	[sflag:s22] =	ssyncadd.s32 s5;
	_ =	sdelay $0x1  }
0xa2: {  	s23 =	simm.s32 $0x1B8B  }
0xa3: {  	_ =	swait.ge [sflag:s23], $0x1  }
0xa4: {  	[sflag:s23] =	ssyncset.done $0x0  }
0xa5: {  	s25 =	simm.s32 $0x1B8E;
	s24 =	sld [smem:$0x3FFE];
	[sflag:s23] =	ssyncadd.s32 $0xFFFFFFFF  }
0xa6: {  	s26 =	simm.s32 $execute0_lowered;
	[smem:$0x3FD2] =	sst s25  }
0xa7: {  	s6 =	sshll.u32 s26, $0x1;
	_ =	strace $0x80000046;
	[dreg:$0x1] =	wrdreg $0xFFFFFFFF  }
0xa8: {  	s28 =	simm.s32 $_size_execute0_lowered;
	s4 =	sadd.s32 s4, s6;
	[dreg:$0x0] =	wrdreg $0x0  }
0xa9: {  	s6 =	sshll.u32 s28, $0x1;
	[dreg:$0x2] =	wrdreg s4  }
0xaa: {  	[dreg:$0x3] =	wrdreg s6  }
0xab: {  	[dreg:$0x4] =	wrdreg $0xC0  }
0xac: {  	_ =	task [dreg:s8], $0x5FFFF  }
0xad: {  	[dreg:$0x1] =	wrdreg $0xFFFFFFFF  }
0xae: {  	[dreg:$0x0] =	wrdreg $0x60  }
0xaf: {  	[dreg:$0x2] =	wrdreg s18  }
0xb0: {  	[dreg:$0x3] =	wrdreg s2  }
0xb1: {  	[dreg:$0x4] =	wrdreg s24  }
0xb2: {  	[dreg:$0x5] =	wrdreg $0x9  }
0xb3: {  	_ =	task.clear_ibuf [dreg:s8], $0x6FFFF;
	_ =	strace $0x90000046  }
0xb4: {  	s29 =	simm.s32 $0x9;
	_ =	strace $0x80000048  }
0xb5: {  	_ =	swait.ge [sflag:s29], $0x1  }
0xb6: {  	[sflag:s29] =	ssyncadd.s32 $0xFFFFFFFF  }
0xb7: {  	_ =	strace $0x90000048  }
0xb8: {  	_ =	sfence  }
0xb9: {  	s30 =	sld [smem:$0x0];
	_ =	sdelay $0x2  }
0xba: {  	s31 =	sshll.u32 s1, $0xD;
	s1 =	sshrl.u32 s1, $0x2  }
0xbb: {  	s3 =	sand.u32 $0x4000, s31;
	s1 =	sadd.s32 s1, s30  }
0xbc: {  	s0 =	sor.u32 s3, s0;
	s1 =	sshll.u32 s1, $0x11  }
0xbd: {  	s0 =	sor.u32 s1, s0  }
0xbe: {  	s0 =	sadd.s32 $0x8F2B, s0  }
0xbf: {  	[sflag:s0] =	ssyncadd.remote.s32 $0x1  }
0xc0: {  	_ =	sfence.sel $0xFFFF  }
0xc1: {  	[dreg:$0x0] =	wrdreg $0xFFFFFFFF;
	(pc) =	sbr.abs _section_cstart, $3  }
0xc2: {  	[dreg:$0x1] =	wrdreg $0xFFFFFFFF  }
0xc3: {  	_ =	task.clear_ibuf [dreg:s8], $0x2FFFF;
	_ =	strace $0x9FFFFFFF  }
0xc4: {  	(tm) =	ssettm $0x7FFFFFFF  }
0xc5: {  	_ =	shalt  }
tec
execute0_lowered:
.L_overlay_start_1:
0x0: {  	(tag) =	ssettag $0x1  }
0x1: {  	s1 =	srdreg.scid;
	s3 =	stileid.u32  }
0x2: {  	s2 =	sand.u32 $0x1, s1;
	s25 =	sshll.u32 s3, $0x1  }
0x3: {  	s3 =	sshrl.u32 s3, $0x2;
	s4 =	sor.u32 s2, s25  }
0x4: {  	s5 =	rddreg [dreg:$0x0];
	s3 =	smul.u32 $0xC00, s3;
	s8 =	sshll.u32 s4, $0x7  }
0x5: {  	s0 =	rddreg [dreg:$0x1];
	s4 =	smul.u32 $0x6000, s4;
	s8 =	sand.u32 $0x380, s8  }
0x6: {  	s7 =	rddreg [dreg:$0x2];
	s1 =	simm.s32 $0x0;
	s8 =	sor.u32 s3, s8  }
0x7: {  	s6 =	sadd.s32 $0xA00, s7;
	s3 =	sshrl.u32 s4, $0x3;
	s9 =	sshrl.u32 s8, $0x3  }
0x8: {  	[smem:$0x7FF] =	sst s1;
	s10 =	sadd.s32 $0x18000, s3;
	s0 =	sadd.s32 s0, s9  }
0x9: {  	s7 =	sadd.s32 $0x400, s7;
	s11 =	sadd.s32 s5, s10;
	[dreg:$0x4] =	wrdreg s0  }
0xa: {  	s13 =	sadd.s32 $0x30000, s3;
	s12 =	sadd.s32 s6, s10;
	[dreg:$0x5] =	wrdreg s11  }
0xb: {  	s14 =	sadd.s32 $0x48000, s3;
	s15 =	sadd.s32 s5, s13;
	[dreg:$0x6] =	wrdreg s12  }
0xc: {  	s2 =	ssub.s32 $0x2, s2;
	s16 =	sadd.s32 s5, s14;
	[dreg:$0x7] =	wrdreg s15  }
0xd: {  	s18 =	sor.u32 $0x60000, s3;
	s17 =	sadd.s32 s6, s14;
	[dreg:$0x9] =	wrdreg s16  }
0xe: {  	s19 =	sadd.s32 $0x78000, s3;
	s20 =	sadd.s32 s5, s18;
	[dreg:$0xa] =	wrdreg s17  }
0xf: {  	s26 =	sshrl.u32 s2, $0x1;
	s21 =	sadd.s32 s5, s19;
	[dreg:$0xb] =	wrdreg s20  }
0x10: {  	s23 =	sadd.s32 $0x90000, s3;
	s22 =	sadd.s32 s6, s19;
	[dreg:$0xd] =	wrdreg s21  }
0x11: {  	s24 =	sadd.s32 $0xA8000, s3;
	s25 =	sadd.s32 s5, s23;
	[dreg:$0xe] =	wrdreg s22  }
0x12: {  	s8 =	ssub.s32 s2, s26;
	s26 =	sadd.s32 s5, s24;
	[dreg:$0xf] =	wrdreg s25  }
0x13: {  	s2 =	sadd.s32 s6, s3;
	s4 =	sadd.s32 s6, s24;
	[dreg:$0x11] =	wrdreg s26  }
0x14: {  	s9 =	sor.u32 $0xC0000, s3;
	s0 =	sadd.s32 s6, s13;
	[dreg:$0x12] =	wrdreg s4  }
0x15: {  	s10 =	sadd.s32 $0xD8000, s3;
	s11 =	sadd.s32 s5, s9;
	[dreg:$0x8] =	wrdreg s0  }
0x16: {  	s14 =	sadd.s32 $0xF0000, s3;
	s12 =	sadd.s32 s5, s10;
	[dreg:$0x13] =	wrdreg s11  }
0x17: {  	s19 =	sor.u32 $0x120000, s3;
	s13 =	sadd.s32 s6, s10;
	[dreg:$0x15] =	wrdreg s12  }
0x18: {  	s24 =	sadd.s32 $0x150000, s3;
	s16 =	sadd.s32 s5, s14;
	[dreg:$0x16] =	wrdreg s13  }
0x19: {  	s8 =	smax.u32 s8, $0x1;
	s21 =	sadd.s32 s5, s19;
	[dreg:$0x17] =	wrdreg s16  }
0x1a: {  	s15 =	sadd.s32 $0x108000, s3;
	s26 =	sadd.s32 s5, s24;
	[dreg:$0x1b] =	wrdreg s21  }
0x1b: {  	s20 =	sadd.s32 $0x138000, s3;
	s0 =	sadd.s32 s6, s18;
	[dreg:$0x1f] =	wrdreg s26  }
0x1c: {  	s25 =	sadd.s32 $0x168000, s3;
	s17 =	sadd.s32 s5, s15;
	[dreg:$0xc] =	wrdreg s0  }
0x1d: {  	s10 =	sor.u32 $0x180000, s3;
	s18 =	sadd.s32 s6, s15;
	[dreg:$0x19] =	wrdreg s17  }
0x1e: {  	s22 =	sadd.s32 s5, s20;
	s4 =	sadd.s32 s5, s25;
	[dreg:$0x1a] =	wrdreg s18  }
0x1f: {  	s11 =	sadd.s32 $0x198000, s3;
	s12 =	sadd.s32 s5, s10;
	[dreg:$0x1d] =	wrdreg s22  }
0x20: {  	s15 =	sadd.s32 $0x1B0000, s3;
	s16 =	sadd.s32 $0x1C8000, s3;
	[smem:$0x7E9] =	sst s4  }
0x21: {  	s21 =	sadd.s32 $0x1F8000, s3;
	s0 =	sadd.s32 s6, s23;
	[smem:$0x7EB] =	sst s12  }
0x22: {  	s26 =	sadd.s32 $0x228000, s3;
	s23 =	sadd.s32 s6, s20;
	[dreg:$0x10] =	wrdreg s0  }
0x23: {  	s13 =	sadd.s32 s5, s11;
	s17 =	sadd.s32 s5, s15;
	[dreg:$0x1e] =	wrdreg s23  }
0x24: {  	s18 =	sadd.s32 s5, s16;
	s20 =	sor.u32 $0x1E0000, s3;
	[smem:$0x7ED] =	sst s13  }
0x25: {  	s12 =	sor.u32 $0x240000, s3;
	s0 =	sadd.s32 s6, s9;
	[smem:$0x7EF] =	sst s17  }
0x26: {  	s9 =	sadd.s32 s6, s25;
	[smem:$0x7F1] =	sst s18;
	s22 =	sadd.s32 s5, s20  }
0x27: {  	s23 =	sadd.s32 s5, s21;
	s25 =	sadd.s32 $0x210000, s3;
	[dreg:$0x14] =	wrdreg s0  }
0x28: {  	s13 =	sadd.s32 $0x258000, s3;
	s17 =	sadd.s32 $0x288000, s3;
	[smem:$0x7EA] =	sst s9  }
0x29: {  	s18 =	sor.u32 $0x2A0000, s3;
	s0 =	sadd.s32 s6, s14;
	[smem:$0x7F3] =	sst s22  }
0x2a: {  	s14 =	sadd.s32 s6, s11;
	[smem:$0x7F5] =	sst s23;
	s9 =	sadd.s32 s5, s25  }
0x2b: {  	s11 =	sadd.s32 s6, s26;
	s22 =	sadd.s32 s6, s13;
	[dreg:$0x18] =	wrdreg s0  }
0x2c: {  	s28 =	sadd.s32 s5, s18;
	s29 =	sadd.s32 s6, s18;
	[smem:$0x7EE] =	sst s14  }
0x2d: {  	s0 =	sadd.s32 s6, s19;
	s19 =	sadd.s32 s6, s16;
	[smem:$0x7F7] =	sst s9  }
0x2e: {  	[smem:$0x7FA] =	sst s11;
	s14 =	sadd.s32 s5, s12;
	s16 =	sadd.s32 $0x270000, s3  }
0x2f: {  	s9 =	simm.s32 $0x1;
	s11 =	simm.s32 $0x0;
	[dreg:$0x1c] =	wrdreg s0  }
0x30: {  	s0 =	sadd.s32 s6, s24;
	[smem:$0x7F2] =	sst s19;
	s24 =	sadd.s32 s6, s21  }
0x31: {  	[smem:$0x7FB] =	sst s14;
	s23 =	sadd.s32 s5, s16;
	s19 =	sadd.s32 $0x2B8000, s3  }
0x32: {  	s21 =	sadd.s32 $0x2E8000, s3;
	[smem:$0x7E8] =	sst s0;
	s0 =	sadd.s32 s6, s10  }
0x33: {  	[smem:$0x7F6] =	sst s24;
	s10 =	sadd.s32 s5, s26;
	s24 =	sadd.s32 s6, s16  }
0x34: {  	s26 =	sadd.s32 s6, s17;
	s30 =	sadd.s32 s5, s19;
	[smem:$0x7EC] =	sst s0  }
0x35: {  	s31 =	sadd.s32 s6, s19;
	s0 =	sadd.s32 s6, s15;
	[smem:$0x7F9] =	sst s10  }
0x36: {  	s15 =	sadd.s32 s5, s13;
	s10 =	simm.s32 $0x9180;
	[smem:$0x7F0] =	sst s0  }
0x37: {  	s0 =	sadd.s32 s6, s20;
	[smem:$0x7FD] =	sst s15;
	s20 =	sadd.s32 $0x2D0000, s3  }
0x38: {  	[smem:$0x7F4] =	sst s0;
	s0 =	sadd.s32 s6, s25;
	s25 =	sadd.s32 s5, s17  }
0x39: {  	s4 =	sadd.s32 s6, s20;
	[smem:$0x7F8] =	sst s0;
	s0 =	sadd.s32 s6, s12  }
0x3a: {  	s6 =	sadd.s32 s6, s21;
	[smem:$0x7FC] =	sst s0;
	s0 =	sadd.s32 s5, s3  }
0x3b: {  	s3 =	sadd.s32 s5, s20;
	s5 =	sadd.s32 s5, s21;
	_ =	strace $0x80000047  }
.LBB2_1:
0x3c: {  	s12 =	rddreg [dreg:$0x4];
	s13 =	simm.s32 $0x80;
	s14 =	simm.s32 $0x400  }
0x3d: {  	[tilespmem:s1], [sflag:$0x1] =	stream.strided.gather [hbm4b:s12+s13], $0x180, s14, s13, $0x38;
	[tilespmem:$0xF180] =	vst v63  }
0x3e: {  	_ =	swait.ge [sflag:s9], $0x180  }
0x3f: {  	[sflag:s9] =	ssyncset.done $0x0  }
0x40: {  	s12 =	simm.s32 $0x180;
	[sflag:s9] =	ssyncadd.s32 $0xFFFFFE80  }
0x41: {  	[tilespmem:s12], [sflag:$0x1] =	stream.linear.gather [hbm4b:s7+s1], $0x3000, $0x38;
	[tilespmem:$0xF180] =	vst v63  }
0x42: {  	_ =	swait.ge [sflag:s9], $0x3000  }
0x43: {  	s15 =	simm.s32 $0x0;
	[sflag:s9] =	ssyncset.done $0x0  }
0x44: {  	s13 =	simm.s32 $0x0;
	s14 =	simm.s32 $0x0;
	[sflag:s9] =	ssyncadd.s32 $0xFFFFD000  }
.LBB2_2:
0x45: {  	s16 =	simm.s32 $0x0  }
0x46: {  	v0 =	vld [tilespmem:s16+$0x0]  }
0x47: {  	s17 =	sadd.s32 $0x0, s14  }
0x48: {  	s19 =	sand.u32 $0xFF80, s17;
	s17 =	sand.u32 $0x70, s16  }
0x49: {  	s18 =	simm.s32 $0x10;
	s20 =	sor.u32 s17, s19;
	s19 =	simm.s32 $0x0  }
.LBB2_3:
0x4a: {  	p0 =	sne.s32 s18, $0x170  }
0x4b: {  	[tilespmem:s20+$0x3180] =	vst v0;
	s19 =	sadd.s32 $0x10, s19;
	s20 =	smov.u32 s18;
	s18 =	sadd.s32 $0x10, s18  }
.Ltmp0:
0x4c: {  	v0 =	vld [tilespmem:s19+$0x0];
	(pc) =	sbr.rel @p0 .LBB2_3-.Ltmp0, $4  }
0x4d: {  	_ = 	snop  }
0x4e: {  	s21 =	sadd.s32 s20, s14  }
0x4f: {  	s20 =	sand.u32 $0x70, s20;
	s21 =	sand.u32 $0xFF80, s21  }
0x50: {  	s20 =	sor.u32 s20, s21  }
0x51: {  	s18 =	sadd.s32 $0x0, s13  }
0x52: {  	s18 =	sand.u32 $0x7F80, s18  }
0x53: {  	[tilespmem:s20+$0x3180] =	vst v0;
	s19 =	sor.u32 s17, s18  }
0x54: {  	s18 =	simm.s32 $0x10;
	v0 =	vld [tilespmem:s19+$0x180]  }
.LBB2_5:
0x55: {  	s19 =	sadd.s32 s18, s13;
	p0 =	sne.s32 s18, $0x170  }
.Ltmp1:
0x56: {  	s20 =	sadd.s32 s16, s12;
	s16 =	smov.u32 s18;
	(pc) =	sbr.rel @p0 .LBB2_5-.Ltmp1, $4  }
0x57: {  	s18 =	sadd.s32 $0x10, s18;
	s20 =	sand.u32 $0x1FF80, s20  }
0x58: {  	s19 =	sand.u32 $0x7F80, s19;
	s20 =	sor.u32 s17, s20;
	s17 =	sand.u32 $0x70, s16  }
0x59: {  	s19 =	sor.u32 s17, s19;
	[tilespmem:s20+$0x3180] =	vst v0  }
0x5a: {  	v0 =	vld [tilespmem:s19+$0x180]  }
0x5b: {  	s15 =	sadd.s32 $0x1, s15  }
0x5c: {  	p0 =	sne.s32 s15, $0x20  }
.Ltmp2:
0x5d: {  	_ = 	snop;
	(pc) =	sbr.rel @p0 .LBB2_2-.Ltmp2, $4  }
0x5e: {  	s16 =	sadd.s32 s16, s12  }
0x5f: {  	s16 =	sand.u32 $0x1FF80, s16  }
0x60: {  	s16 =	sor.u32 s17, s16  }
0x61: {  	s14 =	sadd.s32 $0x300, s14;
	s13 =	sadd.s32 $0x180, s13;
	s12 =	sadd.s32 $0x300, s12;
	[tilespmem:s16+$0x3180] =	vst v0  }
0x62: {  	s12 =	simm.s32 $0x0  }
0x63: {  	[tilespmem:s10], [sflag:$0x1] =	stream.linear.gather [hbm4b:s0+s12], $0x6000, $0x38;
	[tilespmem:$0xF180] =	vst v63  }
0x64: {  	_ =	swait.ge [sflag:s9], $0x6000  }
0x65: {  	[sflag:s9] =	ssyncset.done $0x0  }
0x66: {  	s12 =	simm.s32 $0x0;
	[sflag:s9] =	ssyncadd.s32 $0xFFFFA000  }
0x67: {  	s13 =	simm.s32 $0x40;
	v0 =	vld [tilespmem:s12+$0x3180]  }
.LBB2_8:
0x68: {  	p0 =	sne.s32 s13, $0x17FC0;
	v1 =	vld [tilespmem:s12+$0x9180];
	_ =	sdelay $0x2  }
.Ltmp3:
0x69: {  	(pc) =	sbr.rel @p0 .LBB2_8-.Ltmp3, $4  }
0x6a: {  	_ = 	snop  }
0x6b: {  	v1 =	vadd.f32 v0, v1  }
0x6c: {  	s14 =	sshra.s32 s13, $0x2  }
0x6d: {  	s13 =	sadd.s32 $0x40, s13;
	v0 =	vld [tilespmem:s14+$0x3180];
	[tilespmem:s12+$0x9180] =	vst v1;
	s12 =	smov.u32 s14  }
0x6e: {  	v1 =	vld [tilespmem:s12+$0x9180];
	_ =	sdelay $0x4  }
0x6f: {  	v0 =	vadd.f32 v0, v1;
	_ =	sdelay $0x1  }
0x70: {  	s21 =	simm.s32 $0x0;
	[tilespmem:s12+$0x9180] =	vst v0  }
0x71: {  	[hbm4b:s2+s21] =	stream.linear.scatter [tilespmem:s10], [sflag:$0x1], $0x6000, $0x38;
	[tilespmem:$0xF180] =	vst v63  }
0x72: {  	_ =	swait.ge [sflag:s9], $0x6000  }
0x73: {  	[sflag:s9] =	ssyncset.done $0x0  }
0x74: {  	s13 =	rddreg [dreg:$0x5];
	[sflag:s9] =	ssyncadd.s32 $0xFFFFA000  }
0x75: {  	[tilespmem:s10], [sflag:$0x1] =	stream.linear.gather [hbm4b:s13+s21], $0x6000, $0x38;
	[tilespmem:$0xF180] =	vst v63  }
0x76: {  	_ =	swait.ge [sflag:s9], $0x6000  }
0x77: {  	[sflag:s9] =	ssyncset.done $0x0  }
0x78: {  	s12 =	simm.s32 $0x0;
	[sflag:s9] =	ssyncadd.s32 $0xFFFFA000  }
0x79: {  	s13 =	simm.s32 $0x40;
	v0 =	vld [tilespmem:s12+$0x3180]  }
.LBB2_10:
0x7a: {  	p0 =	sne.s32 s13, $0x17FC0;
	v1 =	vld [tilespmem:s12+$0x9180];
	_ =	sdelay $0x2  }
.Ltmp4:
0x7b: {  	(pc) =	sbr.rel @p0 .LBB2_10-.Ltmp4, $4  }
0x7c: {  	_ = 	snop  }
0x7d: {  	v1 =	vadd.f32 v0, v1  }
0x7e: {  	s14 =	sshra.s32 s13, $0x2  }
0x7f: {  	s13 =	sadd.s32 $0x40, s13;
	v0 =	vld [tilespmem:s14+$0x3180];
	[tilespmem:s12+$0x9180] =	vst v1;
	s12 =	smov.u32 s14  }
0x80: {  	v1 =	vld [tilespmem:s12+$0x9180];
	_ =	sdelay $0x4  }
0x81: {  	v0 =	vadd.f32 v0, v1;
	_ =	sdelay $0x1  }
0x82: {  	s20 =	simm.s32 $0x0;
	s13 =	rddreg [dreg:$0x6];
	[tilespmem:s12+$0x9180] =	vst v0  }
0x83: {  	[hbm4b:s13+s20] =	stream.linear.scatter [tilespmem:s10], [sflag:$0x1], $0x6000, $0x38;
	[tilespmem:$0xF180] =	vst v63  }
0x84: {  	_ =	swait.ge [sflag:s9], $0x6000  }
0x85: {  	[sflag:s9] =	ssyncset.done $0x0  }
0x86: {  	s21 =	rddreg [dreg:$0x7];
	[sflag:s9] =	ssyncadd.s32 $0xFFFFA000  }
0x87: {  	[tilespmem:s10], [sflag:$0x1] =	stream.linear.gather [hbm4b:s21+s20], $0x6000, $0x38;
	[tilespmem:$0xF180] =	vst v63  }
0x88: {  	_ =	swait.ge [sflag:s9], $0x6000  }
0x89: {  	[sflag:s9] =	ssyncset.done $0x0  }
0x8a: {  	s12 =	simm.s32 $0x0;
	[sflag:s9] =	ssyncadd.s32 $0xFFFFA000  }
0x8b: {  	s13 =	simm.s32 $0x40;
	v0 =	vld [tilespmem:s12+$0x3180]  }
.LBB2_12:
0x8c: {  	p0 =	sne.s32 s13, $0x17FC0;
	v1 =	vld [tilespmem:s12+$0x9180];
	_ =	sdelay $0x2  }
.Ltmp5:
0x8d: {  	(pc) =	sbr.rel @p0 .LBB2_12-.Ltmp5, $4  }
0x8e: {  	_ = 	snop  }
0x8f: {  	v1 =	vadd.f32 v0, v1  }
0x90: {  	s14 =	sshra.s32 s13, $0x2  }
0x91: {  	s13 =	sadd.s32 $0x40, s13;
	v0 =	vld [tilespmem:s14+$0x3180];
	[tilespmem:s12+$0x9180] =	vst v1;
	s12 =	smov.u32 s14  }
0x92: {  	v1 =	vld [tilespmem:s12+$0x9180];
	_ =	sdelay $0x4  }
0x93: {  	v0 =	vadd.f32 v0, v1;
	_ =	sdelay $0x1  }
0x94: {  	s20 =	simm.s32 $0x0;
	s13 =	rddreg [dreg:$0x8];
	[tilespmem:s12+$0x9180] =	vst v0  }
0x95: {  	[hbm4b:s13+s20] =	stream.linear.scatter [tilespmem:s10], [sflag:$0x1], $0x6000, $0x38;
	[tilespmem:$0xF180] =	vst v63  }
0x96: {  	_ =	swait.ge [sflag:s9], $0x6000  }
0x97: {  	[sflag:s9] =	ssyncset.done $0x0  }
0x98: {  	s21 =	rddreg [dreg:$0x9];
	[sflag:s9] =	ssyncadd.s32 $0xFFFFA000  }
0x99: {  	[tilespmem:s10], [sflag:$0x1] =	stream.linear.gather [hbm4b:s21+s20], $0x6000, $0x38;
	[tilespmem:$0xF180] =	vst v63  }
0x9a: {  	_ =	swait.ge [sflag:s9], $0x6000  }
0x9b: {  	[sflag:s9] =	ssyncset.done $0x0  }
0x9c: {  	s12 =	simm.s32 $0x0;
	[sflag:s9] =	ssyncadd.s32 $0xFFFFA000  }
0x9d: {  	s13 =	simm.s32 $0x40;
	v0 =	vld [tilespmem:s12+$0x3180]  }
.LBB2_14:
0x9e: {  	p0 =	sne.s32 s13, $0x17FC0;
	v1 =	vld [tilespmem:s12+$0x9180];
	_ =	sdelay $0x2  }
.Ltmp6:
0x9f: {  	(pc) =	sbr.rel @p0 .LBB2_14-.Ltmp6, $4  }
0xa0: {  	_ = 	snop  }
0xa1: {  	v1 =	vadd.f32 v0, v1  }
0xa2: {  	s14 =	sshra.s32 s13, $0x2  }
0xa3: {  	s13 =	sadd.s32 $0x40, s13;
	v0 =	vld [tilespmem:s14+$0x3180];
	[tilespmem:s12+$0x9180] =	vst v1;
	s12 =	smov.u32 s14  }
0xa4: {  	v1 =	vld [tilespmem:s12+$0x9180];
	_ =	sdelay $0x4  }
0xa5: {  	v0 =	vadd.f32 v0, v1;
	_ =	sdelay $0x1  }
0xa6: {  	s20 =	simm.s32 $0x0;
	s13 =	rddreg [dreg:$0xa];
	[tilespmem:s12+$0x9180] =	vst v0  }
0xa7: {  	[hbm4b:s13+s20] =	stream.linear.scatter [tilespmem:s10], [sflag:$0x1], $0x6000, $0x38;
	[tilespmem:$0xF180] =	vst v63  }
0xa8: {  	_ =	swait.ge [sflag:s9], $0x6000  }
0xa9: {  	[sflag:s9] =	ssyncset.done $0x0  }
0xaa: {  	s21 =	rddreg [dreg:$0xb];
	[sflag:s9] =	ssyncadd.s32 $0xFFFFA000  }
0xab: {  	[tilespmem:s10], [sflag:$0x1] =	stream.linear.gather [hbm4b:s21+s20], $0x6000, $0x38;
	[tilespmem:$0xF180] =	vst v63  }
0xac: {  	_ =	swait.ge [sflag:s9], $0x6000  }
0xad: {  	[sflag:s9] =	ssyncset.done $0x0  }
0xae: {  	s12 =	simm.s32 $0x0;
	[sflag:s9] =	ssyncadd.s32 $0xFFFFA000  }
0xaf: {  	s13 =	simm.s32 $0x40;
	v0 =	vld [tilespmem:s12+$0x3180]  }
.LBB2_16:
0xb0: {  	p0 =	sne.s32 s13, $0x17FC0;
	v1 =	vld [tilespmem:s12+$0x9180];
	_ =	sdelay $0x2  }
.Ltmp7:
0xb1: {  	(pc) =	sbr.rel @p0 .LBB2_16-.Ltmp7, $4  }
0xb2: {  	_ = 	snop  }
0xb3: {  	v1 =	vadd.f32 v0, v1  }
0xb4: {  	s14 =	sshra.s32 s13, $0x2  }
0xb5: {  	s13 =	sadd.s32 $0x40, s13;
	v0 =	vld [tilespmem:s14+$0x3180];
	[tilespmem:s12+$0x9180] =	vst v1;
	s12 =	smov.u32 s14  }
0xb6: {  	v1 =	vld [tilespmem:s12+$0x9180];
	_ =	sdelay $0x4  }
0xb7: {  	v0 =	vadd.f32 v0, v1;
	_ =	sdelay $0x1  }
0xb8: {  	s20 =	simm.s32 $0x0;
	s13 =	rddreg [dreg:$0xc];
	[tilespmem:s12+$0x9180] =	vst v0  }
0xb9: {  	[hbm4b:s13+s20] =	stream.linear.scatter [tilespmem:s10], [sflag:$0x1], $0x6000, $0x38;
	[tilespmem:$0xF180] =	vst v63  }
0xba: {  	_ =	swait.ge [sflag:s9], $0x6000  }
0xbb: {  	[sflag:s9] =	ssyncset.done $0x0  }
0xbc: {  	s21 =	rddreg [dreg:$0xd];
	[sflag:s9] =	ssyncadd.s32 $0xFFFFA000  }
0xbd: {  	[tilespmem:s10], [sflag:$0x1] =	stream.linear.gather [hbm4b:s21+s20], $0x6000, $0x38;
	[tilespmem:$0xF180] =	vst v63  }
0xbe: {  	_ =	swait.ge [sflag:s9], $0x6000  }
0xbf: {  	[sflag:s9] =	ssyncset.done $0x0  }
0xc0: {  	s12 =	simm.s32 $0x0;
	[sflag:s9] =	ssyncadd.s32 $0xFFFFA000  }
0xc1: {  	s13 =	simm.s32 $0x40;
	v0 =	vld [tilespmem:s12+$0x3180]  }
.LBB2_18:
0xc2: {  	p0 =	sne.s32 s13, $0x17FC0;
	v1 =	vld [tilespmem:s12+$0x9180];
	_ =	sdelay $0x2  }
.Ltmp8:
0xc3: {  	(pc) =	sbr.rel @p0 .LBB2_18-.Ltmp8, $4  }
0xc4: {  	_ = 	snop  }
0xc5: {  	v1 =	vadd.f32 v0, v1  }
0xc6: {  	s14 =	sshra.s32 s13, $0x2  }
0xc7: {  	s13 =	sadd.s32 $0x40, s13;
	v0 =	vld [tilespmem:s14+$0x3180];
	[tilespmem:s12+$0x9180] =	vst v1;
	s12 =	smov.u32 s14  }
0xc8: {  	v1 =	vld [tilespmem:s12+$0x9180];
	_ =	sdelay $0x4  }
0xc9: {  	v0 =	vadd.f32 v0, v1;
	_ =	sdelay $0x1  }
0xca: {  	s20 =	simm.s32 $0x0;
	s13 =	rddreg [dreg:$0xe];
	[tilespmem:s12+$0x9180] =	vst v0  }
0xcb: {  	[hbm4b:s13+s20] =	stream.linear.scatter [tilespmem:s10], [sflag:$0x1], $0x6000, $0x38;
	[tilespmem:$0xF180] =	vst v63  }
0xcc: {  	_ =	swait.ge [sflag:s9], $0x6000  }
0xcd: {  	[sflag:s9] =	ssyncset.done $0x0  }
0xce: {  	s21 =	rddreg [dreg:$0xf];
	[sflag:s9] =	ssyncadd.s32 $0xFFFFA000  }
0xcf: {  	[tilespmem:s10], [sflag:$0x1] =	stream.linear.gather [hbm4b:s21+s20], $0x6000, $0x38;
	[tilespmem:$0xF180] =	vst v63  }
0xd0: {  	_ =	swait.ge [sflag:s9], $0x6000  }
0xd1: {  	[sflag:s9] =	ssyncset.done $0x0  }
0xd2: {  	s12 =	simm.s32 $0x0;
	[sflag:s9] =	ssyncadd.s32 $0xFFFFA000  }
0xd3: {  	s13 =	simm.s32 $0x40;
	v0 =	vld [tilespmem:s12+$0x3180]  }
.LBB2_20:
0xd4: {  	p0 =	sne.s32 s13, $0x17FC0;
	v1 =	vld [tilespmem:s12+$0x9180];
	_ =	sdelay $0x2  }
.Ltmp9:
0xd5: {  	(pc) =	sbr.rel @p0 .LBB2_20-.Ltmp9, $4  }
0xd6: {  	_ = 	snop  }
0xd7: {  	v1 =	vadd.f32 v0, v1  }
0xd8: {  	s14 =	sshra.s32 s13, $0x2  }
0xd9: {  	s13 =	sadd.s32 $0x40, s13;
	v0 =	vld [tilespmem:s14+$0x3180];
	[tilespmem:s12+$0x9180] =	vst v1;
	s12 =	smov.u32 s14  }
0xda: {  	v1 =	vld [tilespmem:s12+$0x9180];
	_ =	sdelay $0x4  }
0xdb: {  	v0 =	vadd.f32 v0, v1;
	_ =	sdelay $0x1  }
0xdc: {  	s20 =	simm.s32 $0x0;
	s13 =	rddreg [dreg:$0x10];
	[tilespmem:s12+$0x9180] =	vst v0  }
0xdd: {  	[hbm4b:s13+s20] =	stream.linear.scatter [tilespmem:s10], [sflag:$0x1], $0x6000, $0x38;
	[tilespmem:$0xF180] =	vst v63  }
0xde: {  	_ =	swait.ge [sflag:s9], $0x6000  }
0xdf: {  	[sflag:s9] =	ssyncset.done $0x0  }
0xe0: {  	s21 =	rddreg [dreg:$0x11];
	[sflag:s9] =	ssyncadd.s32 $0xFFFFA000  }
0xe1: {  	[tilespmem:s10], [sflag:$0x1] =	stream.linear.gather [hbm4b:s21+s20], $0x6000, $0x38;
	[tilespmem:$0xF180] =	vst v63  }
0xe2: {  	_ =	swait.ge [sflag:s9], $0x6000  }
0xe3: {  	[sflag:s9] =	ssyncset.done $0x0  }
0xe4: {  	s12 =	simm.s32 $0x0;
	[sflag:s9] =	ssyncadd.s32 $0xFFFFA000  }
0xe5: {  	s13 =	simm.s32 $0x40;
	v0 =	vld [tilespmem:s12+$0x3180]  }
.LBB2_22:
0xe6: {  	p0 =	sne.s32 s13, $0x17FC0;
	v1 =	vld [tilespmem:s12+$0x9180];
	_ =	sdelay $0x2  }
.Ltmp10:
0xe7: {  	(pc) =	sbr.rel @p0 .LBB2_22-.Ltmp10, $4  }
0xe8: {  	_ = 	snop  }
0xe9: {  	v1 =	vadd.f32 v0, v1  }
0xea: {  	s14 =	sshra.s32 s13, $0x2  }
0xeb: {  	s13 =	sadd.s32 $0x40, s13;
	v0 =	vld [tilespmem:s14+$0x3180];
	[tilespmem:s12+$0x9180] =	vst v1;
	s12 =	smov.u32 s14  }
0xec: {  	v1 =	vld [tilespmem:s12+$0x9180];
	_ =	sdelay $0x4  }
0xed: {  	v0 =	vadd.f32 v0, v1;
	_ =	sdelay $0x1  }
0xee: {  	s20 =	simm.s32 $0x0;
	s13 =	rddreg [dreg:$0x12];
	[tilespmem:s12+$0x9180] =	vst v0  }
0xef: {  	[hbm4b:s13+s20] =	stream.linear.scatter [tilespmem:s10], [sflag:$0x1], $0x6000, $0x38;
	[tilespmem:$0xF180] =	vst v63  }
0xf0: {  	_ =	swait.ge [sflag:s9], $0x6000  }
0xf1: {  	[sflag:s9] =	ssyncset.done $0x0  }
0xf2: {  	s21 =	rddreg [dreg:$0x13];
	[sflag:s9] =	ssyncadd.s32 $0xFFFFA000  }
0xf3: {  	[tilespmem:s10], [sflag:$0x1] =	stream.linear.gather [hbm4b:s21+s20], $0x6000, $0x38;
	[tilespmem:$0xF180] =	vst v63  }
0xf4: {  	_ =	swait.ge [sflag:s9], $0x6000  }
0xf5: {  	[sflag:s9] =	ssyncset.done $0x0  }
0xf6: {  	s12 =	simm.s32 $0x0;
	[sflag:s9] =	ssyncadd.s32 $0xFFFFA000  }
0xf7: {  	s13 =	simm.s32 $0x40;
	v0 =	vld [tilespmem:s12+$0x3180]  }
.LBB2_24:
0xf8: {  	p0 =	sne.s32 s13, $0x17FC0;
	v1 =	vld [tilespmem:s12+$0x9180];
	_ =	sdelay $0x2  }
.Ltmp11:
0xf9: {  	(pc) =	sbr.rel @p0 .LBB2_24-.Ltmp11, $4  }
0xfa: {  	_ = 	snop  }
0xfb: {  	v1 =	vadd.f32 v0, v1  }
0xfc: {  	s14 =	sshra.s32 s13, $0x2  }
0xfd: {  	s13 =	sadd.s32 $0x40, s13;
	v0 =	vld [tilespmem:s14+$0x3180];
	[tilespmem:s12+$0x9180] =	vst v1;
	s12 =	smov.u32 s14  }
0xfe: {  	v1 =	vld [tilespmem:s12+$0x9180];
	_ =	sdelay $0x4  }
0xff: {  	v0 =	vadd.f32 v0, v1;
	_ =	sdelay $0x1  }
0x100: {  	s20 =	simm.s32 $0x0;
	s13 =	rddreg [dreg:$0x14];
	[tilespmem:s12+$0x9180] =	vst v0  }
0x101: {  	[hbm4b:s13+s20] =	stream.linear.scatter [tilespmem:s10], [sflag:$0x1], $0x6000, $0x38;
	[tilespmem:$0xF180] =	vst v63  }
0x102: {  	_ =	swait.ge [sflag:s9], $0x6000  }
0x103: {  	[sflag:s9] =	ssyncset.done $0x0  }
0x104: {  	s21 =	rddreg [dreg:$0x15];
	[sflag:s9] =	ssyncadd.s32 $0xFFFFA000  }
0x105: {  	[tilespmem:s10], [sflag:$0x1] =	stream.linear.gather [hbm4b:s21+s20], $0x6000, $0x38;
	[tilespmem:$0xF180] =	vst v63  }
0x106: {  	_ =	swait.ge [sflag:s9], $0x6000  }
0x107: {  	[sflag:s9] =	ssyncset.done $0x0  }
0x108: {  	s12 =	simm.s32 $0x0;
	[sflag:s9] =	ssyncadd.s32 $0xFFFFA000  }
0x109: {  	s13 =	simm.s32 $0x40;
	v0 =	vld [tilespmem:s12+$0x3180]  }
.LBB2_26:
0x10a: {  	p0 =	sne.s32 s13, $0x17FC0;
	v1 =	vld [tilespmem:s12+$0x9180];
	_ =	sdelay $0x2  }
.Ltmp12:
0x10b: {  	(pc) =	sbr.rel @p0 .LBB2_26-.Ltmp12, $4  }
0x10c: {  	_ = 	snop  }
0x10d: {  	v1 =	vadd.f32 v0, v1  }
0x10e: {  	s14 =	sshra.s32 s13, $0x2  }
0x10f: {  	s13 =	sadd.s32 $0x40, s13;
	v0 =	vld [tilespmem:s14+$0x3180];
	[tilespmem:s12+$0x9180] =	vst v1;
	s12 =	smov.u32 s14  }
0x110: {  	v1 =	vld [tilespmem:s12+$0x9180];
	_ =	sdelay $0x4  }
0x111: {  	v0 =	vadd.f32 v0, v1;
	_ =	sdelay $0x1  }
0x112: {  	s20 =	simm.s32 $0x0;
	s13 =	rddreg [dreg:$0x16];
	[tilespmem:s12+$0x9180] =	vst v0  }
0x113: {  	[hbm4b:s13+s20] =	stream.linear.scatter [tilespmem:s10], [sflag:$0x1], $0x6000, $0x38;
	[tilespmem:$0xF180] =	vst v63  }
0x114: {  	_ =	swait.ge [sflag:s9], $0x6000  }
0x115: {  	[sflag:s9] =	ssyncset.done $0x0  }
0x116: {  	s21 =	rddreg [dreg:$0x17];
	[sflag:s9] =	ssyncadd.s32 $0xFFFFA000  }
0x117: {  	[tilespmem:s10], [sflag:$0x1] =	stream.linear.gather [hbm4b:s21+s20], $0x6000, $0x38;
	[tilespmem:$0xF180] =	vst v63  }
0x118: {  	_ =	swait.ge [sflag:s9], $0x6000  }
0x119: {  	[sflag:s9] =	ssyncset.done $0x0  }
0x11a: {  	s12 =	simm.s32 $0x0;
	[sflag:s9] =	ssyncadd.s32 $0xFFFFA000  }
0x11b: {  	s13 =	simm.s32 $0x40;
	v0 =	vld [tilespmem:s12+$0x3180]  }
.LBB2_28:
0x11c: {  	p0 =	sne.s32 s13, $0x17FC0;
	v1 =	vld [tilespmem:s12+$0x9180];
	_ =	sdelay $0x2  }
.Ltmp13:
0x11d: {  	(pc) =	sbr.rel @p0 .LBB2_28-.Ltmp13, $4  }
0x11e: {  	_ = 	snop  }
0x11f: {  	v1 =	vadd.f32 v0, v1  }
0x120: {  	s14 =	sshra.s32 s13, $0x2  }
0x121: {  	s13 =	sadd.s32 $0x40, s13;
	v0 =	vld [tilespmem:s14+$0x3180];
	[tilespmem:s12+$0x9180] =	vst v1;
	s12 =	smov.u32 s14  }
0x122: {  	v1 =	vld [tilespmem:s12+$0x9180];
	_ =	sdelay $0x4  }
0x123: {  	v0 =	vadd.f32 v0, v1;
	_ =	sdelay $0x1  }
0x124: {  	s20 =	simm.s32 $0x0;
	s13 =	rddreg [dreg:$0x18];
	[tilespmem:s12+$0x9180] =	vst v0  }
0x125: {  	[hbm4b:s13+s20] =	stream.linear.scatter [tilespmem:s10], [sflag:$0x1], $0x6000, $0x38;
	[tilespmem:$0xF180] =	vst v63  }
0x126: {  	_ =	swait.ge [sflag:s9], $0x6000  }
0x127: {  	[sflag:s9] =	ssyncset.done $0x0  }
0x128: {  	s21 =	rddreg [dreg:$0x19];
	[sflag:s9] =	ssyncadd.s32 $0xFFFFA000  }
0x129: {  	[tilespmem:s10], [sflag:$0x1] =	stream.linear.gather [hbm4b:s21+s20], $0x6000, $0x38;
	[tilespmem:$0xF180] =	vst v63  }
0x12a: {  	_ =	swait.ge [sflag:s9], $0x6000  }
0x12b: {  	[sflag:s9] =	ssyncset.done $0x0  }
0x12c: {  	s12 =	simm.s32 $0x0;
	[sflag:s9] =	ssyncadd.s32 $0xFFFFA000  }
0x12d: {  	s13 =	simm.s32 $0x40;
	v0 =	vld [tilespmem:s12+$0x3180]  }
.LBB2_30:
0x12e: {  	p0 =	sne.s32 s13, $0x17FC0;
	v1 =	vld [tilespmem:s12+$0x9180];
	_ =	sdelay $0x2  }
.Ltmp14:
0x12f: {  	(pc) =	sbr.rel @p0 .LBB2_30-.Ltmp14, $4  }
0x130: {  	_ = 	snop  }
0x131: {  	v1 =	vadd.f32 v0, v1  }
0x132: {  	s14 =	sshra.s32 s13, $0x2  }
0x133: {  	s13 =	sadd.s32 $0x40, s13;
	v0 =	vld [tilespmem:s14+$0x3180];
	[tilespmem:s12+$0x9180] =	vst v1;
	s12 =	smov.u32 s14  }
0x134: {  	v1 =	vld [tilespmem:s12+$0x9180];
	_ =	sdelay $0x4  }
0x135: {  	v0 =	vadd.f32 v0, v1;
	_ =	sdelay $0x1  }
0x136: {  	s20 =	simm.s32 $0x0;
	s13 =	rddreg [dreg:$0x1a];
	[tilespmem:s12+$0x9180] =	vst v0  }
0x137: {  	[hbm4b:s13+s20] =	stream.linear.scatter [tilespmem:s10], [sflag:$0x1], $0x6000, $0x38;
	[tilespmem:$0xF180] =	vst v63  }
0x138: {  	_ =	swait.ge [sflag:s9], $0x6000  }
0x139: {  	[sflag:s9] =	ssyncset.done $0x0  }
0x13a: {  	s21 =	rddreg [dreg:$0x1b];
	[sflag:s9] =	ssyncadd.s32 $0xFFFFA000  }
0x13b: {  	[tilespmem:s10], [sflag:$0x1] =	stream.linear.gather [hbm4b:s21+s20], $0x6000, $0x38;
	[tilespmem:$0xF180] =	vst v63  }
0x13c: {  	_ =	swait.ge [sflag:s9], $0x6000  }
0x13d: {  	[sflag:s9] =	ssyncset.done $0x0  }
0x13e: {  	s12 =	simm.s32 $0x0;
	[sflag:s9] =	ssyncadd.s32 $0xFFFFA000  }
0x13f: {  	s13 =	simm.s32 $0x40;
	v0 =	vld [tilespmem:s12+$0x3180]  }
.LBB2_32:
0x140: {  	p0 =	sne.s32 s13, $0x17FC0;
	v1 =	vld [tilespmem:s12+$0x9180];
	_ =	sdelay $0x2  }
.Ltmp15:
0x141: {  	(pc) =	sbr.rel @p0 .LBB2_32-.Ltmp15, $4  }
0x142: {  	_ = 	snop  }
0x143: {  	v1 =	vadd.f32 v0, v1  }
0x144: {  	s14 =	sshra.s32 s13, $0x2  }
0x145: {  	s13 =	sadd.s32 $0x40, s13;
	v0 =	vld [tilespmem:s14+$0x3180];
	[tilespmem:s12+$0x9180] =	vst v1;
	s12 =	smov.u32 s14  }
0x146: {  	v1 =	vld [tilespmem:s12+$0x9180];
	_ =	sdelay $0x4  }
0x147: {  	v0 =	vadd.f32 v0, v1;
	_ =	sdelay $0x1  }
0x148: {  	s20 =	simm.s32 $0x0;
	s13 =	rddreg [dreg:$0x1c];
	[tilespmem:s12+$0x9180] =	vst v0  }
0x149: {  	[hbm4b:s13+s20] =	stream.linear.scatter [tilespmem:s10], [sflag:$0x1], $0x6000, $0x38;
	[tilespmem:$0xF180] =	vst v63  }
0x14a: {  	_ =	swait.ge [sflag:s9], $0x6000  }
0x14b: {  	[sflag:s9] =	ssyncset.done $0x0  }
0x14c: {  	s21 =	rddreg [dreg:$0x1d];
	[sflag:s9] =	ssyncadd.s32 $0xFFFFA000  }
0x14d: {  	[tilespmem:s10], [sflag:$0x1] =	stream.linear.gather [hbm4b:s21+s20], $0x6000, $0x38;
	[tilespmem:$0xF180] =	vst v63  }
0x14e: {  	_ =	swait.ge [sflag:s9], $0x6000  }
0x14f: {  	[sflag:s9] =	ssyncset.done $0x0  }
0x150: {  	s12 =	simm.s32 $0x0;
	[sflag:s9] =	ssyncadd.s32 $0xFFFFA000  }
0x151: {  	s13 =	simm.s32 $0x40;
	v0 =	vld [tilespmem:s12+$0x3180]  }
.LBB2_34:
0x152: {  	p0 =	sne.s32 s13, $0x17FC0;
	v1 =	vld [tilespmem:s12+$0x9180];
	_ =	sdelay $0x2  }
.Ltmp16:
0x153: {  	(pc) =	sbr.rel @p0 .LBB2_34-.Ltmp16, $4  }
0x154: {  	_ = 	snop  }
0x155: {  	v1 =	vadd.f32 v0, v1  }
0x156: {  	s14 =	sshra.s32 s13, $0x2  }
0x157: {  	s13 =	sadd.s32 $0x40, s13;
	v0 =	vld [tilespmem:s14+$0x3180];
	[tilespmem:s12+$0x9180] =	vst v1;
	s12 =	smov.u32 s14  }
0x158: {  	v1 =	vld [tilespmem:s12+$0x9180];
	_ =	sdelay $0x4  }
0x159: {  	v0 =	vadd.f32 v0, v1;
	_ =	sdelay $0x1  }
0x15a: {  	s20 =	simm.s32 $0x0;
	s13 =	rddreg [dreg:$0x1e];
	[tilespmem:s12+$0x9180] =	vst v0  }
0x15b: {  	[hbm4b:s13+s20] =	stream.linear.scatter [tilespmem:s10], [sflag:$0x1], $0x6000, $0x38;
	[tilespmem:$0xF180] =	vst v63  }
0x15c: {  	_ =	swait.ge [sflag:s9], $0x6000  }
0x15d: {  	[sflag:s9] =	ssyncset.done $0x0  }
0x15e: {  	s21 =	rddreg [dreg:$0x1f];
	[sflag:s9] =	ssyncadd.s32 $0xFFFFA000  }
0x15f: {  	[tilespmem:s10], [sflag:$0x1] =	stream.linear.gather [hbm4b:s21+s20], $0x6000, $0x38;
	[tilespmem:$0xF180] =	vst v63  }
0x160: {  	_ =	swait.ge [sflag:s9], $0x6000  }
0x161: {  	[sflag:s9] =	ssyncset.done $0x0  }
0x162: {  	s12 =	simm.s32 $0x0;
	[sflag:s9] =	ssyncadd.s32 $0xFFFFA000  }
0x163: {  	s13 =	simm.s32 $0x40;
	v0 =	vld [tilespmem:s12+$0x3180]  }
.LBB2_36:
0x164: {  	p0 =	sne.s32 s13, $0x17FC0;
	v1 =	vld [tilespmem:s12+$0x9180];
	_ =	sdelay $0x2  }
.Ltmp17:
0x165: {  	(pc) =	sbr.rel @p0 .LBB2_36-.Ltmp17, $4  }
0x166: {  	_ = 	snop  }
0x167: {  	v1 =	vadd.f32 v0, v1  }
0x168: {  	s14 =	sshra.s32 s13, $0x2  }
0x169: {  	s13 =	sadd.s32 $0x40, s13;
	v0 =	vld [tilespmem:s14+$0x3180];
	[tilespmem:s12+$0x9180] =	vst v1;
	s12 =	smov.u32 s14  }
0x16a: {  	v1 =	vld [tilespmem:s12+$0x9180];
	_ =	sdelay $0x4  }
0x16b: {  	s13 =	sld [smem:$0x7E8];
	v0 =	vadd.f32 v0, v1;
	_ =	sdelay $0x1  }
0x16c: {  	s20 =	simm.s32 $0x0;
	[tilespmem:s12+$0x9180] =	vst v0  }
0x16d: {  	[hbm4b:s13+s20] =	stream.linear.scatter [tilespmem:s10], [sflag:$0x1], $0x6000, $0x38;
	[tilespmem:$0xF180] =	vst v63  }
0x16e: {  	_ =	swait.ge [sflag:s9], $0x6000  }
0x16f: {  	s21 =	sld [smem:$0x7E9]  }
0x170: {  	[sflag:s9] =	ssyncset.done $0x0  }
0x171: {  	[sflag:s9] =	ssyncadd.s32 $0xFFFFA000  }
0x172: {  	[tilespmem:s10], [sflag:$0x1] =	stream.linear.gather [hbm4b:s21+s20], $0x6000, $0x38;
	[tilespmem:$0xF180] =	vst v63  }
0x173: {  	_ =	swait.ge [sflag:s9], $0x6000  }
0x174: {  	[sflag:s9] =	ssyncset.done $0x0  }
0x175: {  	s12 =	simm.s32 $0x0;
	[sflag:s9] =	ssyncadd.s32 $0xFFFFA000  }
0x176: {  	s13 =	simm.s32 $0x40;
	v0 =	vld [tilespmem:s12+$0x3180]  }
.LBB2_38:
0x177: {  	p0 =	sne.s32 s13, $0x17FC0;
	v1 =	vld [tilespmem:s12+$0x9180];
	_ =	sdelay $0x2  }
.Ltmp18:
0x178: {  	(pc) =	sbr.rel @p0 .LBB2_38-.Ltmp18, $4  }
0x179: {  	_ = 	snop  }
0x17a: {  	v1 =	vadd.f32 v0, v1  }
0x17b: {  	s14 =	sshra.s32 s13, $0x2  }
0x17c: {  	s13 =	sadd.s32 $0x40, s13;
	v0 =	vld [tilespmem:s14+$0x3180];
	[tilespmem:s12+$0x9180] =	vst v1;
	s12 =	smov.u32 s14  }
0x17d: {  	v1 =	vld [tilespmem:s12+$0x9180];
	_ =	sdelay $0x4  }
0x17e: {  	s13 =	sld [smem:$0x7EA];
	v0 =	vadd.f32 v0, v1;
	_ =	sdelay $0x1  }
0x17f: {  	s20 =	simm.s32 $0x0;
	[tilespmem:s12+$0x9180] =	vst v0  }
0x180: {  	[hbm4b:s13+s20] =	stream.linear.scatter [tilespmem:s10], [sflag:$0x1], $0x6000, $0x38;
	[tilespmem:$0xF180] =	vst v63  }
0x181: {  	_ =	swait.ge [sflag:s9], $0x6000  }
0x182: {  	s21 =	sld [smem:$0x7EB]  }
0x183: {  	[sflag:s9] =	ssyncset.done $0x0  }
0x184: {  	[sflag:s9] =	ssyncadd.s32 $0xFFFFA000  }
0x185: {  	[tilespmem:s10], [sflag:$0x1] =	stream.linear.gather [hbm4b:s21+s20], $0x6000, $0x38;
	[tilespmem:$0xF180] =	vst v63  }
0x186: {  	_ =	swait.ge [sflag:s9], $0x6000  }
0x187: {  	[sflag:s9] =	ssyncset.done $0x0  }
0x188: {  	s12 =	simm.s32 $0x0;
	[sflag:s9] =	ssyncadd.s32 $0xFFFFA000  }
0x189: {  	s13 =	simm.s32 $0x40;
	v0 =	vld [tilespmem:s12+$0x3180]  }
.LBB2_40:
0x18a: {  	p0 =	sne.s32 s13, $0x17FC0;
	v1 =	vld [tilespmem:s12+$0x9180];
	_ =	sdelay $0x2  }
.Ltmp19:
0x18b: {  	(pc) =	sbr.rel @p0 .LBB2_40-.Ltmp19, $4  }
0x18c: {  	_ = 	snop  }
0x18d: {  	v1 =	vadd.f32 v0, v1  }
0x18e: {  	s14 =	sshra.s32 s13, $0x2  }
0x18f: {  	s13 =	sadd.s32 $0x40, s13;
	v0 =	vld [tilespmem:s14+$0x3180];
	[tilespmem:s12+$0x9180] =	vst v1;
	s12 =	smov.u32 s14  }
0x190: {  	v1 =	vld [tilespmem:s12+$0x9180];
	_ =	sdelay $0x4  }
0x191: {  	s13 =	sld [smem:$0x7EC];
	v0 =	vadd.f32 v0, v1;
	_ =	sdelay $0x1  }
0x192: {  	s20 =	simm.s32 $0x0;
	[tilespmem:s12+$0x9180] =	vst v0  }
0x193: {  	[hbm4b:s13+s20] =	stream.linear.scatter [tilespmem:s10], [sflag:$0x1], $0x6000, $0x38;
	[tilespmem:$0xF180] =	vst v63  }
0x194: {  	_ =	swait.ge [sflag:s9], $0x6000  }
0x195: {  	s21 =	sld [smem:$0x7ED]  }
0x196: {  	[sflag:s9] =	ssyncset.done $0x0  }
0x197: {  	[sflag:s9] =	ssyncadd.s32 $0xFFFFA000  }
0x198: {  	[tilespmem:s10], [sflag:$0x1] =	stream.linear.gather [hbm4b:s21+s20], $0x6000, $0x38;
	[tilespmem:$0xF180] =	vst v63  }
0x199: {  	_ =	swait.ge [sflag:s9], $0x6000  }
0x19a: {  	[sflag:s9] =	ssyncset.done $0x0  }
0x19b: {  	s12 =	simm.s32 $0x0;
	[sflag:s9] =	ssyncadd.s32 $0xFFFFA000  }
0x19c: {  	s13 =	simm.s32 $0x40;
	v0 =	vld [tilespmem:s12+$0x3180]  }
.LBB2_42:
0x19d: {  	p0 =	sne.s32 s13, $0x17FC0;
	v1 =	vld [tilespmem:s12+$0x9180];
	_ =	sdelay $0x2  }
.Ltmp20:
0x19e: {  	(pc) =	sbr.rel @p0 .LBB2_42-.Ltmp20, $4  }
0x19f: {  	_ = 	snop  }
0x1a0: {  	v1 =	vadd.f32 v0, v1  }
0x1a1: {  	s14 =	sshra.s32 s13, $0x2  }
0x1a2: {  	s13 =	sadd.s32 $0x40, s13;
	v0 =	vld [tilespmem:s14+$0x3180];
	[tilespmem:s12+$0x9180] =	vst v1;
	s12 =	smov.u32 s14  }
0x1a3: {  	v1 =	vld [tilespmem:s12+$0x9180];
	_ =	sdelay $0x4  }
0x1a4: {  	s13 =	sld [smem:$0x7EE];
	v0 =	vadd.f32 v0, v1;
	_ =	sdelay $0x1  }
0x1a5: {  	s20 =	simm.s32 $0x0;
	[tilespmem:s12+$0x9180] =	vst v0  }
0x1a6: {  	[hbm4b:s13+s20] =	stream.linear.scatter [tilespmem:s10], [sflag:$0x1], $0x6000, $0x38;
	[tilespmem:$0xF180] =	vst v63  }
0x1a7: {  	_ =	swait.ge [sflag:s9], $0x6000  }
0x1a8: {  	s21 =	sld [smem:$0x7EF]  }
0x1a9: {  	[sflag:s9] =	ssyncset.done $0x0  }
0x1aa: {  	[sflag:s9] =	ssyncadd.s32 $0xFFFFA000  }
0x1ab: {  	[tilespmem:s10], [sflag:$0x1] =	stream.linear.gather [hbm4b:s21+s20], $0x6000, $0x38;
	[tilespmem:$0xF180] =	vst v63  }
0x1ac: {  	_ =	swait.ge [sflag:s9], $0x6000  }
0x1ad: {  	[sflag:s9] =	ssyncset.done $0x0  }
0x1ae: {  	s12 =	simm.s32 $0x0;
	[sflag:s9] =	ssyncadd.s32 $0xFFFFA000  }
0x1af: {  	s13 =	simm.s32 $0x40;
	v0 =	vld [tilespmem:s12+$0x3180]  }
.LBB2_44:
0x1b0: {  	p0 =	sne.s32 s13, $0x17FC0;
	v1 =	vld [tilespmem:s12+$0x9180];
	_ =	sdelay $0x2  }
.Ltmp21:
0x1b1: {  	(pc) =	sbr.rel @p0 .LBB2_44-.Ltmp21, $4  }
0x1b2: {  	_ = 	snop  }
0x1b3: {  	v1 =	vadd.f32 v0, v1  }
0x1b4: {  	s14 =	sshra.s32 s13, $0x2  }
0x1b5: {  	s13 =	sadd.s32 $0x40, s13;
	v0 =	vld [tilespmem:s14+$0x3180];
	[tilespmem:s12+$0x9180] =	vst v1;
	s12 =	smov.u32 s14  }
0x1b6: {  	v1 =	vld [tilespmem:s12+$0x9180];
	_ =	sdelay $0x4  }
0x1b7: {  	s13 =	sld [smem:$0x7F0];
	v0 =	vadd.f32 v0, v1;
	_ =	sdelay $0x1  }
0x1b8: {  	s20 =	simm.s32 $0x0;
	[tilespmem:s12+$0x9180] =	vst v0  }
0x1b9: {  	[hbm4b:s13+s20] =	stream.linear.scatter [tilespmem:s10], [sflag:$0x1], $0x6000, $0x38;
	[tilespmem:$0xF180] =	vst v63  }
0x1ba: {  	_ =	swait.ge [sflag:s9], $0x6000  }
0x1bb: {  	s21 =	sld [smem:$0x7F1]  }
0x1bc: {  	[sflag:s9] =	ssyncset.done $0x0  }
0x1bd: {  	[sflag:s9] =	ssyncadd.s32 $0xFFFFA000  }
0x1be: {  	[tilespmem:s10], [sflag:$0x1] =	stream.linear.gather [hbm4b:s21+s20], $0x6000, $0x38;
	[tilespmem:$0xF180] =	vst v63  }
0x1bf: {  	_ =	swait.ge [sflag:s9], $0x6000  }
0x1c0: {  	[sflag:s9] =	ssyncset.done $0x0  }
0x1c1: {  	s12 =	simm.s32 $0x0;
	[sflag:s9] =	ssyncadd.s32 $0xFFFFA000  }
0x1c2: {  	s13 =	simm.s32 $0x40;
	v0 =	vld [tilespmem:s12+$0x3180]  }
.LBB2_46:
0x1c3: {  	p0 =	sne.s32 s13, $0x17FC0;
	v1 =	vld [tilespmem:s12+$0x9180];
	_ =	sdelay $0x2  }
.Ltmp22:
0x1c4: {  	(pc) =	sbr.rel @p0 .LBB2_46-.Ltmp22, $4  }
0x1c5: {  	_ = 	snop  }
0x1c6: {  	v1 =	vadd.f32 v0, v1  }
0x1c7: {  	s14 =	sshra.s32 s13, $0x2  }
0x1c8: {  	s13 =	sadd.s32 $0x40, s13;
	v0 =	vld [tilespmem:s14+$0x3180];
	[tilespmem:s12+$0x9180] =	vst v1;
	s12 =	smov.u32 s14  }
0x1c9: {  	v1 =	vld [tilespmem:s12+$0x9180];
	_ =	sdelay $0x4  }
0x1ca: {  	s13 =	sld [smem:$0x7F2];
	v0 =	vadd.f32 v0, v1;
	_ =	sdelay $0x1  }
0x1cb: {  	s20 =	simm.s32 $0x0;
	[tilespmem:s12+$0x9180] =	vst v0  }
0x1cc: {  	[hbm4b:s13+s20] =	stream.linear.scatter [tilespmem:s10], [sflag:$0x1], $0x6000, $0x38;
	[tilespmem:$0xF180] =	vst v63  }
0x1cd: {  	_ =	swait.ge [sflag:s9], $0x6000  }
0x1ce: {  	s21 =	sld [smem:$0x7F3]  }
0x1cf: {  	[sflag:s9] =	ssyncset.done $0x0  }
0x1d0: {  	[sflag:s9] =	ssyncadd.s32 $0xFFFFA000  }
0x1d1: {  	[tilespmem:s10], [sflag:$0x1] =	stream.linear.gather [hbm4b:s21+s20], $0x6000, $0x38;
	[tilespmem:$0xF180] =	vst v63  }
0x1d2: {  	_ =	swait.ge [sflag:s9], $0x6000  }
0x1d3: {  	[sflag:s9] =	ssyncset.done $0x0  }
0x1d4: {  	s12 =	simm.s32 $0x0;
	[sflag:s9] =	ssyncadd.s32 $0xFFFFA000  }
0x1d5: {  	s13 =	simm.s32 $0x40;
	v0 =	vld [tilespmem:s12+$0x3180]  }
.LBB2_48:
0x1d6: {  	p0 =	sne.s32 s13, $0x17FC0;
	v1 =	vld [tilespmem:s12+$0x9180];
	_ =	sdelay $0x2  }
.Ltmp23:
0x1d7: {  	(pc) =	sbr.rel @p0 .LBB2_48-.Ltmp23, $4  }
0x1d8: {  	_ = 	snop  }
0x1d9: {  	v1 =	vadd.f32 v0, v1  }
0x1da: {  	s14 =	sshra.s32 s13, $0x2  }
0x1db: {  	s13 =	sadd.s32 $0x40, s13;
	v0 =	vld [tilespmem:s14+$0x3180];
	[tilespmem:s12+$0x9180] =	vst v1;
	s12 =	smov.u32 s14  }
0x1dc: {  	v1 =	vld [tilespmem:s12+$0x9180];
	_ =	sdelay $0x4  }
0x1dd: {  	s13 =	sld [smem:$0x7F4];
	v0 =	vadd.f32 v0, v1;
	_ =	sdelay $0x1  }
0x1de: {  	s20 =	simm.s32 $0x0;
	[tilespmem:s12+$0x9180] =	vst v0  }
0x1df: {  	[hbm4b:s13+s20] =	stream.linear.scatter [tilespmem:s10], [sflag:$0x1], $0x6000, $0x38;
	[tilespmem:$0xF180] =	vst v63  }
0x1e0: {  	_ =	swait.ge [sflag:s9], $0x6000  }
0x1e1: {  	s21 =	sld [smem:$0x7F5]  }
0x1e2: {  	[sflag:s9] =	ssyncset.done $0x0  }
0x1e3: {  	[sflag:s9] =	ssyncadd.s32 $0xFFFFA000  }
0x1e4: {  	[tilespmem:s10], [sflag:$0x1] =	stream.linear.gather [hbm4b:s21+s20], $0x6000, $0x38;
	[tilespmem:$0xF180] =	vst v63  }
0x1e5: {  	_ =	swait.ge [sflag:s9], $0x6000  }
0x1e6: {  	[sflag:s9] =	ssyncset.done $0x0  }
0x1e7: {  	s12 =	simm.s32 $0x0;
	[sflag:s9] =	ssyncadd.s32 $0xFFFFA000  }
0x1e8: {  	s13 =	simm.s32 $0x40;
	v0 =	vld [tilespmem:s12+$0x3180]  }
.LBB2_50:
0x1e9: {  	p0 =	sne.s32 s13, $0x17FC0;
	v1 =	vld [tilespmem:s12+$0x9180];
	_ =	sdelay $0x2  }
.Ltmp24:
0x1ea: {  	(pc) =	sbr.rel @p0 .LBB2_50-.Ltmp24, $4  }
0x1eb: {  	_ = 	snop  }
0x1ec: {  	v1 =	vadd.f32 v0, v1  }
0x1ed: {  	s14 =	sshra.s32 s13, $0x2  }
0x1ee: {  	s13 =	sadd.s32 $0x40, s13;
	v0 =	vld [tilespmem:s14+$0x3180];
	[tilespmem:s12+$0x9180] =	vst v1;
	s12 =	smov.u32 s14  }
0x1ef: {  	v1 =	vld [tilespmem:s12+$0x9180];
	_ =	sdelay $0x4  }
0x1f0: {  	s13 =	sld [smem:$0x7F6];
	v0 =	vadd.f32 v0, v1;
	_ =	sdelay $0x1  }
0x1f1: {  	s20 =	simm.s32 $0x0;
	[tilespmem:s12+$0x9180] =	vst v0  }
0x1f2: {  	[hbm4b:s13+s20] =	stream.linear.scatter [tilespmem:s10], [sflag:$0x1], $0x6000, $0x38;
	[tilespmem:$0xF180] =	vst v63  }
0x1f3: {  	_ =	swait.ge [sflag:s9], $0x6000  }
0x1f4: {  	s21 =	sld [smem:$0x7F7]  }
0x1f5: {  	[sflag:s9] =	ssyncset.done $0x0  }
0x1f6: {  	[sflag:s9] =	ssyncadd.s32 $0xFFFFA000  }
0x1f7: {  	[tilespmem:s10], [sflag:$0x1] =	stream.linear.gather [hbm4b:s21+s20], $0x6000, $0x38;
	[tilespmem:$0xF180] =	vst v63  }
0x1f8: {  	_ =	swait.ge [sflag:s9], $0x6000  }
0x1f9: {  	[sflag:s9] =	ssyncset.done $0x0  }
0x1fa: {  	s12 =	simm.s32 $0x0;
	[sflag:s9] =	ssyncadd.s32 $0xFFFFA000  }
0x1fb: {  	s13 =	simm.s32 $0x40;
	v0 =	vld [tilespmem:s12+$0x3180]  }
.LBB2_52:
0x1fc: {  	p0 =	sne.s32 s13, $0x17FC0;
	v1 =	vld [tilespmem:s12+$0x9180];
	_ =	sdelay $0x2  }
.Ltmp25:
0x1fd: {  	(pc) =	sbr.rel @p0 .LBB2_52-.Ltmp25, $4  }
0x1fe: {  	_ = 	snop  }
0x1ff: {  	v1 =	vadd.f32 v0, v1  }
0x200: {  	s14 =	sshra.s32 s13, $0x2  }
0x201: {  	s13 =	sadd.s32 $0x40, s13;
	v0 =	vld [tilespmem:s14+$0x3180];
	[tilespmem:s12+$0x9180] =	vst v1;
	s12 =	smov.u32 s14  }
0x202: {  	v1 =	vld [tilespmem:s12+$0x9180];
	_ =	sdelay $0x4  }
0x203: {  	s13 =	sld [smem:$0x7F8];
	v0 =	vadd.f32 v0, v1;
	_ =	sdelay $0x1  }
0x204: {  	s20 =	simm.s32 $0x0;
	[tilespmem:s12+$0x9180] =	vst v0  }
0x205: {  	[hbm4b:s13+s20] =	stream.linear.scatter [tilespmem:s10], [sflag:$0x1], $0x6000, $0x38;
	[tilespmem:$0xF180] =	vst v63  }
0x206: {  	_ =	swait.ge [sflag:s9], $0x6000  }
0x207: {  	s21 =	sld [smem:$0x7F9]  }
0x208: {  	[sflag:s9] =	ssyncset.done $0x0  }
0x209: {  	[sflag:s9] =	ssyncadd.s32 $0xFFFFA000  }
0x20a: {  	[tilespmem:s10], [sflag:$0x1] =	stream.linear.gather [hbm4b:s21+s20], $0x6000, $0x38;
	[tilespmem:$0xF180] =	vst v63  }
0x20b: {  	_ =	swait.ge [sflag:s9], $0x6000  }
0x20c: {  	[sflag:s9] =	ssyncset.done $0x0  }
0x20d: {  	s12 =	simm.s32 $0x0;
	[sflag:s9] =	ssyncadd.s32 $0xFFFFA000  }
0x20e: {  	s13 =	simm.s32 $0x40;
	v0 =	vld [tilespmem:s12+$0x3180]  }
.LBB2_54:
0x20f: {  	p0 =	sne.s32 s13, $0x17FC0;
	v1 =	vld [tilespmem:s12+$0x9180];
	_ =	sdelay $0x2  }
.Ltmp26:
0x210: {  	(pc) =	sbr.rel @p0 .LBB2_54-.Ltmp26, $4  }
0x211: {  	_ = 	snop  }
0x212: {  	v1 =	vadd.f32 v0, v1  }
0x213: {  	s14 =	sshra.s32 s13, $0x2  }
0x214: {  	s13 =	sadd.s32 $0x40, s13;
	v0 =	vld [tilespmem:s14+$0x3180];
	[tilespmem:s12+$0x9180] =	vst v1;
	s12 =	smov.u32 s14  }
0x215: {  	v1 =	vld [tilespmem:s12+$0x9180];
	_ =	sdelay $0x4  }
0x216: {  	s13 =	sld [smem:$0x7FA];
	v0 =	vadd.f32 v0, v1;
	_ =	sdelay $0x1  }
0x217: {  	s20 =	simm.s32 $0x0;
	[tilespmem:s12+$0x9180] =	vst v0  }
0x218: {  	[hbm4b:s13+s20] =	stream.linear.scatter [tilespmem:s10], [sflag:$0x1], $0x6000, $0x38;
	[tilespmem:$0xF180] =	vst v63  }
0x219: {  	_ =	swait.ge [sflag:s9], $0x6000  }
0x21a: {  	s21 =	sld [smem:$0x7FB]  }
0x21b: {  	[sflag:s9] =	ssyncset.done $0x0  }
0x21c: {  	[sflag:s9] =	ssyncadd.s32 $0xFFFFA000  }
0x21d: {  	[tilespmem:s10], [sflag:$0x1] =	stream.linear.gather [hbm4b:s21+s20], $0x6000, $0x38;
	[tilespmem:$0xF180] =	vst v63  }
0x21e: {  	_ =	swait.ge [sflag:s9], $0x6000  }
0x21f: {  	[sflag:s9] =	ssyncset.done $0x0  }
0x220: {  	s12 =	simm.s32 $0x0;
	[sflag:s9] =	ssyncadd.s32 $0xFFFFA000  }
0x221: {  	s13 =	simm.s32 $0x40;
	v0 =	vld [tilespmem:s12+$0x3180]  }
.LBB2_56:
0x222: {  	p0 =	sne.s32 s13, $0x17FC0;
	v1 =	vld [tilespmem:s12+$0x9180];
	_ =	sdelay $0x2  }
.Ltmp27:
0x223: {  	(pc) =	sbr.rel @p0 .LBB2_56-.Ltmp27, $4  }
0x224: {  	_ = 	snop  }
0x225: {  	v1 =	vadd.f32 v0, v1  }
0x226: {  	s14 =	sshra.s32 s13, $0x2  }
0x227: {  	s13 =	sadd.s32 $0x40, s13;
	v0 =	vld [tilespmem:s14+$0x3180];
	[tilespmem:s12+$0x9180] =	vst v1;
	s12 =	smov.u32 s14  }
0x228: {  	v1 =	vld [tilespmem:s12+$0x9180];
	_ =	sdelay $0x4  }
0x229: {  	s13 =	sld [smem:$0x7FC];
	v0 =	vadd.f32 v0, v1;
	_ =	sdelay $0x1  }
0x22a: {  	s20 =	simm.s32 $0x0;
	[tilespmem:s12+$0x9180] =	vst v0  }
0x22b: {  	[hbm4b:s13+s20] =	stream.linear.scatter [tilespmem:s10], [sflag:$0x1], $0x6000, $0x38;
	[tilespmem:$0xF180] =	vst v63  }
0x22c: {  	_ =	swait.ge [sflag:s9], $0x6000  }
0x22d: {  	s21 =	sld [smem:$0x7FD]  }
0x22e: {  	[sflag:s9] =	ssyncset.done $0x0  }
0x22f: {  	[sflag:s9] =	ssyncadd.s32 $0xFFFFA000  }
0x230: {  	[tilespmem:s10], [sflag:$0x1] =	stream.linear.gather [hbm4b:s21+s20], $0x6000, $0x38;
	[tilespmem:$0xF180] =	vst v63  }
0x231: {  	_ =	swait.ge [sflag:s9], $0x6000  }
0x232: {  	[sflag:s9] =	ssyncset.done $0x0  }
0x233: {  	s12 =	simm.s32 $0x0;
	[sflag:s9] =	ssyncadd.s32 $0xFFFFA000  }
0x234: {  	s13 =	simm.s32 $0x40;
	v0 =	vld [tilespmem:s12+$0x3180]  }
.LBB2_58:
0x235: {  	p0 =	sne.s32 s13, $0x17FC0;
	v1 =	vld [tilespmem:s12+$0x9180];
	_ =	sdelay $0x2  }
.Ltmp28:
0x236: {  	(pc) =	sbr.rel @p0 .LBB2_58-.Ltmp28, $4  }
0x237: {  	_ = 	snop  }
0x238: {  	v1 =	vadd.f32 v0, v1  }
0x239: {  	s14 =	sshra.s32 s13, $0x2  }
0x23a: {  	s13 =	sadd.s32 $0x40, s13;
	v0 =	vld [tilespmem:s14+$0x3180];
	[tilespmem:s12+$0x9180] =	vst v1;
	s12 =	smov.u32 s14  }
0x23b: {  	v1 =	vld [tilespmem:s12+$0x9180];
	_ =	sdelay $0x4  }
0x23c: {  	v0 =	vadd.f32 v0, v1;
	_ =	sdelay $0x1  }
0x23d: {  	s21 =	simm.s32 $0x0;
	[tilespmem:s12+$0x9180] =	vst v0  }
0x23e: {  	[hbm4b:s22+s21] =	stream.linear.scatter [tilespmem:s10], [sflag:$0x1], $0x6000, $0x38;
	[tilespmem:$0xF180] =	vst v63  }
0x23f: {  	_ =	swait.ge [sflag:s9], $0x6000  }
0x240: {  	[sflag:s9] =	ssyncset.done $0x0  }
0x241: {  	[sflag:s9] =	ssyncadd.s32 $0xFFFFA000  }
0x242: {  	[tilespmem:s10], [sflag:$0x1] =	stream.linear.gather [hbm4b:s23+s21], $0x6000, $0x38;
	[tilespmem:$0xF180] =	vst v63  }
0x243: {  	_ =	swait.ge [sflag:s9], $0x6000  }
0x244: {  	[sflag:s9] =	ssyncset.done $0x0  }
0x245: {  	s12 =	simm.s32 $0x0;
	[sflag:s9] =	ssyncadd.s32 $0xFFFFA000  }
0x246: {  	s13 =	simm.s32 $0x40;
	v0 =	vld [tilespmem:s12+$0x3180]  }
.LBB2_60:
0x247: {  	p0 =	sne.s32 s13, $0x17FC0;
	v1 =	vld [tilespmem:s12+$0x9180];
	_ =	sdelay $0x2  }
.Ltmp29:
0x248: {  	(pc) =	sbr.rel @p0 .LBB2_60-.Ltmp29, $4  }
0x249: {  	_ = 	snop  }
0x24a: {  	v1 =	vadd.f32 v0, v1  }
0x24b: {  	s14 =	sshra.s32 s13, $0x2  }
0x24c: {  	s13 =	sadd.s32 $0x40, s13;
	v0 =	vld [tilespmem:s14+$0x3180];
	[tilespmem:s12+$0x9180] =	vst v1;
	s12 =	smov.u32 s14  }
0x24d: {  	v1 =	vld [tilespmem:s12+$0x9180];
	_ =	sdelay $0x4  }
0x24e: {  	v0 =	vadd.f32 v0, v1;
	_ =	sdelay $0x1  }
0x24f: {  	s21 =	simm.s32 $0x0;
	[tilespmem:s12+$0x9180] =	vst v0  }
0x250: {  	[hbm4b:s24+s21] =	stream.linear.scatter [tilespmem:s10], [sflag:$0x1], $0x6000, $0x38;
	[tilespmem:$0xF180] =	vst v63  }
0x251: {  	_ =	swait.ge [sflag:s9], $0x6000  }
0x252: {  	[sflag:s9] =	ssyncset.done $0x0  }
0x253: {  	[sflag:s9] =	ssyncadd.s32 $0xFFFFA000  }
0x254: {  	[tilespmem:s10], [sflag:$0x1] =	stream.linear.gather [hbm4b:s25+s21], $0x6000, $0x38;
	[tilespmem:$0xF180] =	vst v63  }
0x255: {  	_ =	swait.ge [sflag:s9], $0x6000  }
0x256: {  	[sflag:s9] =	ssyncset.done $0x0  }
0x257: {  	s12 =	simm.s32 $0x0;
	[sflag:s9] =	ssyncadd.s32 $0xFFFFA000  }
0x258: {  	s13 =	simm.s32 $0x40;
	v0 =	vld [tilespmem:s12+$0x3180]  }
.LBB2_62:
0x259: {  	p0 =	sne.s32 s13, $0x17FC0;
	v1 =	vld [tilespmem:s12+$0x9180];
	_ =	sdelay $0x2  }
.Ltmp30:
0x25a: {  	(pc) =	sbr.rel @p0 .LBB2_62-.Ltmp30, $4  }
0x25b: {  	_ = 	snop  }
0x25c: {  	v1 =	vadd.f32 v0, v1  }
0x25d: {  	s14 =	sshra.s32 s13, $0x2  }
0x25e: {  	s13 =	sadd.s32 $0x40, s13;
	v0 =	vld [tilespmem:s14+$0x3180];
	[tilespmem:s12+$0x9180] =	vst v1;
	s12 =	smov.u32 s14  }
0x25f: {  	v1 =	vld [tilespmem:s12+$0x9180];
	_ =	sdelay $0x4  }
0x260: {  	v0 =	vadd.f32 v0, v1;
	_ =	sdelay $0x1  }
0x261: {  	s21 =	simm.s32 $0x0;
	[tilespmem:s12+$0x9180] =	vst v0  }
0x262: {  	[hbm4b:s26+s21] =	stream.linear.scatter [tilespmem:s10], [sflag:$0x1], $0x6000, $0x38;
	[tilespmem:$0xF180] =	vst v63  }
0x263: {  	_ =	swait.ge [sflag:s9], $0x6000  }
0x264: {  	[sflag:s9] =	ssyncset.done $0x0  }
0x265: {  	[sflag:s9] =	ssyncadd.s32 $0xFFFFA000  }
0x266: {  	[tilespmem:s10], [sflag:$0x1] =	stream.linear.gather [hbm4b:s28+s21], $0x6000, $0x38;
	[tilespmem:$0xF180] =	vst v63  }
0x267: {  	_ =	swait.ge [sflag:s9], $0x6000  }
0x268: {  	[sflag:s9] =	ssyncset.done $0x0  }
0x269: {  	s12 =	simm.s32 $0x0;
	[sflag:s9] =	ssyncadd.s32 $0xFFFFA000  }
0x26a: {  	s13 =	simm.s32 $0x40;
	v0 =	vld [tilespmem:s12+$0x3180]  }
.LBB2_64:
0x26b: {  	p0 =	sne.s32 s13, $0x17FC0;
	v1 =	vld [tilespmem:s12+$0x9180];
	_ =	sdelay $0x2  }
.Ltmp31:
0x26c: {  	(pc) =	sbr.rel @p0 .LBB2_64-.Ltmp31, $4  }
0x26d: {  	_ = 	snop  }
0x26e: {  	v1 =	vadd.f32 v0, v1  }
0x26f: {  	s14 =	sshra.s32 s13, $0x2  }
0x270: {  	s13 =	sadd.s32 $0x40, s13;
	v0 =	vld [tilespmem:s14+$0x3180];
	[tilespmem:s12+$0x9180] =	vst v1;
	s12 =	smov.u32 s14  }
0x271: {  	v1 =	vld [tilespmem:s12+$0x9180];
	_ =	sdelay $0x4  }
0x272: {  	v0 =	vadd.f32 v0, v1;
	_ =	sdelay $0x1  }
0x273: {  	s21 =	simm.s32 $0x0;
	[tilespmem:s12+$0x9180] =	vst v0  }
0x274: {  	[hbm4b:s29+s21] =	stream.linear.scatter [tilespmem:s10], [sflag:$0x1], $0x6000, $0x38;
	[tilespmem:$0xF180] =	vst v63  }
0x275: {  	_ =	swait.ge [sflag:s9], $0x6000  }
0x276: {  	[sflag:s9] =	ssyncset.done $0x0  }
0x277: {  	[sflag:s9] =	ssyncadd.s32 $0xFFFFA000  }
0x278: {  	[tilespmem:s10], [sflag:$0x1] =	stream.linear.gather [hbm4b:s30+s21], $0x6000, $0x38;
	[tilespmem:$0xF180] =	vst v63  }
0x279: {  	_ =	swait.ge [sflag:s9], $0x6000  }
0x27a: {  	[sflag:s9] =	ssyncset.done $0x0  }
0x27b: {  	s12 =	simm.s32 $0x0;
	[sflag:s9] =	ssyncadd.s32 $0xFFFFA000  }
0x27c: {  	s13 =	simm.s32 $0x40;
	v0 =	vld [tilespmem:s12+$0x3180]  }
.LBB2_66:
0x27d: {  	p0 =	sne.s32 s13, $0x17FC0;
	v1 =	vld [tilespmem:s12+$0x9180];
	_ =	sdelay $0x2  }
.Ltmp32:
0x27e: {  	(pc) =	sbr.rel @p0 .LBB2_66-.Ltmp32, $4  }
0x27f: {  	_ = 	snop  }
0x280: {  	v1 =	vadd.f32 v0, v1  }
0x281: {  	s14 =	sshra.s32 s13, $0x2  }
0x282: {  	s13 =	sadd.s32 $0x40, s13;
	v0 =	vld [tilespmem:s14+$0x3180];
	[tilespmem:s12+$0x9180] =	vst v1;
	s12 =	smov.u32 s14  }
0x283: {  	v1 =	vld [tilespmem:s12+$0x9180];
	_ =	sdelay $0x4  }
0x284: {  	v0 =	vadd.f32 v0, v1;
	_ =	sdelay $0x1  }
0x285: {  	s21 =	simm.s32 $0x0;
	[tilespmem:s12+$0x9180] =	vst v0  }
0x286: {  	[hbm4b:s31+s21] =	stream.linear.scatter [tilespmem:s10], [sflag:$0x1], $0x6000, $0x38;
	[tilespmem:$0xF180] =	vst v63  }
0x287: {  	_ =	swait.ge [sflag:s9], $0x6000  }
0x288: {  	[sflag:s9] =	ssyncset.done $0x0  }
0x289: {  	[sflag:s9] =	ssyncadd.s32 $0xFFFFA000  }
0x28a: {  	[tilespmem:s10], [sflag:$0x1] =	stream.linear.gather [hbm4b:s3+s21], $0x6000, $0x38;
	[tilespmem:$0xF180] =	vst v63  }
0x28b: {  	_ =	swait.ge [sflag:s9], $0x6000  }
0x28c: {  	[sflag:s9] =	ssyncset.done $0x0  }
0x28d: {  	s12 =	simm.s32 $0x0;
	[sflag:s9] =	ssyncadd.s32 $0xFFFFA000  }
0x28e: {  	s13 =	simm.s32 $0x40;
	v0 =	vld [tilespmem:s12+$0x3180]  }
.LBB2_68:
0x28f: {  	p0 =	sne.s32 s13, $0x17FC0;
	v1 =	vld [tilespmem:s12+$0x9180];
	_ =	sdelay $0x2  }
.Ltmp33:
0x290: {  	(pc) =	sbr.rel @p0 .LBB2_68-.Ltmp33, $4  }
0x291: {  	_ = 	snop  }
0x292: {  	v1 =	vadd.f32 v0, v1  }
0x293: {  	s14 =	sshra.s32 s13, $0x2  }
0x294: {  	s13 =	sadd.s32 $0x40, s13;
	v0 =	vld [tilespmem:s14+$0x3180];
	[tilespmem:s12+$0x9180] =	vst v1;
	s12 =	smov.u32 s14  }
0x295: {  	v1 =	vld [tilespmem:s12+$0x9180];
	_ =	sdelay $0x4  }
0x296: {  	v0 =	vadd.f32 v0, v1;
	_ =	sdelay $0x1  }
0x297: {  	s21 =	simm.s32 $0x0;
	[tilespmem:s12+$0x9180] =	vst v0  }
0x298: {  	[hbm4b:s4+s21] =	stream.linear.scatter [tilespmem:s10], [sflag:$0x1], $0x6000, $0x38;
	[tilespmem:$0xF180] =	vst v63  }
0x299: {  	_ =	swait.ge [sflag:s9], $0x6000  }
0x29a: {  	[sflag:s9] =	ssyncset.done $0x0  }
0x29b: {  	[sflag:s9] =	ssyncadd.s32 $0xFFFFA000  }
0x29c: {  	[tilespmem:s10], [sflag:$0x1] =	stream.linear.gather [hbm4b:s5+s21], $0x6000, $0x38;
	[tilespmem:$0xF180] =	vst v63  }
0x29d: {  	_ =	swait.ge [sflag:s9], $0x6000  }
0x29e: {  	[sflag:s9] =	ssyncset.done $0x0  }
0x29f: {  	s12 =	simm.s32 $0x0;
	[sflag:s9] =	ssyncadd.s32 $0xFFFFA000  }
0x2a0: {  	s13 =	simm.s32 $0x40;
	v0 =	vld [tilespmem:s12+$0x3180]  }
.LBB2_70:
0x2a1: {  	p0 =	sne.s32 s13, $0x17FC0;
	v1 =	vld [tilespmem:s12+$0x9180];
	_ =	sdelay $0x2  }
.Ltmp34:
0x2a2: {  	(pc) =	sbr.rel @p0 .LBB2_70-.Ltmp34, $4  }
0x2a3: {  	_ = 	snop  }
0x2a4: {  	v1 =	vadd.f32 v0, v1  }
0x2a5: {  	s14 =	sshra.s32 s13, $0x2  }
0x2a6: {  	s13 =	sadd.s32 $0x40, s13;
	v0 =	vld [tilespmem:s14+$0x3180];
	[tilespmem:s12+$0x9180] =	vst v1;
	s12 =	smov.u32 s14  }
0x2a7: {  	v1 =	vld [tilespmem:s12+$0x9180];
	_ =	sdelay $0x4  }
0x2a8: {  	s11 =	sadd.s32 $0x1, s11;
	v0 =	vadd.f32 v0, v1  }
0x2a9: {  	p0 =	sne.s32 s11, s8  }
.Ltmp35:
0x2aa: {  	[tilespmem:s12+$0x9180] =	vst v0;
	(pc) =	sbr.rel @p0 .LBB2_1-.Ltmp35, $4  }
0x2ab: {  	[hbm4b:s6+s1] =	stream.linear.scatter [tilespmem:s10], [sflag:$0x1], $0x6000, $0x38;
	[tilespmem:$0xF180] =	vst v63  }
0x2ac: {  	_ =	swait.ge [sflag:s9], $0x6000  }
0x2ad: {  	[sflag:s9] =	ssyncset.done $0x0  }
0x2ae: {  	[sflag:s9] =	ssyncadd.s32 $0xFFFFA000  }
0x2af: {  	_ =	sfence.sel $0x180000  }
0x2b0: {  	[bflag:$0x0] =	sbarrier.arrive $0xFFFF  }
0x2b1: {  	_ =	strace $0x90000047  }
0x2b2: {  	s0 =	stileid.u32;
	[bflag:$0x2] =	sbarrier.arrive $0xFFFF  }
0x2b3: {  	p0 =	sne.s32 s0, $0x0;
	s0 =	rddreg [dreg:$0x3]  }
0x2b4: {  	s0 =	sadd.s32 @!p0 $0x100000, s0  }
0x2b5: {  	[sflag:s0] =	ssyncadd.tile.s32 @!p0 $0x1;
	_ =	shalt  }
.Lfunc_end2:
_tile_overlayer_lowered:
.L_overlay_start_2:
0x2b6: {  	(tag) =	ssettag $0x2  }
0x2b7: {  	s0 =	rddreg [dreg:$0x0];
	s2 =	stileid.u32  }
0x2b8: {  	s1 =	rddreg [dreg:$0x1];
	p0 =	sne.s32 s2, $0x0  }
0x2b9: {  	s3 =	rddreg [dreg:$0x2];
	[bflag:$0x3] =	sbarrier.arrive $0xFFFF;
	s2 =	simm.s32 @!p0 $0x1C01  }
0x2ba: {  	[timem:s3], [sflag:s2] =	dma.local @!p0 [hbm:s0], s1  }
0x2bb: {  	s0 =	simm.s32 @!p0 $0x1  }
0x2bc: {  	_ =	swait.ge @!p0 [sflag:s0], s1  }
0x2bd: {  	s1 =	ssub.s32 @!p0 $0x0, s1;
	[sflag:s0] =	ssyncset.done @!p0 $0x0  }
0x2be: {  	[sflag:s0] =	ssyncadd.s32 @!p0 s1  }
0x2bf: {  	[bflag:$0x3] =	sbarrier.arrive $0xFFFF  }
0x2c0: {  	_ =	shalt  }

</sc_bundles>
